<compile_context>
chip_gen: v7x
topology: tpu7x:2x2x1
jax: 0.10.2.dev20260603
libtpu: 0.0.44.dev20260713+nightly
codegen_flags: <defaults>
</compile_context>

<pallas_src>
import functools

import jax
import jax.numpy as jnp
from jax import lax
from jax.experimental import pallas as pl
from jax.experimental.pallas import tpu as pltpu
from jax.experimental.pallas import tpu_sc as plsc

P = 128
NC = 2
NS = 16
NW = NC * NS
CH = 128


def _relu(v):
    return jnp.maximum(v, 0.0)


def _dot(a, b):
    return lax.dot_general(a, b, (((1,), (0,)), ((), ())),
                           preferred_element_type=jnp.float32,
                           precision=lax.Precision.HIGHEST)


def _chunk_split(E):
    assert E % CH == 0
    NCHUNK = E // CH
    F = NCHUNK // NW
    R = NCHUNK - F * NW
    return F, R


@functools.lru_cache(maxsize=None)
def _build_sc_deg(E, ND):
    F, R = _chunk_split(E)
    ZL = ND // NS
    assert ZL % 128 == 0

    mesh = plsc.VectorSubcoreMesh(core_axis_name="c", subcore_axis_name="s")

    @functools.partial(
        pl.kernel,
        out_type=(
            jax.ShapeDtypeStruct((NC, 1, ND), jnp.float32),
            jax.ShapeDtypeStruct((NC, 1, ND), jnp.float32),
        ),
        mesh=mesh,
        scratch_types=[
            pltpu.VMEM_SHARED((ND,), jnp.float32),
            pltpu.VMEM_SHARED((ND,), jnp.float32),
            pltpu.VMEM((ZL,), jnp.float32),
            pltpu.VMEM((CH,), jnp.float32),
            pltpu.VMEM((2, CH), jnp.int32),
        ],
    )
    def deg_kernel(ew_hbm, src_hbm, dst_hbm, outi_hbm, outo_hbm,
                   acc_i, acc_o, zb, ewb, sib):
        cid = lax.axis_index("c")
        sid = lax.axis_index("s")
        wid = cid * NS + sid
        z16 = jnp.zeros((16,), jnp.float32)

        def zfill(i, carry):
            zb[pl.ds(i * 16, 16)] = z16
            return carry
        lax.fori_loop(0, ZL // 16, zfill, None)
        off0 = pl.multiple_of(sid * ZL, 128)
        pltpu.sync_copy(zb, acc_i.at[pl.ds(off0, ZL)])
        pltpu.sync_copy(zb, acc_o.at[pl.ds(off0, ZL)])
        plsc.subcore_barrier()

        def chunk(j):
            off = pl.multiple_of((wid + j * NW) * CH, 128)
            pltpu.sync_copy(ew_hbm.at[pl.ds(off, CH)], ewb)
            pltpu.sync_copy(dst_hbm.at[pl.ds(off, CH)], sib.at[0])
            pltpu.sync_copy(src_hbm.at[pl.ds(off, CH)], sib.at[1])
            pltpu.sync_copy(ewb, acc_i.at[sib.at[0]], add=True)
            pltpu.sync_copy(ewb, acc_o.at[sib.at[1]], add=True)

        def body(j, carry):
            chunk(j)
            return carry
        lax.fori_loop(0, F, body, None)
        if R:
            @pl.when(wid < R)
            def _extra():
                chunk(F)
        plsc.subcore_barrier()
        pltpu.sync_copy(acc_i.at[pl.ds(off0, ZL)],
                        outi_hbm.at[cid, 0, pl.ds(off0, ZL)])
        pltpu.sync_copy(acc_o.at[pl.ds(off0, ZL)],
                        outo_hbm.at[cid, 0, pl.ds(off0, ZL)])

    return deg_kernel


@functools.lru_cache(maxsize=None)
def _build_sc_agg(E, NP_):
    F, R = _chunk_split(E)
    RT = NP_ // NS
    ZR = 128
    assert NP_ % (NS * ZR) == 0

    mesh = plsc.VectorSubcoreMesh(core_axis_name="c", subcore_axis_name="s")

    @functools.partial(
        pl.kernel,
        out_type=jax.ShapeDtypeStruct((NC, 2, NP_, P), jnp.float32),
        mesh=mesh,
        scratch_types=[
            pltpu.VMEM_SHARED((NP_, P), jnp.float32),
            pltpu.VMEM((ZR, P), jnp.float32),
            pltpu.VMEM((CH,), jnp.int32),
            pltpu.VMEM((1, CH), jnp.int32),
            pltpu.VMEM((CH, P), jnp.float32),
            pltpu.SemaphoreType.DMA,
        ],
    )
    def agg_kernel(mu_hbm, src_hbm, dst_hbm, out_hbm, acc, zb, gib, sib, rows,
                   sem):
        cid = lax.axis_index("c")
        sid = lax.axis_index("s")
        wid = cid * NS + sid
        z16 = jnp.zeros((16,), jnp.float32)

        def zfill(i, carry):
            for j in range(P // 16):
                zb[i, pl.ds(j * 16, 16)] = z16
            return carry
        lax.fori_loop(0, ZR, zfill, None)

        row0 = pl.multiple_of(sid * RT, 128)
        for d in range(2):
            g_hbm = src_hbm if d == 0 else dst_hbm
            s_hbm = dst_hbm if d == 0 else src_hbm
            for k in range(RT // ZR):
                pltpu.sync_copy(zb, acc.at[pl.ds(row0 + k * ZR, ZR)])
            plsc.subcore_barrier()

            def chunk(j):
                off = pl.multiple_of((wid + j * NW) * CH, 128)
                pltpu.sync_copy(g_hbm.at[pl.ds(off, CH)], gib)
                pltpu.sync_copy(s_hbm.at[pl.ds(off, CH)], sib.at[0])
                pltpu.async_copy(mu_hbm.at[gib], rows, sem).wait()
                pltpu.sync_copy(rows, acc.at[sib.at[0]], add=True)

            def body(j, carry):
                chunk(j)
                return carry
            lax.fori_loop(0, F, body, None)
            if R:
                @pl.when(wid < R)
                def _extra():
                    chunk(F)
            plsc.subcore_barrier()
            pltpu.sync_copy(acc.at[pl.ds(row0, RT)],
                            out_hbm.at[cid, d, pl.ds(row0, RT)])
            plsc.subcore_barrier()

    return agg_kernel


def _fold_call(W1r, W4r, W2T, W3T, Wc1aT, Wc1bT, Wc1cT):
    T_ = W1r.shape[0]

    def body(W1r_ref, W4r_ref, W2T_ref, W3T_ref, a_ref, b_ref, c_ref,
             u1_ref, u3_ref, M2T_ref):
        for t in range(T_):
            u1_ref[t] = _dot(W1r_ref[t], a_ref[t])
            r4 = _relu(W4r_ref[t])
            u3_ref[t] = _dot(_dot(r4, W3T_ref[t]), c_ref[t])
            M2T_ref[t] = _dot(W2T_ref[t], b_ref[t])

    return pl.pallas_call(
        body,
        out_shape=(
            jax.ShapeDtypeStruct((T_, 1, P), jnp.float32),
            jax.ShapeDtypeStruct((T_, 1, P), jnp.float32),
            jax.ShapeDtypeStruct((T_, P, P), jnp.float32),
        ),
    )(W1r, W4r, W2T, W3T, Wc1aT, Wc1bT, Wc1cT)


def _wspec(shape):
    nd = len(shape)
    return pl.BlockSpec(shape, lambda i, _nd=nd: (0,) * _nd)


def _tc0_call(x, dip, dop, u1, u3, Wc2T, WcAT, WcBT, B):
    N = x.shape[0]

    def body(x_ref, dip_ref, dop_ref, u1_ref, u3_ref, Wc2T_ref, WcAT_ref,
             WcBT_ref, mu_ref):
        xb = x_ref[...]
        u1v = u1_ref[...]
        u3v = u3_ref[...]
        hi = xb * u1v + (dip_ref[0] + dip_ref[1]) * u3v
        mi = _relu(_dot(_relu(hi), Wc2T_ref[...]))
        ho = xb * u1v + (dop_ref[0] + dop_ref[1]) * u3v
        mo = _relu(_dot(_relu(ho), Wc2T_ref[...]))
        mu_ref[...] = _relu(_dot(mi, WcAT_ref[...]) + _dot(mo, WcBT_ref[...]))

    return pl.pallas_call(
        body,
        grid=(N // B,),
        in_specs=[
            pl.BlockSpec((B, 1), lambda i: (i, 0)),
            pl.BlockSpec((NC, B, 1), lambda i: (0, i, 0)),
            pl.BlockSpec((NC, B, 1), lambda i: (0, i, 0)),
            _wspec((1, P)), _wspec((1, P)), _wspec((P, P)),
            _wspec((P, P)), _wspec((P, P)),
        ],
        out_specs=pl.BlockSpec((B, P), lambda i: (i, 0)),
        out_shape=jax.ShapeDtypeStruct((N, P), jnp.float32),
        compiler_params=pltpu.CompilerParams(
            dimension_semantics=("arbitrary",)),
    )(x, dip, dop, u1, u3, Wc2T, WcAT, WcBT)


def _tc_step_call(x, dip, dop, aggp, u1, u3, M2T, Wc2T, WcAT, WcBT, B):
    N = x.shape[0]

    def body(x_ref, dip_ref, dop_ref, aggp_ref, u1_ref, u3_ref, M2T_ref,
             Wc2T_ref, WcAT_ref, WcBT_ref, mu_ref, pool_ref):
        xb = x_ref[...]
        u1v = u1_ref[...]
        u3v = u3_ref[...]
        m2 = M2T_ref[...]
        hi = xb * u1v + (dip_ref[0] + dip_ref[1]) * u3v \
            + _dot(aggp_ref[0, 0] + aggp_ref[1, 0], m2)
        mi = _relu(_dot(_relu(hi), Wc2T_ref[...]))
        ho = xb * u1v + (dop_ref[0] + dop_ref[1]) * u3v \
            + _dot(aggp_ref[0, 1] + aggp_ref[1, 1], m2)
        mo = _relu(_dot(_relu(ho), Wc2T_ref[...]))
        mu_blk = _relu(_dot(mi, WcAT_ref[...]) + _dot(mo, WcBT_ref[...]))
        mu_ref[...] = mu_blk

        @pl.when(pl.program_id(0) == 0)
        def _init():
            pool_ref[...] = jnp.zeros((1, P), jnp.float32)
        pool_ref[...] += jnp.sum(mu_blk, axis=0, keepdims=True)

    return pl.pallas_call(
        body,
        grid=(N // B,),
        in_specs=[
            pl.BlockSpec((B, 1), lambda i: (i, 0)),
            pl.BlockSpec((NC, B, 1), lambda i: (0, i, 0)),
            pl.BlockSpec((NC, B, 1), lambda i: (0, i, 0)),
            pl.BlockSpec((NC, 2, B, P), lambda i: (0, 0, i, 0)),
            _wspec((1, P)), _wspec((1, P)), _wspec((P, P)), _wspec((P, P)),
            _wspec((P, P)), _wspec((P, P)),
        ],
        out_specs=(
            pl.BlockSpec((B, P), lambda i: (i, 0)),
            pl.BlockSpec((1, P), lambda i: (0, 0)),
        ),
        out_shape=(
            jax.ShapeDtypeStruct((N, P), jnp.float32),
            jax.ShapeDtypeStruct((1, P), jnp.float32),
        ),
        compiler_params=pltpu.CompilerParams(
            dimension_semantics=("arbitrary",)),
    )(x, dip, dop, aggp, u1, u3, M2T, Wc2T, WcAT, WcBT)


def _tc_out_call(mu, pool, W7T, w5aT, w5bT, B):
    N = mu.shape[0]

    def body(mu_ref, pool_ref, W7T_ref, w5aT_ref, w5bT_ref, out_ref):
        c = _dot(_relu(pool_ref[...]), w5aT_ref[...])
        tt = _relu(_dot(mu_ref[...], W7T_ref[...]))
        out_ref[...] = _relu(c + _dot(tt, w5bT_ref[...]))

    return pl.pallas_call(
        body,
        grid=(N // B,),
        in_specs=[
            pl.BlockSpec((B, P), lambda i: (i, 0)),
            _wspec((1, P)), _wspec((P, P)), _wspec((P, 1)), _wspec((P, 1)),
        ],
        out_specs=pl.BlockSpec((B, 1), lambda i: (i, 0)),
        out_shape=jax.ShapeDtypeStruct((N, 1), jnp.float32),
        compiler_params=pltpu.CompilerParams(
            dimension_semantics=("arbitrary",)),
    )(mu, pool, W7T, w5aT, w5bT)


def kernel(x, edge_weight, edge_index, W1, W2, W3, W4, Wc1, Wc2, Wcomp, W5, W7):
    N = x.shape[0]
    E = edge_index.shape[1]
    T_ = W1.shape[0]

    ei = edge_index.astype(jnp.int32)
    src = ei[0]
    dst = ei[1]
    ew = edge_weight.reshape(E).astype(jnp.float32)

    W1r = jnp.transpose(W1, (0, 2, 1))
    W4r = jnp.transpose(W4, (0, 2, 1))
    W2T = jnp.transpose(W2, (0, 2, 1))
    W3T = jnp.transpose(W3, (0, 2, 1))
    Wc1T = jnp.transpose(Wc1, (0, 2, 1))
    u1, u3, M2T = _fold_call(W1r, W4r, W2T, W3T,
                             Wc1T[:, 0 * P:1 * P, :],
                             Wc1T[:, 1 * P:2 * P, :],
                             Wc1T[:, 2 * P:3 * P, :])
    Wc2T = jnp.transpose(Wc2, (0, 2, 1))
    WcAT = Wcomp[:, :P].T
    WcBT = Wcomp[:, P:].T
    W7T = W7.T
    w5aT = W5[:, :P].T
    w5bT = W5[:, P:].T

    ND = ((N + NS * 128 - 1) // (NS * 128)) * (NS * 128)
    degi, dego = _build_sc_deg(E, ND)(ew, src, dst)
    dip = degi[:, 0, :N].reshape(NC, N, 1)
    dop = dego[:, 0, :N].reshape(NC, N, 1)

    B = 1000 if N % 1000 == 0 else N

    mu = _tc0_call(x, dip, dop, u1[0], u3[0], Wc2T[0], WcAT, WcBT, B)
    pool = None
    for t in range(1, T_):
        aggp = _build_sc_agg(E, ND)(mu, src, dst)
        mu, pool = _tc_step_call(x, dip, dop, aggp, u1[t], u3[t], M2T[t],
                                 Wc2T[t], WcAT, WcBT, B)
    out = _tc_out_call(mu, pool, W7T, w5aT, w5bT, B)
    return out.reshape(N)

# --- scband reference (transcript-rebuilt; emitter-appended) ---
"""Pipeline reference for scband-q-s2v-13597866459921 (READ-ONLY COPY).

The authoritative reference and input builder live on the scoring server;
editing this copy changes nothing except your own understanding.
"""

import jax, jax.numpy as jnp
import numpy as np

P = 128
T = 3
N = 10000
E = 320000


def setup_inputs(seed: int = 0) -> dict:
    key = jax.random.key(seed)
    ks = jax.random.split(key, 16)
    x = jax.random.uniform(ks[0], (N, 1), dtype=jnp.float32)
    edge_weight = jax.random.uniform(ks[1], (E, 1), dtype=jnp.float32)
    edge_index = jax.random.randint(ks[2], (2, E), 0, N, dtype=jnp.int64)
    s = 0.05
    # per-s2v-layer weights, stacked along leading T axis (nn.Linear convention: [out, in])
    W1 = jax.random.normal(ks[3], (T, P, 1), dtype=jnp.float32) * s      # theta1
    W2 = jax.random.normal(ks[4], (T, P, P), dtype=jnp.float32) * s      # theta2
    W3 = jax.random.normal(ks[5], (T, P, P), dtype=jnp.float32) * s      # theta3
    W4 = jax.random.normal(ks[6], (T, P, 1), dtype=jnp.float32) * s      # theta4
    Wc1 = jax.random.normal(ks[7], (T, P, 3 * P), dtype=jnp.float32) * s # cat_parts[0]
    Wc2 = jax.random.normal(ks[8], (T, P, P), dtype=jnp.float32) * s     # cat_parts[2]
    Wcomp = jax.random.normal(ks[9], (P, 2 * P), dtype=jnp.float32) * s  # compress
    W5 = jax.random.normal(ks[10], (1, 2 * P), dtype=jnp.float32) * s    # theta5
    W7 = jax.random.normal(ks[11], (P, P), dtype=jnp.float32) * s        # theta7
    return {"x": x, "edge_weight": edge_weight, "edge_index": edge_index,
            "W1": W1, "W2": W2, "W3": W3, "W4": W4, "Wc1": Wc1, "Wc2": Wc2,
            "Wcomp": Wcomp, "W5": W5, "W7": W7}


def _s2v_layer(x, mu, weight, ei, W1, W2, W3, W4, Wc1, Wc2):
    part1 = x @ W1.T
    agg_mu = jax.ops.segment_sum(mu[ei[0]], ei[1], num_segments=N)
    part2 = agg_mu @ W2.T
    w = jax.nn.relu(weight @ W4.T)
    agg_w = jax.ops.segment_sum(w, ei[1], num_segments=N)
    part3 = agg_w @ W3.T
    h = jnp.concatenate([part1, part2, part3], axis=1) @ Wc1.T
    h = jax.nn.relu(h) @ Wc2.T
    return jax.nn.relu(h)


def reference(x, edge_weight, edge_index, W1, W2, W3, W4, Wc1, Wc2, Wcomp, W5, W7):
    mu = jnp.zeros((x.shape[0], P), dtype=x.dtype)
    ei = edge_index
    ei_rev = jnp.stack([ei[1], ei[0]], axis=0)
    for t in range(T):
        mu_in = _s2v_layer(x, mu, edge_weight, ei, W1[t], W2[t], W3[t], W4[t], Wc1[t], Wc2[t])
        mu_out = _s2v_layer(x, mu, edge_weight, ei_rev, W1[t], W2[t], W3[t], W4[t], Wc1[t], Wc2[t])
        mu = jax.nn.relu(jnp.concatenate([mu_in, mu_out], axis=1) @ Wcomp.T)
    # tg.data.Data path of pool_repeat: global sum pool, repeated per node (theta6 unused)
    pool = jnp.sum(mu, axis=0)
    pool_repeat = jnp.broadcast_to(pool[None, :], (x.shape[0], P))
    cat = jax.nn.relu(jnp.concatenate([pool_repeat, mu @ W7.T], axis=1))
    out = jax.nn.relu(jnp.squeeze(cat @ W5.T, axis=-1))
    return out

if __name__ == "__main__":
    import jax
    _d = setup_inputs()
    print(jax.jit(kernel)(*tuple(_d.values())))

</pallas_src>

<mosaic_0001>
#map = affine_map<(d0, d1) -> (0, 0)>
#map1 = affine_map<(d0, d1) -> (0)>
#map2 = affine_map<(d0, d1) -> (0, 0, 0, 0)>
module attributes {stable_mosaic.version = 14 : i64} {
  func.func @agg_kernel(%arg0: i32, %arg1: i32, %arg2: memref<10000x128xf32, #tpu.memory_space<hbm>>, %arg3: memref<320000xi32, #tpu.memory_space<hbm>>, %arg4: memref<320000xi32, #tpu.memory_space<hbm>>, %arg5: memref<2x2x10240x128xf32, #tpu.memory_space<hbm>>, %arg6: memref<10240x128xf32, #tpu.memory_space<vmem_shared>>, %arg7: memref<128x128xf32, #tpu.memory_space<vmem>>, %arg8: memref<128xi32, #tpu.memory_space<vmem>>, %arg9: memref<1x128xi32, #tpu.memory_space<vmem>>, %arg10: memref<128x128xf32, #tpu.memory_space<vmem>>, %arg11: memref<!tpu.dma_semaphore, #tpu.memory_space<semaphore_mem>>) attributes {dimension_semantics = [#tpu.dimension_semantics<core_parallel>, #tpu.dimension_semantics<subcore_parallel>], iteration_bounds = array<i64: 2, 16>, scalar_prefetch = 0 : i64, scratch_operands = 6 : i64, tpu.core_type = #tpu.core_type<sc_vector_subcore>, window_params = [{transform_indices = #map}, {transform_indices = #map1}, {transform_indices = #map1}, {transform_indices = #map2}]} {
    %mul3A = arith.constant 16 : i32
    %mul3A_0 = arith.muli %arg0, %mul3A : i32
    %add3A = arith.addi %mul3A_0, %arg1 : i32
    %broadcast_in_dim3A = arith.constant 0.000000e+00 : f32
    %broadcast_in_dim3A_1 = vector.broadcast %broadcast_in_dim3A : f32 to vector<16xf32>
    %scan3A = arith.constant 0 : i32
    %scan3A_2 = arith.constant 128 : i32
    %scan3A_3 = arith.addi %scan3A, %scan3A_2 : i32
    %scan3A_4 = arith.constant 1 : i32
    scf.for %scan3A_51 = %scan3A to %scan3A_3 step %scan3A_4  : i32 {
      %swap3A = arith.index_cast %scan3A_51 : i32 to index
      %swap3A_52 = arith.constant 0 : index
      %swap3A_53 = tpu.vector_load %arg7[%swap3A, %swap3A_52] {strides = array<i32>} : memref<128x128xf32, #tpu.memory_space<vmem>>, vector<1x16xf32>,
      %swap3A_54 = vector.shape_cast %swap3A_53 : vector<1x16xf32> to vector<16xf32>
      %swap3A_55 = vector.shape_cast %broadcast_in_dim3A_1 : vector<16xf32> to vector<1x16xf32>
      tpu.vector_store %arg7[%swap3A, %swap3A_52], %swap3A_55 {strides = array<i32>} : memref<128x128xf32, #tpu.memory_space<vmem>>, vector<1x16xf32>,
      %swap3A_56 = arith.index_cast %scan3A_51 : i32 to index
      %swap3A_57 = arith.constant 16 : index
      %swap3A_58 = tpu.vector_load %arg7[%swap3A_56, %swap3A_57] {strides = array<i32>} : memref<128x128xf32, #tpu.memory_space<vmem>>, vector<1x16xf32>,
      %swap3A_59 = vector.shape_cast %swap3A_58 : vector<1x16xf32> to vector<16xf32>
      %swap3A_60 = vector.shape_cast %broadcast_in_dim3A_1 : vector<16xf32> to vector<1x16xf32>
      tpu.vector_store %arg7[%swap3A_56, %swap3A_57], %swap3A_60 {strides = array<i32>} : memref<128x128xf32, #tpu.memory_space<vmem>>, vector<1x16xf32>,
      %swap3A_61 = arith.index_cast %scan3A_51 : i32 to index
      %swap3A_62 = arith.constant 32 : index
      %swap3A_63 = tpu.vector_load %arg7[%swap3A_61, %swap3A_62] {strides = array<i32>} : memref<128x128xf32, #tpu.memory_space<vmem>>, vector<1x16xf32>,
      %swap3A_64 = vector.shape_cast %swap3A_63 : vector<1x16xf32> to vector<16xf32>
      %swap3A_65 = vector.shape_cast %broadcast_in_dim3A_1 : vector<16xf32> to vector<1x16xf32>
      tpu.vector_store %arg7[%swap3A_61, %swap3A_62], %swap3A_65 {strides = array<i32>} : memref<128x128xf32, #tpu.memory_space<vmem>>, vector<1x16xf32>,
      %swap3A_66 = arith.index_cast %scan3A_51 : i32 to index
      %swap3A_67 = arith.constant 48 : index
      %swap3A_68 = tpu.vector_load %arg7[%swap3A_66, %swap3A_67] {strides = array<i32>} : memref<128x128xf32, #tpu.memory_space<vmem>>, vector<1x16xf32>,
      %swap3A_69 = vector.shape_cast %swap3A_68 : vector<1x16xf32> to vector<16xf32>
      %swap3A_70 = vector.shape_cast %broadcast_in_dim3A_1 : vector<16xf32> to vector<1x16xf32>
      tpu.vector_store %arg7[%swap3A_66, %swap3A_67], %swap3A_70 {strides = array<i32>} : memref<128x128xf32, #tpu.memory_space<vmem>>, vector<1x16xf32>,
      %swap3A_71 = arith.index_cast %scan3A_51 : i32 to index
      %swap3A_72 = arith.constant 64 : index
      %swap3A_73 = tpu.vector_load %arg7[%swap3A_71, %swap3A_72] {strides = array<i32>} : memref<128x128xf32, #tpu.memory_space<vmem>>, vector<1x16xf32>,
      %swap3A_74 = vector.shape_cast %swap3A_73 : vector<1x16xf32> to vector<16xf32>
      %swap3A_75 = vector.shape_cast %broadcast_in_dim3A_1 : vector<16xf32> to vector<1x16xf32>
      tpu.vector_store %arg7[%swap3A_71, %swap3A_72], %swap3A_75 {strides = array<i32>} : memref<128x128xf32, #tpu.memory_space<vmem>>, vector<1x16xf32>,
      %swap3A_76 = arith.index_cast %scan3A_51 : i32 to index
      %swap3A_77 = arith.constant 80 : index
      %swap3A_78 = tpu.vector_load %arg7[%swap3A_76, %swap3A_77] {strides = array<i32>} : memref<128x128xf32, #tpu.memory_space<vmem>>, vector<1x16xf32>,
      %swap3A_79 = vector.shape_cast %swap3A_78 : vector<1x16xf32> to vector<16xf32>
      %swap3A_80 = vector.shape_cast %broadcast_in_dim3A_1 : vector<16xf32> to vector<1x16xf32>
      tpu.vector_store %arg7[%swap3A_76, %swap3A_77], %swap3A_80 {strides = array<i32>} : memref<128x128xf32, #tpu.memory_space<vmem>>, vector<1x16xf32>,
      %swap3A_81 = arith.index_cast %scan3A_51 : i32 to index
      %swap3A_82 = arith.constant 96 : index
      %swap3A_83 = tpu.vector_load %arg7[%swap3A_81, %swap3A_82] {strides = array<i32>} : memref<128x128xf32, #tpu.memory_space<vmem>>, vector<1x16xf32>,
      %swap3A_84 = vector.shape_cast %swap3A_83 : vector<1x16xf32> to vector<16xf32>
      %swap3A_85 = vector.shape_cast %broadcast_in_dim3A_1 : vector<16xf32> to vector<1x16xf32>
      tpu.vector_store %arg7[%swap3A_81, %swap3A_82], %swap3A_85 {strides = array<i32>} : memref<128x128xf32, #tpu.memory_space<vmem>>, vector<1x16xf32>,
      %swap3A_86 = arith.index_cast %scan3A_51 : i32 to index
      %swap3A_87 = arith.constant 112 : index
      %swap3A_88 = tpu.vector_load %arg7[%swap3A_86, %swap3A_87] {strides = array<i32>} : memref<128x128xf32, #tpu.memory_space<vmem>>, vector<1x16xf32>,
      %swap3A_89 = vector.shape_cast %swap3A_88 : vector<1x16xf32> to vector<16xf32>
      %swap3A_90 = vector.shape_cast %broadcast_in_dim3A_1 : vector<16xf32> to vector<1x16xf32>
      tpu.vector_store %arg7[%swap3A_86, %swap3A_87], %swap3A_90 {strides = array<i32>} : memref<128x128xf32, #tpu.memory_space<vmem>>, vector<1x16xf32>,
    }
    %scan3A_5 = arith.constant 128 : i32
    %mul3A_6 = arith.constant 640 : i32
    %mul3A_7 = arith.muli %arg1, %mul3A_6 : i32
    %multiple_of3A = tpu.assume_multiple %mul3A_7, 128 : i32
    %add3A_8 = arith.constant 0 : i32
    %add3A_9 = arith.addi %multiple_of3A, %add3A_8 : i32
    "tpu.region"() ({
      %run_scoped3A_51 = tpu.sem_alloc : memref<!tpu.dma_semaphore, #tpu.memory_space<semaphore_mem>>
      %dma_start3A = arith.constant 0 : i32
      %dma_start3A_52 = tpu.memref_slice %arg6[%add3A_9, %dma_start3A] : memref<10240x128xf32, #tpu.memory_space<vmem_shared>> -> memref<128x128xf32, #tpu.memory_space<vmem_shared>>
      %dma_start3A_53 = arith.constant 0 : i32
      %dma_start3A_54 = tpu.memref_slice %arg6[%add3A_9, %dma_start3A_53] : memref<10240x128xf32, #tpu.memory_space<vmem_shared>> -> memref<128x128xf32, #tpu.memory_space<vmem_shared>>
      tpu.enqueue_dma source(%arg7 : memref<128x128xf32, #tpu.memory_space<vmem>>) target(%dma_start3A_54 : memref<128x128xf32, #tpu.memory_space<vmem_shared>>) target_semaphore(%run_scoped3A_51 : memref<!tpu.dma_semaphore, #tpu.memory_space<semaphore_mem>>)
      %dma_wait3A = arith.constant 0 : i32
      %dma_wait3A_55 = tpu.memref_slice %arg6[%add3A_9, %dma_wait3A] : memref<10240x128xf32, #tpu.memory_space<vmem_shared>> -> memref<128x128xf32, #tpu.memory_space<vmem_shared>>
      %dma_wait3A_56 = arith.constant 0 : i32
      %dma_wait3A_57 = tpu.memref_slice %arg6[%add3A_9, %dma_wait3A_56] : memref<10240x128xf32, #tpu.memory_space<vmem_shared>> -> memref<128x128xf32, #tpu.memory_space<vmem_shared>>
      tpu.wait_dma2 semaphore(%run_scoped3A_51 : memref<!tpu.dma_semaphore, #tpu.memory_space<semaphore_mem>>) src(%arg7 : memref<128x128xf32, #tpu.memory_space<vmem>>) dst(%dma_wait3A_57 : memref<128x128xf32, #tpu.memory_space<vmem_shared>>)
      tpu.yield
    }) : () -> ()
    %add3A_10 = arith.constant 128 : i32
    %add3A_11 = arith.addi %multiple_of3A, %add3A_10 : i32
    "tpu.region"() ({
      %run_scoped3A_51 = tpu.sem_alloc : memref<!tpu.dma_semaphore, #tpu.memory_space<semaphore_mem>>
      %dma_start3A = arith.constant 0 : i32
      %dma_start3A_52 = tpu.memref_slice %arg6[%add3A_11, %dma_start3A] : memref<10240x128xf32, #tpu.memory_space<vmem_shared>> -> memref<128x128xf32, #tpu.memory_space<vmem_shared>>
      %dma_start3A_53 = arith.constant 0 : i32
      %dma_start3A_54 = tpu.memref_slice %arg6[%add3A_11, %dma_start3A_53] : memref<10240x128xf32, #tpu.memory_space<vmem_shared>> -> memref<128x128xf32, #tpu.memory_space<vmem_shared>>
      tpu.enqueue_dma source(%arg7 : memref<128x128xf32, #tpu.memory_space<vmem>>) target(%dma_start3A_54 : memref<128x128xf32, #tpu.memory_space<vmem_shared>>) target_semaphore(%run_scoped3A_51 : memref<!tpu.dma_semaphore, #tpu.memory_space<semaphore_mem>>)
      %dma_wait3A = arith.constant 0 : i32
      %dma_wait3A_55 = tpu.memref_slice %arg6[%add3A_11, %dma_wait3A] : memref<10240x128xf32, #tpu.memory_space<vmem_shared>> -> memref<128x128xf32, #tpu.memory_space<vmem_shared>>
      %dma_wait3A_56 = arith.constant 0 : i32
      %dma_wait3A_57 = tpu.memref_slice %arg6[%add3A_11, %dma_wait3A_56] : memref<10240x128xf32, #tpu.memory_space<vmem_shared>> -> memref<128x128xf32, #tpu.memory_space<vmem_shared>>
      tpu.wait_dma2 semaphore(%run_scoped3A_51 : memref<!tpu.dma_semaphore, #tpu.memory_space<semaphore_mem>>) src(%arg7 : memref<128x128xf32, #tpu.memory_space<vmem>>) dst(%dma_wait3A_57 : memref<128x128xf32, #tpu.memory_space<vmem_shared>>)
      tpu.yield
    }) : () -> ()
    %add3A_12 = arith.constant 256 : i32
    %add3A_13 = arith.addi %multiple_of3A, %add3A_12 : i32
    "tpu.region"() ({
      %run_scoped3A_51 = tpu.sem_alloc : memref<!tpu.dma_semaphore, #tpu.memory_space<semaphore_mem>>
      %dma_start3A = arith.constant 0 : i32
      %dma_start3A_52 = tpu.memref_slice %arg6[%add3A_13, %dma_start3A] : memref<10240x128xf32, #tpu.memory_space<vmem_shared>> -> memref<128x128xf32, #tpu.memory_space<vmem_shared>>
      %dma_start3A_53 = arith.constant 0 : i32
      %dma_start3A_54 = tpu.memref_slice %arg6[%add3A_13, %dma_start3A_53] : memref<10240x128xf32, #tpu.memory_space<vmem_shared>> -> memref<128x128xf32, #tpu.memory_space<vmem_shared>>
      tpu.enqueue_dma source(%arg7 : memref<128x128xf32, #tpu.memory_space<vmem>>) target(%dma_start3A_54 : memref<128x128xf32, #tpu.memory_space<vmem_shared>>) target_semaphore(%run_scoped3A_51 : memref<!tpu.dma_semaphore, #tpu.memory_space<semaphore_mem>>)
      %dma_wait3A = arith.constant 0 : i32
      %dma_wait3A_55 = tpu.memref_slice %arg6[%add3A_13, %dma_wait3A] : memref<10240x128xf32, #tpu.memory_space<vmem_shared>> -> memref<128x128xf32, #tpu.memory_space<vmem_shared>>
      %dma_wait3A_56 = arith.constant 0 : i32
      %dma_wait3A_57 = tpu.memref_slice %arg6[%add3A_13, %dma_wait3A_56] : memref<10240x128xf32, #tpu.memory_space<vmem_shared>> -> memref<128x128xf32, #tpu.memory_space<vmem_shared>>
      tpu.wait_dma2 semaphore(%run_scoped3A_51 : memref<!tpu.dma_semaphore, #tpu.memory_space<semaphore_mem>>) src(%arg7 : memref<128x128xf32, #tpu.memory_space<vmem>>) dst(%dma_wait3A_57 : memref<128x128xf32, #tpu.memory_space<vmem_shared>>)
      tpu.yield
    }) : () -> ()
    %add3A_14 = arith.constant 384 : i32
    %add3A_15 = arith.addi %multiple_of3A, %add3A_14 : i32
    "tpu.region"() ({
      %run_scoped3A_51 = tpu.sem_alloc : memref<!tpu.dma_semaphore, #tpu.memory_space<semaphore_mem>>
      %dma_start3A = arith.constant 0 : i32
      %dma_start3A_52 = tpu.memref_slice %arg6[%add3A_15, %dma_start3A] : memref<10240x128xf32, #tpu.memory_space<vmem_shared>> -> memref<128x128xf32, #tpu.memory_space<vmem_shared>>
      %dma_start3A_53 = arith.constant 0 : i32
      %dma_start3A_54 = tpu.memref_slice %arg6[%add3A_15, %dma_start3A_53] : memref<10240x128xf32, #tpu.memory_space<vmem_shared>> -> memref<128x128xf32, #tpu.memory_space<vmem_shared>>
      tpu.enqueue_dma source(%arg7 : memref<128x128xf32, #tpu.memory_space<vmem>>) target(%dma_start3A_54 : memref<128x128xf32, #tpu.memory_space<vmem_shared>>) target_semaphore(%run_scoped3A_51 : memref<!tpu.dma_semaphore, #tpu.memory_space<semaphore_mem>>)
      %dma_wait3A = arith.constant 0 : i32
      %dma_wait3A_55 = tpu.memref_slice %arg6[%add3A_15, %dma_wait3A] : memref<10240x128xf32, #tpu.memory_space<vmem_shared>> -> memref<128x128xf32, #tpu.memory_space<vmem_shared>>
      %dma_wait3A_56 = arith.constant 0 : i32
      %dma_wait3A_57 = tpu.memref_slice %arg6[%add3A_15, %dma_wait3A_56] : memref<10240x128xf32, #tpu.memory_space<vmem_shared>> -> memref<128x128xf32, #tpu.memory_space<vmem_shared>>
      tpu.wait_dma2 semaphore(%run_scoped3A_51 : memref<!tpu.dma_semaphore, #tpu.memory_space<semaphore_mem>>) src(%arg7 : memref<128x128xf32, #tpu.memory_space<vmem>>) dst(%dma_wait3A_57 : memref<128x128xf32, #tpu.memory_space<vmem_shared>>)
      tpu.yield
    }) : () -> ()
    %add3A_16 = arith.constant 512 : i32
    %add3A_17 = arith.addi %multiple_of3A, %add3A_16 : i32
    "tpu.region"() ({
      %run_scoped3A_51 = tpu.sem_alloc : memref<!tpu.dma_semaphore, #tpu.memory_space<semaphore_mem>>
      %dma_start3A = arith.constant 0 : i32
      %dma_start3A_52 = tpu.memref_slice %arg6[%add3A_17, %dma_start3A] : memref<10240x128xf32, #tpu.memory_space<vmem_shared>> -> memref<128x128xf32, #tpu.memory_space<vmem_shared>>
      %dma_start3A_53 = arith.constant 0 : i32
      %dma_start3A_54 = tpu.memref_slice %arg6[%add3A_17, %dma_start3A_53] : memref<10240x128xf32, #tpu.memory_space<vmem_shared>> -> memref<128x128xf32, #tpu.memory_space<vmem_shared>>
      tpu.enqueue_dma source(%arg7 : memref<128x128xf32, #tpu.memory_space<vmem>>) target(%dma_start3A_54 : memref<128x128xf32, #tpu.memory_space<vmem_shared>>) target_semaphore(%run_scoped3A_51 : memref<!tpu.dma_semaphore, #tpu.memory_space<semaphore_mem>>)
      %dma_wait3A = arith.constant 0 : i32
      %dma_wait3A_55 = tpu.memref_slice %arg6[%add3A_17, %dma_wait3A] : memref<10240x128xf32, #tpu.memory_space<vmem_shared>> -> memref<128x128xf32, #tpu.memory_space<vmem_shared>>
      %dma_wait3A_56 = arith.constant 0 : i32
      %dma_wait3A_57 = tpu.memref_slice %arg6[%add3A_17, %dma_wait3A_56] : memref<10240x128xf32, #tpu.memory_space<vmem_shared>> -> memref<128x128xf32, #tpu.memory_space<vmem_shared>>
      tpu.wait_dma2 semaphore(%run_scoped3A_51 : memref<!tpu.dma_semaphore, #tpu.memory_space<semaphore_mem>>) src(%arg7 : memref<128x128xf32, #tpu.memory_space<vmem>>) dst(%dma_wait3A_57 : memref<128x128xf32, #tpu.memory_space<vmem_shared>>)
      tpu.yield
    }) : () -> ()
    %barrier3A = arith.constant 0 : index
    tpu.barrier barrier_id(%barrier3A)
    %scan3A_18 = arith.constant 0 : i32
    %scan3A_19 = arith.constant 78 : i32
    %scan3A_20 = arith.addi %scan3A_18, %scan3A_19 : i32
    %scan3A_21 = arith.constant 1 : i32
    scf.for %scan3A_51 = %scan3A_18 to %scan3A_20 step %scan3A_21  : i32 {
      %mul3A_52 = arith.constant 32 : i32
      %mul3A_53 = arith.muli %scan3A_51, %mul3A_52 : i32
      %add3A_54 = arith.addi %add3A, %mul3A_53 : i32
      %mul3A_55 = arith.constant 128 : i32
      %mul3A_56 = arith.muli %add3A_54, %mul3A_55 : i32
      %multiple_of3A_57 = tpu.assume_multiple %mul3A_56, 128 : i32
      "tpu.region"() ({
        %run_scoped3A_64 = tpu.sem_alloc : memref<!tpu.dma_semaphore, #tpu.memory_space<semaphore_mem>>
        %dma_start3A_65 = tpu.memref_slice %arg3[%multiple_of3A_57] : memref<320000xi32, #tpu.memory_space<hbm>> -> memref<128xi32, #tpu.memory_space<hbm>>
        %dma_start3A_66 = tpu.memref_slice %arg3[%multiple_of3A_57] : memref<320000xi32, #tpu.memory_space<hbm>> -> memref<128xi32, #tpu.memory_space<hbm>>
        tpu.enqueue_dma source(%dma_start3A_66 : memref<128xi32, #tpu.memory_space<hbm>>) target(%arg8 : memref<128xi32, #tpu.memory_space<vmem>>) target_semaphore(%run_scoped3A_64 : memref<!tpu.dma_semaphore, #tpu.memory_space<semaphore_mem>>)
        %dma_wait3A_67 = tpu.memref_slice %arg3[%multiple_of3A_57] : memref<320000xi32, #tpu.memory_space<hbm>> -> memref<128xi32, #tpu.memory_space<hbm>>
        %dma_wait3A_68 = tpu.memref_slice %arg3[%multiple_of3A_57] : memref<320000xi32, #tpu.memory_space<hbm>> -> memref<128xi32, #tpu.memory_space<hbm>>
        tpu.wait_dma2 semaphore(%run_scoped3A_64 : memref<!tpu.dma_semaphore, #tpu.memory_space<semaphore_mem>>) src(%dma_wait3A_68 : memref<128xi32, #tpu.memory_space<hbm>>) dst(%arg8 : memref<128xi32, #tpu.memory_space<vmem>>)
        tpu.yield
      }) : () -> ()
      %run_scoped3A_58 = arith.constant 0 : i32
      "tpu.region"() ({
        %run_scoped3A_64 = tpu.sem_alloc : memref<!tpu.dma_semaphore, #tpu.memory_space<semaphore_mem>>
        %dma_start3A_65 = arith.constant 0 : i32
        %dma_start3A_66 = tpu.memref_slice %arg9[%run_scoped3A_58, %dma_start3A_65] : memref<1x128xi32, #tpu.memory_space<vmem>> -> memref<1x128xi32, #tpu.memory_space<vmem>>
        %dma_start3A_67 = tpu.memref_squeeze %dma_start3A_66 : memref<1x128xi32, #tpu.memory_space<vmem>> -> memref<128xi32, #tpu.memory_space<vmem>>
        %dma_start3A_68 = tpu.memref_slice %arg4[%multiple_of3A_57] : memref<320000xi32, #tpu.memory_space<hbm>> -> memref<128xi32, #tpu.memory_space<hbm>>
        %dma_start3A_69 = arith.constant 0 : i32
        %dma_start3A_70 = tpu.memref_slice %arg9[%run_scoped3A_58, %dma_start3A_69] : memref<1x128xi32, #tpu.memory_space<vmem>> -> memref<1x128xi32, #tpu.memory_space<vmem>>
        %dma_start3A_71 = tpu.memref_squeeze %dma_start3A_70 : memref<1x128xi32, #tpu.memory_space<vmem>> -> memref<128xi32, #tpu.memory_space<vmem>>
        %dma_start3A_72 = tpu.memref_slice %arg4[%multiple_of3A_57] : memref<320000xi32, #tpu.memory_space<hbm>> -> memref<128xi32, #tpu.memory_space<hbm>>
        tpu.enqueue_dma source(%dma_start3A_72 : memref<128xi32, #tpu.memory_space<hbm>>) target(%dma_start3A_71 : memref<128xi32, #tpu.memory_space<vmem>>) target_semaphore(%run_scoped3A_64 : memref<!tpu.dma_semaphore, #tpu.memory_space<semaphore_mem>>)
        %dma_wait3A_73 = arith.constant 0 : i32
        %dma_wait3A_74 = tpu.memref_slice %arg9[%run_scoped3A_58, %dma_wait3A_73] : memref<1x128xi32, #tpu.memory_space<vmem>> -> memref<1x128xi32, #tpu.memory_space<vmem>>
        %dma_wait3A_75 = tpu.memref_squeeze %dma_wait3A_74 : memref<1x128xi32, #tpu.memory_space<vmem>> -> memref<128xi32, #tpu.memory_space<vmem>>
        %dma_wait3A_76 = tpu.memref_slice %arg4[%multiple_of3A_57] : memref<320000xi32, #tpu.memory_space<hbm>> -> memref<128xi32, #tpu.memory_space<hbm>>
        %dma_wait3A_77 = arith.constant 0 : i32
        %dma_wait3A_78 = tpu.memref_slice %arg9[%run_scoped3A_58, %dma_wait3A_77] : memref<1x128xi32, #tpu.memory_space<vmem>> -> memref<1x128xi32, #tpu.memory_space<vmem>>
        %dma_wait3A_79 = tpu.memref_squeeze %dma_wait3A_78 : memref<1x128xi32, #tpu.memory_space<vmem>> -> memref<128xi32, #tpu.memory_space<vmem>>
        %dma_wait3A_80 = tpu.memref_slice %arg4[%multiple_of3A_57] : memref<320000xi32, #tpu.memory_space<hbm>> -> memref<128xi32, #tpu.memory_space<hbm>>
        tpu.wait_dma2 semaphore(%run_scoped3A_64 : memref<!tpu.dma_semaphore, #tpu.memory_space<semaphore_mem>>) src(%dma_wait3A_80 : memref<128xi32, #tpu.memory_space<hbm>>) dst(%dma_wait3A_79 : memref<128xi32, #tpu.memory_space<vmem>>)
        tpu.yield
      }) : () -> ()
      %dma_start3A = arith.constant 0 : i32
      %dma_start3A_59 = arith.constant 0 : i32
      %dma_start3A_60 = tpu.memref_slice %arg2[%dma_start3A, %dma_start3A_59] : memref<10000x128xf32, #tpu.memory_space<hbm>> -> memref<10000x128xf32, #tpu.memory_space<hbm>>
      tpu.enqueue_indirect_dma source(%dma_start3A_60 : memref<10000x128xf32, #tpu.memory_space<hbm>>) target(%arg10 : memref<128x128xf32, #tpu.memory_space<vmem>>) offsets(%arg8 : memref<128xi32, #tpu.memory_space<vmem>>) semaphore(%arg11 : memref<!tpu.dma_semaphore, #tpu.memory_space<semaphore_mem>>)
      %dma_wait3A = arith.constant 0 : i32
      %dma_wait3A_61 = arith.constant 0 : i32
      %dma_wait3A_62 = tpu.memref_slice %arg2[%dma_wait3A, %dma_wait3A_61] : memref<10000x128xf32, #tpu.memory_space<hbm>> -> memref<10000x128xf32, #tpu.memory_space<hbm>>
      tpu.wait_indirect_dma semaphore(%arg11 : memref<!tpu.dma_semaphore, #tpu.memory_space<semaphore_mem>>) src(%dma_wait3A_62 : memref<10000x128xf32, #tpu.memory_space<hbm>>) dst(%arg10 : memref<128x128xf32, #tpu.memory_space<vmem>>)
      %run_scoped3A_63 = arith.constant 0 : i32
      "tpu.region"() ({
        %run_scoped3A_64 = tpu.sem_alloc : memref<!tpu.dma_semaphore, #tpu.memory_space<semaphore_mem>>
        %dma_start3A_65 = arith.constant 0 : i32
        %dma_start3A_66 = tpu.memref_slice %arg9[%run_scoped3A_63, %dma_start3A_65] : memref<1x128xi32, #tpu.memory_space<vmem>> -> memref<1x128xi32, #tpu.memory_space<vmem>>
        %dma_start3A_67 = tpu.memref_squeeze %dma_start3A_66 : memref<1x128xi32, #tpu.memory_space<vmem>> -> memref<128xi32, #tpu.memory_space<vmem>>
        %dma_start3A_68 = arith.constant 0 : i32
        %dma_start3A_69 = arith.constant 0 : i32
        %dma_start3A_70 = tpu.memref_slice %arg6[%dma_start3A_68, %dma_start3A_69] : memref<10240x128xf32, #tpu.memory_space<vmem_shared>> -> memref<10240x128xf32, #tpu.memory_space<vmem_shared>>
        tpu.enqueue_indirect_dma source(%arg10 : memref<128x128xf32, #tpu.memory_space<vmem>>) target(%dma_start3A_70 : memref<10240x128xf32, #tpu.memory_space<vmem_shared>>) offsets(%dma_start3A_67 : memref<128xi32, #tpu.memory_space<vmem>>) semaphore(%run_scoped3A_64 : memref<!tpu.dma_semaphore, #tpu.memory_space<semaphore_mem>>) {add = true}
        %dma_wait3A_71 = arith.constant 0 : i32
        %dma_wait3A_72 = tpu.memref_slice %arg9[%run_scoped3A_63, %dma_wait3A_71] : memref<1x128xi32, #tpu.memory_space<vmem>> -> memref<1x128xi32, #tpu.memory_space<vmem>>
        %dma_wait3A_73 = tpu.memref_squeeze %dma_wait3A_72 : memref<1x128xi32, #tpu.memory_space<vmem>> -> memref<128xi32, #tpu.memory_space<vmem>>
        %dma_wait3A_74 = arith.constant 0 : i32
        %dma_wait3A_75 = arith.constant 0 : i32
        %dma_wait3A_76 = tpu.memref_slice %arg6[%dma_wait3A_74, %dma_wait3A_75] : memref<10240x128xf32, #tpu.memory_space<vmem_shared>> -> memref<10240x128xf32, #tpu.memory_space<vmem_shared>>
        tpu.wait_indirect_dma semaphore(%run_scoped3A_64 : memref<!tpu.dma_semaphore, #tpu.memory_space<semaphore_mem>>) src(%arg10 : memref<128x128xf32, #tpu.memory_space<vmem>>) dst(%dma_wait3A_76 : memref<10240x128xf32, #tpu.memory_space<vmem_shared>>)
        tpu.yield
      }) : () -> ()
    }
    %scan3A_22 = arith.constant 78 : i32
    %lt3A = arith.constant 4 : i32
    %lt3A_23 = arith.cmpi slt, %add3A, %lt3A : i32
    %convert_element_type3A = arith.extui %lt3A_23 : i1 to i32
    %cond3A = arith.constant 0 : i32
    %cond3A_24 = arith.cmpi ne, %convert_element_type3A, %cond3A : i32
    scf.if %cond3A_24 {
      %add3A_51 = arith.constant 2496 : i32
      %add3A_52 = arith.addi %add3A, %add3A_51 : i32
      %mul3A_53 = arith.constant 128 : i32
      %mul3A_54 = arith.muli %add3A_52, %mul3A_53 : i32
      %multiple_of3A_55 = tpu.assume_multiple %mul3A_54, 128 : i32
      "tpu.region"() ({
        %run_scoped3A_62 = tpu.sem_alloc : memref<!tpu.dma_semaphore, #tpu.memory_space<semaphore_mem>>
        %dma_start3A_63 = tpu.memref_slice %arg3[%multiple_of3A_55] : memref<320000xi32, #tpu.memory_space<hbm>> -> memref<128xi32, #tpu.memory_space<hbm>>
        %dma_start3A_64 = tpu.memref_slice %arg3[%multiple_of3A_55] : memref<320000xi32, #tpu.memory_space<hbm>> -> memref<128xi32, #tpu.memory_space<hbm>>
        tpu.enqueue_dma source(%dma_start3A_64 : memref<128xi32, #tpu.memory_space<hbm>>) target(%arg8 : memref<128xi32, #tpu.memory_space<vmem>>) target_semaphore(%run_scoped3A_62 : memref<!tpu.dma_semaphore, #tpu.memory_space<semaphore_mem>>)
        %dma_wait3A_65 = tpu.memref_slice %arg3[%multiple_of3A_55] : memref<320000xi32, #tpu.memory_space<hbm>> -> memref<128xi32, #tpu.memory_space<hbm>>
        %dma_wait3A_66 = tpu.memref_slice %arg3[%multiple_of3A_55] : memref<320000xi32, #tpu.memory_space<hbm>> -> memref<128xi32, #tpu.memory_space<hbm>>
        tpu.wait_dma2 semaphore(%run_scoped3A_62 : memref<!tpu.dma_semaphore, #tpu.memory_space<semaphore_mem>>) src(%dma_wait3A_66 : memref<128xi32, #tpu.memory_space<hbm>>) dst(%arg8 : memref<128xi32, #tpu.memory_space<vmem>>)
        tpu.yield
      }) : () -> ()
      %run_scoped3A_56 = arith.constant 0 : i32
      "tpu.region"() ({
        %run_scoped3A_62 = tpu.sem_alloc : memref<!tpu.dma_semaphore, #tpu.memory_space<semaphore_mem>>
        %dma_start3A_63 = arith.constant 0 : i32
        %dma_start3A_64 = tpu.memref_slice %arg9[%run_scoped3A_56, %dma_start3A_63] : memref<1x128xi32, #tpu.memory_space<vmem>> -> memref<1x128xi32, #tpu.memory_space<vmem>>
        %dma_start3A_65 = tpu.memref_squeeze %dma_start3A_64 : memref<1x128xi32, #tpu.memory_space<vmem>> -> memref<128xi32, #tpu.memory_space<vmem>>
        %dma_start3A_66 = tpu.memref_slice %arg4[%multiple_of3A_55] : memref<320000xi32, #tpu.memory_space<hbm>> -> memref<128xi32, #tpu.memory_space<hbm>>
        %dma_start3A_67 = arith.constant 0 : i32
        %dma_start3A_68 = tpu.memref_slice %arg9[%run_scoped3A_56, %dma_start3A_67] : memref<1x128xi32, #tpu.memory_space<vmem>> -> memref<1x128xi32, #tpu.memory_space<vmem>>
        %dma_start3A_69 = tpu.memref_squeeze %dma_start3A_68 : memref<1x128xi32, #tpu.memory_space<vmem>> -> memref<128xi32, #tpu.memory_space<vmem>>
        %dma_start3A_70 = tpu.memref_slice %arg4[%multiple_of3A_55] : memref<320000xi32, #tpu.memory_space<hbm>> -> memref<128xi32, #tpu.memory_space<hbm>>
        tpu.enqueue_dma source(%dma_start3A_70 : memref<128xi32, #tpu.memory_space<hbm>>) target(%dma_start3A_69 : memref<128xi32, #tpu.memory_space<vmem>>) target_semaphore(%run_scoped3A_62 : memref<!tpu.dma_semaphore, #tpu.memory_space<semaphore_mem>>)
        %dma_wait3A_71 = arith.constant 0 : i32
        %dma_wait3A_72 = tpu.memref_slice %arg9[%run_scoped3A_56, %dma_wait3A_71] : memref<1x128xi32, #tpu.memory_space<vmem>> -> memref<1x128xi32, #tpu.memory_space<vmem>>
        %dma_wait3A_73 = tpu.memref_squeeze %dma_wait3A_72 : memref<1x128xi32, #tpu.memory_space<vmem>> -> memref<128xi32, #tpu.memory_space<vmem>>
        %dma_wait3A_74 = tpu.memref_slice %arg4[%multiple_of3A_55] : memref<320000xi32, #tpu.memory_space<hbm>> -> memref<128xi32, #tpu.memory_space<hbm>>
        %dma_wait3A_75 = arith.constant 0 : i32
        %dma_wait3A_76 = tpu.memref_slice %arg9[%run_scoped3A_56, %dma_wait3A_75] : memref<1x128xi32, #tpu.memory_space<vmem>> -> memref<1x128xi32, #tpu.memory_space<vmem>>
        %dma_wait3A_77 = tpu.memref_squeeze %dma_wait3A_76 : memref<1x128xi32, #tpu.memory_space<vmem>> -> memref<128xi32, #tpu.memory_space<vmem>>
        %dma_wait3A_78 = tpu.memref_slice %arg4[%multiple_of3A_55] : memref<320000xi32, #tpu.memory_space<hbm>> -> memref<128xi32, #tpu.memory_space<hbm>>
        tpu.wait_dma2 semaphore(%run_scoped3A_62 : memref<!tpu.dma_semaphore, #tpu.memory_space<semaphore_mem>>) src(%dma_wait3A_78 : memref<128xi32, #tpu.memory_space<hbm>>) dst(%dma_wait3A_77 : memref<128xi32, #tpu.memory_space<vmem>>)
        tpu.yield
      }) : () -> ()
      %dma_start3A = arith.constant 0 : i32
      %dma_start3A_57 = arith.constant 0 : i32
      %dma_start3A_58 = tpu.memref_slice %arg2[%dma_start3A, %dma_start3A_57] : memref<10000x128xf32, #tpu.memory_space<hbm>> -> memref<10000x128xf32, #tpu.memory_space<hbm>>
      tpu.enqueue_indirect_dma source(%dma_start3A_58 : memref<10000x128xf32, #tpu.memory_space<hbm>>) target(%arg10 : memref<128x128xf32, #tpu.memory_space<vmem>>) offsets(%arg8 : memref<128xi32, #tpu.memory_space<vmem>>) semaphore(%arg11 : memref<!tpu.dma_semaphore, #tpu.memory_space<semaphore_mem>>)
      %dma_wait3A = arith.constant 0 : i32
      %dma_wait3A_59 = arith.constant 0 : i32
      %dma_wait3A_60 = tpu.memref_slice %arg2[%dma_wait3A, %dma_wait3A_59] : memref<10000x128xf32, #tpu.memory_space<hbm>> -> memref<10000x128xf32, #tpu.memory_space<hbm>>
      tpu.wait_indirect_dma semaphore(%arg11 : memref<!tpu.dma_semaphore, #tpu.memory_space<semaphore_mem>>) src(%dma_wait3A_60 : memref<10000x128xf32, #tpu.memory_space<hbm>>) dst(%arg10 : memref<128x128xf32, #tpu.memory_space<vmem>>)
      %run_scoped3A_61 = arith.constant 0 : i32
      "tpu.region"() ({
        %run_scoped3A_62 = tpu.sem_alloc : memref<!tpu.dma_semaphore, #tpu.memory_space<semaphore_mem>>
        %dma_start3A_63 = arith.constant 0 : i32
        %dma_start3A_64 = tpu.memref_slice %arg9[%run_scoped3A_61, %dma_start3A_63] : memref<1x128xi32, #tpu.memory_space<vmem>> -> memref<1x128xi32, #tpu.memory_space<vmem>>
        %dma_start3A_65 = tpu.memref_squeeze %dma_start3A_64 : memref<1x128xi32, #tpu.memory_space<vmem>> -> memref<128xi32, #tpu.memory_space<vmem>>
        %dma_start3A_66 = arith.constant 0 : i32
        %dma_start3A_67 = arith.constant 0 : i32
        %dma_start3A_68 = tpu.memref_slice %arg6[%dma_start3A_66, %dma_start3A_67] : memref<10240x128xf32, #tpu.memory_space<vmem_shared>> -> memref<10240x128xf32, #tpu.memory_space<vmem_shared>>
        tpu.enqueue_indirect_dma source(%arg10 : memref<128x128xf32, #tpu.memory_space<vmem>>) target(%dma_start3A_68 : memref<10240x128xf32, #tpu.memory_space<vmem_shared>>) offsets(%dma_start3A_65 : memref<128xi32, #tpu.memory_space<vmem>>) semaphore(%run_scoped3A_62 : memref<!tpu.dma_semaphore, #tpu.memory_space<semaphore_mem>>) {add = true}
        %dma_wait3A_69 = arith.constant 0 : i32
        %dma_wait3A_70 = tpu.memref_slice %arg9[%run_scoped3A_61, %dma_wait3A_69] : memref<1x128xi32, #tpu.memory_space<vmem>> -> memref<1x128xi32, #tpu.memory_space<vmem>>
        %dma_wait3A_71 = tpu.memref_squeeze %dma_wait3A_70 : memref<1x128xi32, #tpu.memory_space<vmem>> -> memref<128xi32, #tpu.memory_space<vmem>>
        %dma_wait3A_72 = arith.constant 0 : i32
        %dma_wait3A_73 = arith.constant 0 : i32
        %dma_wait3A_74 = tpu.memref_slice %arg6[%dma_wait3A_72, %dma_wait3A_73] : memref<10240x128xf32, #tpu.memory_space<vmem_shared>> -> memref<10240x128xf32, #tpu.memory_space<vmem_shared>>
        tpu.wait_indirect_dma semaphore(%run_scoped3A_62 : memref<!tpu.dma_semaphore, #tpu.memory_space<semaphore_mem>>) src(%arg10 : memref<128x128xf32, #tpu.memory_space<vmem>>) dst(%dma_wait3A_74 : memref<10240x128xf32, #tpu.memory_space<vmem_shared>>)
        tpu.yield
      }) : () -> ()
    } else {
    }
    %barrier3A_25 = arith.constant 0 : index
    tpu.barrier barrier_id(%barrier3A_25)
    %run_scoped3A = arith.constant 0 : i32
    "tpu.region"() ({
      %run_scoped3A_51 = tpu.sem_alloc : memref<!tpu.dma_semaphore, #tpu.memory_space<semaphore_mem>>
      %dma_start3A = arith.constant 0 : i32
      %dma_start3A_52 = tpu.memref_slice %arg5[%arg0, %run_scoped3A, %multiple_of3A, %dma_start3A] : memref<2x2x10240x128xf32, #tpu.memory_space<hbm>> -> memref<1x1x640x128xf32, #tpu.memory_space<hbm>>
      %dma_start3A_53 = tpu.memref_squeeze %dma_start3A_52 : memref<1x1x640x128xf32, #tpu.memory_space<hbm>> -> memref<640x128xf32, #tpu.memory_space<hbm>>
      %dma_start3A_54 = arith.constant 0 : i32
      %dma_start3A_55 = tpu.memref_slice %arg6[%multiple_of3A, %dma_start3A_54] : memref<10240x128xf32, #tpu.memory_space<vmem_shared>> -> memref<640x128xf32, #tpu.memory_space<vmem_shared>>
      tpu.enqueue_dma source(%dma_start3A_55 : memref<640x128xf32, #tpu.memory_space<vmem_shared>>) target(%dma_start3A_53 : memref<640x128xf32, #tpu.memory_space<hbm>>) target_semaphore(%run_scoped3A_51 : memref<!tpu.dma_semaphore, #tpu.memory_space<semaphore_mem>>)
      %dma_wait3A = arith.constant 0 : i32
      %dma_wait3A_56 = tpu.memref_slice %arg5[%arg0, %run_scoped3A, %multiple_of3A, %dma_wait3A] : memref<2x2x10240x128xf32, #tpu.memory_space<hbm>> -> memref<1x1x640x128xf32, #tpu.memory_space<hbm>>
      %dma_wait3A_57 = tpu.memref_squeeze %dma_wait3A_56 : memref<1x1x640x128xf32, #tpu.memory_space<hbm>> -> memref<640x128xf32, #tpu.memory_space<hbm>>
      %dma_wait3A_58 = arith.constant 0 : i32
      %dma_wait3A_59 = tpu.memref_slice %arg6[%multiple_of3A, %dma_wait3A_58] : memref<10240x128xf32, #tpu.memory_space<vmem_shared>> -> memref<640x128xf32, #tpu.memory_space<vmem_shared>>
      tpu.wait_dma2 semaphore(%run_scoped3A_51 : memref<!tpu.dma_semaphore, #tpu.memory_space<semaphore_mem>>) src(%dma_wait3A_59 : memref<640x128xf32, #tpu.memory_space<vmem_shared>>) dst(%dma_wait3A_57 : memref<640x128xf32, #tpu.memory_space<hbm>>)
      tpu.yield
    }) : () -> ()
    %barrier3A_26 = arith.constant 0 : index
    tpu.barrier barrier_id(%barrier3A_26)
    %add3A_27 = arith.constant 0 : i32
    %add3A_28 = arith.addi %multiple_of3A, %add3A_27 : i32
    "tpu.region"() ({
      %run_scoped3A_51 = tpu.sem_alloc : memref<!tpu.dma_semaphore, #tpu.memory_space<semaphore_mem>>
      %dma_start3A = arith.constant 0 : i32
      %dma_start3A_52 = tpu.memref_slice %arg6[%add3A_28, %dma_start3A] : memref<10240x128xf32, #tpu.memory_space<vmem_shared>> -> memref<128x128xf32, #tpu.memory_space<vmem_shared>>
      %dma_start3A_53 = arith.constant 0 : i32
      %dma_start3A_54 = tpu.memref_slice %arg6[%add3A_28, %dma_start3A_53] : memref<10240x128xf32, #tpu.memory_space<vmem_shared>> -> memref<128x128xf32, #tpu.memory_space<vmem_shared>>
      tpu.enqueue_dma source(%arg7 : memref<128x128xf32, #tpu.memory_space<vmem>>) target(%dma_start3A_54 : memref<128x128xf32, #tpu.memory_space<vmem_shared>>) target_semaphore(%run_scoped3A_51 : memref<!tpu.dma_semaphore, #tpu.memory_space<semaphore_mem>>)
      %dma_wait3A = arith.constant 0 : i32
      %dma_wait3A_55 = tpu.memref_slice %arg6[%add3A_28, %dma_wait3A] : memref<10240x128xf32, #tpu.memory_space<vmem_shared>> -> memref<128x128xf32, #tpu.memory_space<vmem_shared>>
      %dma_wait3A_56 = arith.constant 0 : i32
      %dma_wait3A_57 = tpu.memref_slice %arg6[%add3A_28, %dma_wait3A_56] : memref<10240x128xf32, #tpu.memory_space<vmem_shared>> -> memref<128x128xf32, #tpu.memory_space<vmem_shared>>
      tpu.wait_dma2 semaphore(%run_scoped3A_51 : memref<!tpu.dma_semaphore, #tpu.memory_space<semaphore_mem>>) src(%arg7 : memref<128x128xf32, #tpu.memory_space<vmem>>) dst(%dma_wait3A_57 : memref<128x128xf32, #tpu.memory_space<vmem_shared>>)
      tpu.yield
    }) : () -> ()
    %add3A_29 = arith.constant 128 : i32
    %add3A_30 = arith.addi %multiple_of3A, %add3A_29 : i32
    "tpu.region"() ({
      %run_scoped3A_51 = tpu.sem_alloc : memref<!tpu.dma_semaphore, #tpu.memory_space<semaphore_mem>>
      %dma_start3A = arith.constant 0 : i32
      %dma_start3A_52 = tpu.memref_slice %arg6[%add3A_30, %dma_start3A] : memref<10240x128xf32, #tpu.memory_space<vmem_shared>> -> memref<128x128xf32, #tpu.memory_space<vmem_shared>>
      %dma_start3A_53 = arith.constant 0 : i32
      %dma_start3A_54 = tpu.memref_slice %arg6[%add3A_30, %dma_start3A_53] : memref<10240x128xf32, #tpu.memory_space<vmem_shared>> -> memref<128x128xf32, #tpu.memory_space<vmem_shared>>
      tpu.enqueue_dma source(%arg7 : memref<128x128xf32, #tpu.memory_space<vmem>>) target(%dma_start3A_54 : memref<128x128xf32, #tpu.memory_space<vmem_shared>>) target_semaphore(%run_scoped3A_51 : memref<!tpu.dma_semaphore, #tpu.memory_space<semaphore_mem>>)
      %dma_wait3A = arith.constant 0 : i32
      %dma_wait3A_55 = tpu.memref_slice %arg6[%add3A_30, %dma_wait3A] : memref<10240x128xf32, #tpu.memory_space<vmem_shared>> -> memref<128x128xf32, #tpu.memory_space<vmem_shared>>
      %dma_wait3A_56 = arith.constant 0 : i32
      %dma_wait3A_57 = tpu.memref_slice %arg6[%add3A_30, %dma_wait3A_56] : memref<10240x128xf32, #tpu.memory_space<vmem_shared>> -> memref<128x128xf32, #tpu.memory_space<vmem_shared>>
      tpu.wait_dma2 semaphore(%run_scoped3A_51 : memref<!tpu.dma_semaphore, #tpu.memory_space<semaphore_mem>>) src(%arg7 : memref<128x128xf32, #tpu.memory_space<vmem>>) dst(%dma_wait3A_57 : memref<128x128xf32, #tpu.memory_space<vmem_shared>>)
      tpu.yield
    }) : () -> ()
    %add3A_31 = arith.constant 256 : i32
    %add3A_32 = arith.addi %multiple_of3A, %add3A_31 : i32
    "tpu.region"() ({
      %run_scoped3A_51 = tpu.sem_alloc : memref<!tpu.dma_semaphore, #tpu.memory_space<semaphore_mem>>
      %dma_start3A = arith.constant 0 : i32
      %dma_start3A_52 = tpu.memref_slice %arg6[%add3A_32, %dma_start3A] : memref<10240x128xf32, #tpu.memory_space<vmem_shared>> -> memref<128x128xf32, #tpu.memory_space<vmem_shared>>
      %dma_start3A_53 = arith.constant 0 : i32
      %dma_start3A_54 = tpu.memref_slice %arg6[%add3A_32, %dma_start3A_53] : memref<10240x128xf32, #tpu.memory_space<vmem_shared>> -> memref<128x128xf32, #tpu.memory_space<vmem_shared>>
      tpu.enqueue_dma source(%arg7 : memref<128x128xf32, #tpu.memory_space<vmem>>) target(%dma_start3A_54 : memref<128x128xf32, #tpu.memory_space<vmem_shared>>) target_semaphore(%run_scoped3A_51 : memref<!tpu.dma_semaphore, #tpu.memory_space<semaphore_mem>>)
      %dma_wait3A = arith.constant 0 : i32
      %dma_wait3A_55 = tpu.memref_slice %arg6[%add3A_32, %dma_wait3A] : memref<10240x128xf32, #tpu.memory_space<vmem_shared>> -> memref<128x128xf32, #tpu.memory_space<vmem_shared>>
      %dma_wait3A_56 = arith.constant 0 : i32
      %dma_wait3A_57 = tpu.memref_slice %arg6[%add3A_32, %dma_wait3A_56] : memref<10240x128xf32, #tpu.memory_space<vmem_shared>> -> memref<128x128xf32, #tpu.memory_space<vmem_shared>>
      tpu.wait_dma2 semaphore(%run_scoped3A_51 : memref<!tpu.dma_semaphore, #tpu.memory_space<semaphore_mem>>) src(%arg7 : memref<128x128xf32, #tpu.memory_space<vmem>>) dst(%dma_wait3A_57 : memref<128x128xf32, #tpu.memory_space<vmem_shared>>)
      tpu.yield
    }) : () -> ()
    %add3A_33 = arith.constant 384 : i32
    %add3A_34 = arith.addi %multiple_of3A, %add3A_33 : i32
    "tpu.region"() ({
      %run_scoped3A_51 = tpu.sem_alloc : memref<!tpu.dma_semaphore, #tpu.memory_space<semaphore_mem>>
      %dma_start3A = arith.constant 0 : i32
      %dma_start3A_52 = tpu.memref_slice %arg6[%add3A_34, %dma_start3A] : memref<10240x128xf32, #tpu.memory_space<vmem_shared>> -> memref<128x128xf32, #tpu.memory_space<vmem_shared>>
      %dma_start3A_53 = arith.constant 0 : i32
      %dma_start3A_54 = tpu.memref_slice %arg6[%add3A_34, %dma_start3A_53] : memref<10240x128xf32, #tpu.memory_space<vmem_shared>> -> memref<128x128xf32, #tpu.memory_space<vmem_shared>>
      tpu.enqueue_dma source(%arg7 : memref<128x128xf32, #tpu.memory_space<vmem>>) target(%dma_start3A_54 : memref<128x128xf32, #tpu.memory_space<vmem_shared>>) target_semaphore(%run_scoped3A_51 : memref<!tpu.dma_semaphore, #tpu.memory_space<semaphore_mem>>)
      %dma_wait3A = arith.constant 0 : i32
      %dma_wait3A_55 = tpu.memref_slice %arg6[%add3A_34, %dma_wait3A] : memref<10240x128xf32, #tpu.memory_space<vmem_shared>> -> memref<128x128xf32, #tpu.memory_space<vmem_shared>>
      %dma_wait3A_56 = arith.constant 0 : i32
      %dma_wait3A_57 = tpu.memref_slice %arg6[%add3A_34, %dma_wait3A_56] : memref<10240x128xf32, #tpu.memory_space<vmem_shared>> -> memref<128x128xf32, #tpu.memory_space<vmem_shared>>
      tpu.wait_dma2 semaphore(%run_scoped3A_51 : memref<!tpu.dma_semaphore, #tpu.memory_space<semaphore_mem>>) src(%arg7 : memref<128x128xf32, #tpu.memory_space<vmem>>) dst(%dma_wait3A_57 : memref<128x128xf32, #tpu.memory_space<vmem_shared>>)
      tpu.yield
    }) : () -> ()
    %add3A_35 = arith.constant 512 : i32
    %add3A_36 = arith.addi %multiple_of3A, %add3A_35 : i32
    "tpu.region"() ({
      %run_scoped3A_51 = tpu.sem_alloc : memref<!tpu.dma_semaphore, #tpu.memory_space<semaphore_mem>>
      %dma_start3A = arith.constant 0 : i32
      %dma_start3A_52 = tpu.memref_slice %arg6[%add3A_36, %dma_start3A] : memref<10240x128xf32, #tpu.memory_space<vmem_shared>> -> memref<128x128xf32, #tpu.memory_space<vmem_shared>>
      %dma_start3A_53 = arith.constant 0 : i32
      %dma_start3A_54 = tpu.memref_slice %arg6[%add3A_36, %dma_start3A_53] : memref<10240x128xf32, #tpu.memory_space<vmem_shared>> -> memref<128x128xf32, #tpu.memory_space<vmem_shared>>
      tpu.enqueue_dma source(%arg7 : memref<128x128xf32, #tpu.memory_space<vmem>>) target(%dma_start3A_54 : memref<128x128xf32, #tpu.memory_space<vmem_shared>>) target_semaphore(%run_scoped3A_51 : memref<!tpu.dma_semaphore, #tpu.memory_space<semaphore_mem>>)
      %dma_wait3A = arith.constant 0 : i32
      %dma_wait3A_55 = tpu.memref_slice %arg6[%add3A_36, %dma_wait3A] : memref<10240x128xf32, #tpu.memory_space<vmem_shared>> -> memref<128x128xf32, #tpu.memory_space<vmem_shared>>
      %dma_wait3A_56 = arith.constant 0 : i32
      %dma_wait3A_57 = tpu.memref_slice %arg6[%add3A_36, %dma_wait3A_56] : memref<10240x128xf32, #tpu.memory_space<vmem_shared>> -> memref<128x128xf32, #tpu.memory_space<vmem_shared>>
      tpu.wait_dma2 semaphore(%run_scoped3A_51 : memref<!tpu.dma_semaphore, #tpu.memory_space<semaphore_mem>>) src(%arg7 : memref<128x128xf32, #tpu.memory_space<vmem>>) dst(%dma_wait3A_57 : memref<128x128xf32, #tpu.memory_space<vmem_shared>>)
      tpu.yield
    }) : () -> ()
    %barrier3A_37 = arith.constant 0 : index
    tpu.barrier barrier_id(%barrier3A_37)
    %scan3A_38 = arith.constant 0 : i32
    %scan3A_39 = arith.constant 78 : i32
    %scan3A_40 = arith.addi %scan3A_38, %scan3A_39 : i32
    %scan3A_41 = arith.constant 1 : i32
    scf.for %scan3A_51 = %scan3A_38 to %scan3A_40 step %scan3A_41  : i32 {
      %mul3A_52 = arith.constant 32 : i32
      %mul3A_53 = arith.muli %scan3A_51, %mul3A_52 : i32
      %add3A_54 = arith.addi %add3A, %mul3A_53 : i32
      %mul3A_55 = arith.constant 128 : i32
      %mul3A_56 = arith.muli %add3A_54, %mul3A_55 : i32
      %multiple_of3A_57 = tpu.assume_multiple %mul3A_56, 128 : i32
      "tpu.region"() ({
        %run_scoped3A_64 = tpu.sem_alloc : memref<!tpu.dma_semaphore, #tpu.memory_space<semaphore_mem>>
        %dma_start3A_65 = tpu.memref_slice %arg4[%multiple_of3A_57] : memref<320000xi32, #tpu.memory_space<hbm>> -> memref<128xi32, #tpu.memory_space<hbm>>
        %dma_start3A_66 = tpu.memref_slice %arg4[%multiple_of3A_57] : memref<320000xi32, #tpu.memory_space<hbm>> -> memref<128xi32, #tpu.memory_space<hbm>>
        tpu.enqueue_dma source(%dma_start3A_66 : memref<128xi32, #tpu.memory_space<hbm>>) target(%arg8 : memref<128xi32, #tpu.memory_space<vmem>>) target_semaphore(%run_scoped3A_64 : memref<!tpu.dma_semaphore, #tpu.memory_space<semaphore_mem>>)
        %dma_wait3A_67 = tpu.memref_slice %arg4[%multiple_of3A_57] : memref<320000xi32, #tpu.memory_space<hbm>> -> memref<128xi32, #tpu.memory_space<hbm>>
        %dma_wait3A_68 = tpu.memref_slice %arg4[%multiple_of3A_57] : memref<320000xi32, #tpu.memory_space<hbm>> -> memref<128xi32, #tpu.memory_space<hbm>>
        tpu.wait_dma2 semaphore(%run_scoped3A_64 : memref<!tpu.dma_semaphore, #tpu.memory_space<semaphore_mem>>) src(%dma_wait3A_68 : memref<128xi32, #tpu.memory_space<hbm>>) dst(%arg8 : memref<128xi32, #tpu.memory_space<vmem>>)
        tpu.yield
      }) : () -> ()
      %run_scoped3A_58 = arith.constant 0 : i32
      "tpu.region"() ({
        %run_scoped3A_64 = tpu.sem_alloc : memref<!tpu.dma_semaphore, #tpu.memory_space<semaphore_mem>>
        %dma_start3A_65 = arith.constant 0 : i32
        %dma_start3A_66 = tpu.memref_slice %arg9[%run_scoped3A_58, %dma_start3A_65] : memref<1x128xi32, #tpu.memory_space<vmem>> -> memref<1x128xi32, #tpu.memory_space<vmem>>
        %dma_start3A_67 = tpu.memref_squeeze %dma_start3A_66 : memref<1x128xi32, #tpu.memory_space<vmem>> -> memref<128xi32, #tpu.memory_space<vmem>>
        %dma_start3A_68 = tpu.memref_slice %arg3[%multiple_of3A_57] : memref<320000xi32, #tpu.memory_space<hbm>> -> memref<128xi32, #tpu.memory_space<hbm>>
        %dma_start3A_69 = arith.constant 0 : i32
        %dma_start3A_70 = tpu.memref_slice %arg9[%run_scoped3A_58, %dma_start3A_69] : memref<1x128xi32, #tpu.memory_space<vmem>> -> memref<1x128xi32, #tpu.memory_space<vmem>>
        %dma_start3A_71 = tpu.memref_squeeze %dma_start3A_70 : memref<1x128xi32, #tpu.memory_space<vmem>> -> memref<128xi32, #tpu.memory_space<vmem>>
        %dma_start3A_72 = tpu.memref_slice %arg3[%multiple_of3A_57] : memref<320000xi32, #tpu.memory_space<hbm>> -> memref<128xi32, #tpu.memory_space<hbm>>
        tpu.enqueue_dma source(%dma_start3A_72 : memref<128xi32, #tpu.memory_space<hbm>>) target(%dma_start3A_71 : memref<128xi32, #tpu.memory_space<vmem>>) target_semaphore(%run_scoped3A_64 : memref<!tpu.dma_semaphore, #tpu.memory_space<semaphore_mem>>)
        %dma_wait3A_73 = arith.constant 0 : i32
        %dma_wait3A_74 = tpu.memref_slice %arg9[%run_scoped3A_58, %dma_wait3A_73] : memref<1x128xi32, #tpu.memory_space<vmem>> -> memref<1x128xi32, #tpu.memory_space<vmem>>
        %dma_wait3A_75 = tpu.memref_squeeze %dma_wait3A_74 : memref<1x128xi32, #tpu.memory_space<vmem>> -> memref<128xi32, #tpu.memory_space<vmem>>
        %dma_wait3A_76 = tpu.memref_slice %arg3[%multiple_of3A_57] : memref<320000xi32, #tpu.memory_space<hbm>> -> memref<128xi32, #tpu.memory_space<hbm>>
        %dma_wait3A_77 = arith.constant 0 : i32
        %dma_wait3A_78 = tpu.memref_slice %arg9[%run_scoped3A_58, %dma_wait3A_77] : memref<1x128xi32, #tpu.memory_space<vmem>> -> memref<1x128xi32, #tpu.memory_space<vmem>>
        %dma_wait3A_79 = tpu.memref_squeeze %dma_wait3A_78 : memref<1x128xi32, #tpu.memory_space<vmem>> -> memref<128xi32, #tpu.memory_space<vmem>>
        %dma_wait3A_80 = tpu.memref_slice %arg3[%multiple_of3A_57] : memref<320000xi32, #tpu.memory_space<hbm>> -> memref<128xi32, #tpu.memory_space<hbm>>
        tpu.wait_dma2 semaphore(%run_scoped3A_64 : memref<!tpu.dma_semaphore, #tpu.memory_space<semaphore_mem>>) src(%dma_wait3A_80 : memref<128xi32, #tpu.memory_space<hbm>>) dst(%dma_wait3A_79 : memref<128xi32, #tpu.memory_space<vmem>>)
        tpu.yield
      }) : () -> ()
      %dma_start3A = arith.constant 0 : i32
      %dma_start3A_59 = arith.constant 0 : i32
      %dma_start3A_60 = tpu.memref_slice %arg2[%dma_start3A, %dma_start3A_59] : memref<10000x128xf32, #tpu.memory_space<hbm>> -> memref<10000x128xf32, #tpu.memory_space<hbm>>
      tpu.enqueue_indirect_dma source(%dma_start3A_60 : memref<10000x128xf32, #tpu.memory_space<hbm>>) target(%arg10 : memref<128x128xf32, #tpu.memory_space<vmem>>) offsets(%arg8 : memref<128xi32, #tpu.memory_space<vmem>>) semaphore(%arg11 : memref<!tpu.dma_semaphore, #tpu.memory_space<semaphore_mem>>)
      %dma_wait3A = arith.constant 0 : i32
      %dma_wait3A_61 = arith.constant 0 : i32
      %dma_wait3A_62 = tpu.memref_slice %arg2[%dma_wait3A, %dma_wait3A_61] : memref<10000x128xf32, #tpu.memory_space<hbm>> -> memref<10000x128xf32, #tpu.memory_space<hbm>>
      tpu.wait_indirect_dma semaphore(%arg11 : memref<!tpu.dma_semaphore, #tpu.memory_space<semaphore_mem>>) src(%dma_wait3A_62 : memref<10000x128xf32, #tpu.memory_space<hbm>>) dst(%arg10 : memref<128x128xf32, #tpu.memory_space<vmem>>)
      %run_scoped3A_63 = arith.constant 0 : i32
      "tpu.region"() ({
        %run_scoped3A_64 = tpu.sem_alloc : memref<!tpu.dma_semaphore, #tpu.memory_space<semaphore_mem>>
        %dma_start3A_65 = arith.constant 0 : i32
        %dma_start3A_66 = tpu.memref_slice %arg9[%run_scoped3A_63, %dma_start3A_65] : memref<1x128xi32, #tpu.memory_space<vmem>> -> memref<1x128xi32, #tpu.memory_space<vmem>>
        %dma_start3A_67 = tpu.memref_squeeze %dma_start3A_66 : memref<1x128xi32, #tpu.memory_space<vmem>> -> memref<128xi32, #tpu.memory_space<vmem>>
        %dma_start3A_68 = arith.constant 0 : i32
        %dma_start3A_69 = arith.constant 0 : i32
        %dma_start3A_70 = tpu.memref_slice %arg6[%dma_start3A_68, %dma_start3A_69] : memref<10240x128xf32, #tpu.memory_space<vmem_shared>> -> memref<10240x128xf32, #tpu.memory_space<vmem_shared>>
        tpu.enqueue_indirect_dma source(%arg10 : memref<128x128xf32, #tpu.memory_space<vmem>>) target(%dma_start3A_70 : memref<10240x128xf32, #tpu.memory_space<vmem_shared>>) offsets(%dma_start3A_67 : memref<128xi32, #tpu.memory_space<vmem>>) semaphore(%run_scoped3A_64 : memref<!tpu.dma_semaphore, #tpu.memory_space<semaphore_mem>>) {add = true}
        %dma_wait3A_71 = arith.constant 0 : i32
        %dma_wait3A_72 = tpu.memref_slice %arg9[%run_scoped3A_63, %dma_wait3A_71] : memref<1x128xi32, #tpu.memory_space<vmem>> -> memref<1x128xi32, #tpu.memory_space<vmem>>
        %dma_wait3A_73 = tpu.memref_squeeze %dma_wait3A_72 : memref<1x128xi32, #tpu.memory_space<vmem>> -> memref<128xi32, #tpu.memory_space<vmem>>
        %dma_wait3A_74 = arith.constant 0 : i32
        %dma_wait3A_75 = arith.constant 0 : i32
        %dma_wait3A_76 = tpu.memref_slice %arg6[%dma_wait3A_74, %dma_wait3A_75] : memref<10240x128xf32, #tpu.memory_space<vmem_shared>> -> memref<10240x128xf32, #tpu.memory_space<vmem_shared>>
        tpu.wait_indirect_dma semaphore(%run_scoped3A_64 : memref<!tpu.dma_semaphore, #tpu.memory_space<semaphore_mem>>) src(%arg10 : memref<128x128xf32, #tpu.memory_space<vmem>>) dst(%dma_wait3A_76 : memref<10240x128xf32, #tpu.memory_space<vmem_shared>>)
        tpu.yield
      }) : () -> ()
    }
    %scan3A_42 = arith.constant 78 : i32
    %lt3A_43 = arith.constant 4 : i32
    %lt3A_44 = arith.cmpi slt, %add3A, %lt3A_43 : i32
    %convert_element_type3A_45 = arith.extui %lt3A_44 : i1 to i32
    %cond3A_46 = arith.constant 0 : i32
    %cond3A_47 = arith.cmpi ne, %convert_element_type3A_45, %cond3A_46 : i32
    scf.if %cond3A_47 {
      %add3A_51 = arith.constant 2496 : i32
      %add3A_52 = arith.addi %add3A, %add3A_51 : i32
      %mul3A_53 = arith.constant 128 : i32
      %mul3A_54 = arith.muli %add3A_52, %mul3A_53 : i32
      %multiple_of3A_55 = tpu.assume_multiple %mul3A_54, 128 : i32
      "tpu.region"() ({
        %run_scoped3A_62 = tpu.sem_alloc : memref<!tpu.dma_semaphore, #tpu.memory_space<semaphore_mem>>
        %dma_start3A_63 = tpu.memref_slice %arg4[%multiple_of3A_55] : memref<320000xi32, #tpu.memory_space<hbm>> -> memref<128xi32, #tpu.memory_space<hbm>>
        %dma_start3A_64 = tpu.memref_slice %arg4[%multiple_of3A_55] : memref<320000xi32, #tpu.memory_space<hbm>> -> memref<128xi32, #tpu.memory_space<hbm>>
        tpu.enqueue_dma source(%dma_start3A_64 : memref<128xi32, #tpu.memory_space<hbm>>) target(%arg8 : memref<128xi32, #tpu.memory_space<vmem>>) target_semaphore(%run_scoped3A_62 : memref<!tpu.dma_semaphore, #tpu.memory_space<semaphore_mem>>)
        %dma_wait3A_65 = tpu.memref_slice %arg4[%multiple_of3A_55] : memref<320000xi32, #tpu.memory_space<hbm>> -> memref<128xi32, #tpu.memory_space<hbm>>
        %dma_wait3A_66 = tpu.memref_slice %arg4[%multiple_of3A_55] : memref<320000xi32, #tpu.memory_space<hbm>> -> memref<128xi32, #tpu.memory_space<hbm>>
        tpu.wait_dma2 semaphore(%run_scoped3A_62 : memref<!tpu.dma_semaphore, #tpu.memory_space<semaphore_mem>>) src(%dma_wait3A_66 : memref<128xi32, #tpu.memory_space<hbm>>) dst(%arg8 : memref<128xi32, #tpu.memory_space<vmem>>)
        tpu.yield
      }) : () -> ()
      %run_scoped3A_56 = arith.constant 0 : i32
      "tpu.region"() ({
        %run_scoped3A_62 = tpu.sem_alloc : memref<!tpu.dma_semaphore, #tpu.memory_space<semaphore_mem>>
        %dma_start3A_63 = arith.constant 0 : i32
        %dma_start3A_64 = tpu.memref_slice %arg9[%run_scoped3A_56, %dma_start3A_63] : memref<1x128xi32, #tpu.memory_space<vmem>> -> memref<1x128xi32, #tpu.memory_space<vmem>>
        %dma_start3A_65 = tpu.memref_squeeze %dma_start3A_64 : memref<1x128xi32, #tpu.memory_space<vmem>> -> memref<128xi32, #tpu.memory_space<vmem>>
        %dma_start3A_66 = tpu.memref_slice %arg3[%multiple_of3A_55] : memref<320000xi32, #tpu.memory_space<hbm>> -> memref<128xi32, #tpu.memory_space<hbm>>
        %dma_start3A_67 = arith.constant 0 : i32
        %dma_start3A_68 = tpu.memref_slice %arg9[%run_scoped3A_56, %dma_start3A_67] : memref<1x128xi32, #tpu.memory_space<vmem>> -> memref<1x128xi32, #tpu.memory_space<vmem>>
        %dma_start3A_69 = tpu.memref_squeeze %dma_start3A_68 : memref<1x128xi32, #tpu.memory_space<vmem>> -> memref<128xi32, #tpu.memory_space<vmem>>
        %dma_start3A_70 = tpu.memref_slice %arg3[%multiple_of3A_55] : memref<320000xi32, #tpu.memory_space<hbm>> -> memref<128xi32, #tpu.memory_space<hbm>>
        tpu.enqueue_dma source(%dma_start3A_70 : memref<128xi32, #tpu.memory_space<hbm>>) target(%dma_start3A_69 : memref<128xi32, #tpu.memory_space<vmem>>) target_semaphore(%run_scoped3A_62 : memref<!tpu.dma_semaphore, #tpu.memory_space<semaphore_mem>>)
        %dma_wait3A_71 = arith.constant 0 : i32
        %dma_wait3A_72 = tpu.memref_slice %arg9[%run_scoped3A_56, %dma_wait3A_71] : memref<1x128xi32, #tpu.memory_space<vmem>> -> memref<1x128xi32, #tpu.memory_space<vmem>>
        %dma_wait3A_73 = tpu.memref_squeeze %dma_wait3A_72 : memref<1x128xi32, #tpu.memory_space<vmem>> -> memref<128xi32, #tpu.memory_space<vmem>>
        %dma_wait3A_74 = tpu.memref_slice %arg3[%multiple_of3A_55] : memref<320000xi32, #tpu.memory_space<hbm>> -> memref<128xi32, #tpu.memory_space<hbm>>
        %dma_wait3A_75 = arith.constant 0 : i32
        %dma_wait3A_76 = tpu.memref_slice %arg9[%run_scoped3A_56, %dma_wait3A_75] : memref<1x128xi32, #tpu.memory_space<vmem>> -> memref<1x128xi32, #tpu.memory_space<vmem>>
        %dma_wait3A_77 = tpu.memref_squeeze %dma_wait3A_76 : memref<1x128xi32, #tpu.memory_space<vmem>> -> memref<128xi32, #tpu.memory_space<vmem>>
        %dma_wait3A_78 = tpu.memref_slice %arg3[%multiple_of3A_55] : memref<320000xi32, #tpu.memory_space<hbm>> -> memref<128xi32, #tpu.memory_space<hbm>>
        tpu.wait_dma2 semaphore(%run_scoped3A_62 : memref<!tpu.dma_semaphore, #tpu.memory_space<semaphore_mem>>) src(%dma_wait3A_78 : memref<128xi32, #tpu.memory_space<hbm>>) dst(%dma_wait3A_77 : memref<128xi32, #tpu.memory_space<vmem>>)
        tpu.yield
      }) : () -> ()
      %dma_start3A = arith.constant 0 : i32
      %dma_start3A_57 = arith.constant 0 : i32
      %dma_start3A_58 = tpu.memref_slice %arg2[%dma_start3A, %dma_start3A_57] : memref<10000x128xf32, #tpu.memory_space<hbm>> -> memref<10000x128xf32, #tpu.memory_space<hbm>>
      tpu.enqueue_indirect_dma source(%dma_start3A_58 : memref<10000x128xf32, #tpu.memory_space<hbm>>) target(%arg10 : memref<128x128xf32, #tpu.memory_space<vmem>>) offsets(%arg8 : memref<128xi32, #tpu.memory_space<vmem>>) semaphore(%arg11 : memref<!tpu.dma_semaphore, #tpu.memory_space<semaphore_mem>>)
      %dma_wait3A = arith.constant 0 : i32
      %dma_wait3A_59 = arith.constant 0 : i32
      %dma_wait3A_60 = tpu.memref_slice %arg2[%dma_wait3A, %dma_wait3A_59] : memref<10000x128xf32, #tpu.memory_space<hbm>> -> memref<10000x128xf32, #tpu.memory_space<hbm>>
      tpu.wait_indirect_dma semaphore(%arg11 : memref<!tpu.dma_semaphore, #tpu.memory_space<semaphore_mem>>) src(%dma_wait3A_60 : memref<10000x128xf32, #tpu.memory_space<hbm>>) dst(%arg10 : memref<128x128xf32, #tpu.memory_space<vmem>>)
      %run_scoped3A_61 = arith.constant 0 : i32
      "tpu.region"() ({
        %run_scoped3A_62 = tpu.sem_alloc : memref<!tpu.dma_semaphore, #tpu.memory_space<semaphore_mem>>
        %dma_start3A_63 = arith.constant 0 : i32
        %dma_start3A_64 = tpu.memref_slice %arg9[%run_scoped3A_61, %dma_start3A_63] : memref<1x128xi32, #tpu.memory_space<vmem>> -> memref<1x128xi32, #tpu.memory_space<vmem>>
        %dma_start3A_65 = tpu.memref_squeeze %dma_start3A_64 : memref<1x128xi32, #tpu.memory_space<vmem>> -> memref<128xi32, #tpu.memory_space<vmem>>
        %dma_start3A_66 = arith.constant 0 : i32
        %dma_start3A_67 = arith.constant 0 : i32
        %dma_start3A_68 = tpu.memref_slice %arg6[%dma_start3A_66, %dma_start3A_67] : memref<10240x128xf32, #tpu.memory_space<vmem_shared>> -> memref<10240x128xf32, #tpu.memory_space<vmem_shared>>
        tpu.enqueue_indirect_dma source(%arg10 : memref<128x128xf32, #tpu.memory_space<vmem>>) target(%dma_start3A_68 : memref<10240x128xf32, #tpu.memory_space<vmem_shared>>) offsets(%dma_start3A_65 : memref<128xi32, #tpu.memory_space<vmem>>) semaphore(%run_scoped3A_62 : memref<!tpu.dma_semaphore, #tpu.memory_space<semaphore_mem>>) {add = true}
        %dma_wait3A_69 = arith.constant 0 : i32
        %dma_wait3A_70 = tpu.memref_slice %arg9[%run_scoped3A_61, %dma_wait3A_69] : memref<1x128xi32, #tpu.memory_space<vmem>> -> memref<1x128xi32, #tpu.memory_space<vmem>>
        %dma_wait3A_71 = tpu.memref_squeeze %dma_wait3A_70 : memref<1x128xi32, #tpu.memory_space<vmem>> -> memref<128xi32, #tpu.memory_space<vmem>>
        %dma_wait3A_72 = arith.constant 0 : i32
        %dma_wait3A_73 = arith.constant 0 : i32
        %dma_wait3A_74 = tpu.memref_slice %arg6[%dma_wait3A_72, %dma_wait3A_73] : memref<10240x128xf32, #tpu.memory_space<vmem_shared>> -> memref<10240x128xf32, #tpu.memory_space<vmem_shared>>
        tpu.wait_indirect_dma semaphore(%run_scoped3A_62 : memref<!tpu.dma_semaphore, #tpu.memory_space<semaphore_mem>>) src(%arg10 : memref<128x128xf32, #tpu.memory_space<vmem>>) dst(%dma_wait3A_74 : memref<10240x128xf32, #tpu.memory_space<vmem_shared>>)
        tpu.yield
      }) : () -> ()
    } else {
    }
    %barrier3A_48 = arith.constant 0 : index
    tpu.barrier barrier_id(%barrier3A_48)
    %run_scoped3A_49 = arith.constant 1 : i32
    "tpu.region"() ({
      %run_scoped3A_51 = tpu.sem_alloc : memref<!tpu.dma_semaphore, #tpu.memory_space<semaphore_mem>>
      %dma_start3A = arith.constant 0 : i32
      %dma_start3A_52 = tpu.memref_slice %arg5[%arg0, %run_scoped3A_49, %multiple_of3A, %dma_start3A] : memref<2x2x10240x128xf32, #tpu.memory_space<hbm>> -> memref<1x1x640x128xf32, #tpu.memory_space<hbm>>
      %dma_start3A_53 = tpu.memref_squeeze %dma_start3A_52 : memref<1x1x640x128xf32, #tpu.memory_space<hbm>> -> memref<640x128xf32, #tpu.memory_space<hbm>>
      %dma_start3A_54 = arith.constant 0 : i32
      %dma_start3A_55 = tpu.memref_slice %arg6[%multiple_of3A, %dma_start3A_54] : memref<10240x128xf32, #tpu.memory_space<vmem_shared>> -> memref<640x128xf32, #tpu.memory_space<vmem_shared>>
      tpu.enqueue_dma source(%dma_start3A_55 : memref<640x128xf32, #tpu.memory_space<vmem_shared>>) target(%dma_start3A_53 : memref<640x128xf32, #tpu.memory_space<hbm>>) target_semaphore(%run_scoped3A_51 : memref<!tpu.dma_semaphore, #tpu.memory_space<semaphore_mem>>)
      %dma_wait3A = arith.constant 0 : i32
      %dma_wait3A_56 = tpu.memref_slice %arg5[%arg0, %run_scoped3A_49, %multiple_of3A, %dma_wait3A] : memref<2x2x10240x128xf32, #tpu.memory_space<hbm>> -> memref<1x1x640x128xf32, #tpu.memory_space<hbm>>
      %dma_wait3A_57 = tpu.memref_squeeze %dma_wait3A_56 : memref<1x1x640x128xf32, #tpu.memory_space<hbm>> -> memref<640x128xf32, #tpu.memory_space<hbm>>
      %dma_wait3A_58 = arith.constant 0 : i32
      %dma_wait3A_59 = tpu.memref_slice %arg6[%multiple_of3A, %dma_wait3A_58] : memref<10240x128xf32, #tpu.memory_space<vmem_shared>> -> memref<640x128xf32, #tpu.memory_space<vmem_shared>>
      tpu.wait_dma2 semaphore(%run_scoped3A_51 : memref<!tpu.dma_semaphore, #tpu.memory_space<semaphore_mem>>) src(%dma_wait3A_59 : memref<640x128xf32, #tpu.memory_space<vmem_shared>>) dst(%dma_wait3A_57 : memref<640x128xf32, #tpu.memory_space<hbm>>)
      tpu.yield
    }) : () -> ()
    %barrier3A_50 = arith.constant 0 : index
    tpu.barrier barrier_id(%barrier3A_50)
    return
  }
}

#map = affine_map<(d0, d1) -> (0, 0)>
#map1 = affine_map<(d0, d1) -> (0)>
#map2 = affine_map<(d0, d1) -> (0, 0, 0, 0)>
module attributes {stable_mosaic.version = 14 : i64} {
  func.func @agg_kernel(%arg0: i32, %arg1: i32, %arg2: memref<10000x128xf32, #tpu.memory_space<hbm>>, %arg3: memref<320000xi32, #tpu.memory_space<hbm>>, %arg4: memref<320000xi32, #tpu.memory_space<hbm>>, %arg5: memref<2x2x10240x128xf32, #tpu.memory_space<hbm>>, %arg6: memref<10240x128xf32, #tpu.memory_space<vmem_shared>>, %arg7: memref<128x128xf32, #tpu.memory_space<vmem>>, %arg8: memref<128xi32, #tpu.memory_space<vmem>>, %arg9: memref<1x128xi32, #tpu.memory_space<vmem>>, %arg10: memref<128x128xf32, #tpu.memory_space<vmem>>, %arg11: memref<!tpu.dma_semaphore, #tpu.memory_space<semaphore_mem>>) attributes {dimension_semantics = [#tpu.dimension_semantics<core_parallel>, #tpu.dimension_semantics<subcore_parallel>], iteration_bounds = array<i64: 2, 16>, scalar_prefetch = 0 : i64, scratch_operands = 6 : i64, tpu.core_type = #tpu.core_type<sc_vector_subcore>, window_params = [{transform_indices = #map}, {transform_indices = #map1}, {transform_indices = #map1}, {transform_indices = #map2}]} {
    %mul3A = arith.constant 16 : i32
    %mul3A_0 = arith.muli %arg0, %mul3A : i32
    %add3A = arith.addi %mul3A_0, %arg1 : i32
    %broadcast_in_dim3A = arith.constant 0.000000e+00 : f32
    %broadcast_in_dim3A_1 = vector.broadcast %broadcast_in_dim3A : f32 to vector<16xf32>
    %scan3A = arith.constant 0 : i32
    %scan3A_2 = arith.constant 128 : i32
    %scan3A_3 = arith.addi %scan3A, %scan3A_2 : i32
    %scan3A_4 = arith.constant 1 : i32
    scf.for %scan3A_51 = %scan3A to %scan3A_3 step %scan3A_4  : i32 {
      %swap3A = arith.index_cast %scan3A_51 : i32 to index
      %swap3A_52 = arith.constant 0 : index
      %swap3A_53 = tpu.vector_load %arg7[%swap3A, %swap3A_52] {strides = array<i32>} : memref<128x128xf32, #tpu.memory_space<vmem>>, vector<1x16xf32>,
      %swap3A_54 = vector.shape_cast %swap3A_53 : vector<1x16xf32> to vector<16xf32>
      %swap3A_55 = vector.shape_cast %broadcast_in_dim3A_1 : vector<16xf32> to vector<1x16xf32>
      tpu.vector_store %arg7[%swap3A, %swap3A_52], %swap3A_55 {strides = array<i32>} : memref<128x128xf32, #tpu.memory_space<vmem>>, vector<1x16xf32>,
      %swap3A_56 = arith.index_cast %scan3A_51 : i32 to index
      %swap3A_57 = arith.constant 16 : index
      %swap3A_58 = tpu.vector_load %arg7[%swap3A_56, %swap3A_57] {strides = array<i32>} : memref<128x128xf32, #tpu.memory_space<vmem>>, vector<1x16xf32>,
      %swap3A_59 = vector.shape_cast %swap3A_58 : vector<1x16xf32> to vector<16xf32>
      %swap3A_60 = vector.shape_cast %broadcast_in_dim3A_1 : vector<16xf32> to vector<1x16xf32>
      tpu.vector_store %arg7[%swap3A_56, %swap3A_57], %swap3A_60 {strides = array<i32>} : memref<128x128xf32, #tpu.memory_space<vmem>>, vector<1x16xf32>,
      %swap3A_61 = arith.index_cast %scan3A_51 : i32 to index
      %swap3A_62 = arith.constant 32 : index
      %swap3A_63 = tpu.vector_load %arg7[%swap3A_61, %swap3A_62] {strides = array<i32>} : memref<128x128xf32, #tpu.memory_space<vmem>>, vector<1x16xf32>,
      %swap3A_64 = vector.shape_cast %swap3A_63 : vector<1x16xf32> to vector<16xf32>
      %swap3A_65 = vector.shape_cast %broadcast_in_dim3A_1 : vector<16xf32> to vector<1x16xf32>
      tpu.vector_store %arg7[%swap3A_61, %swap3A_62], %swap3A_65 {strides = array<i32>} : memref<128x128xf32, #tpu.memory_space<vmem>>, vector<1x16xf32>,
      %swap3A_66 = arith.index_cast %scan3A_51 : i32 to index
      %swap3A_67 = arith.constant 48 : index
      %swap3A_68 = tpu.vector_load %arg7[%swap3A_66, %swap3A_67] {strides = array<i32>} : memref<128x128xf32, #tpu.memory_space<vmem>>, vector<1x16xf32>,
      %swap3A_69 = vector.shape_cast %swap3A_68 : vector<1x16xf32> to vector<16xf32>
      %swap3A_70 = vector.shape_cast %broadcast_in_dim3A_1 : vector<16xf32> to vector<1x16xf32>
      tpu.vector_store %arg7[%swap3A_66, %swap3A_67], %swap3A_70 {strides = array<i32>} : memref<128x128xf32, #tpu.memory_space<vmem>>, vector<1x16xf32>,
      %swap3A_71 = arith.index_cast %scan3A_51 : i32 to index
      %swap3A_72 = arith.constant 64 : index
      %swap3A_73 = tpu.vector_load %arg7[%swap3A_71, %swap3A_72] {strides = array<i32>} : memref<128x128xf32, #tpu.memory_space<vmem>>, vector<1x16xf32>,
      %swap3A_74 = vector.shape_cast %swap3A_73 : vector<1x16xf32> to vector<16xf32>
      %swap3A_75 = vector.shape_cast %broadcast_in_dim3A_1 : vector<16xf32> to vector<1x16xf32>
      tpu.vector_store %arg7[%swap3A_71, %swap3A_72], %swap3A_75 {strides = array<i32>} : memref<128x128xf32, #tpu.memory_space<vmem>>, vector<1x16xf32>,
      %swap3A_76 = arith.index_cast %scan3A_51 : i32 to index
      %swap3A_77 = arith.constant 80 : index
      %swap3A_78 = tpu.vector_load %arg7[%swap3A_76, %swap3A_77] {strides = array<i32>} : memref<128x128xf32, #tpu.memory_space<vmem>>, vector<1x16xf32>,
      %swap3A_79 = vector.shape_cast %swap3A_78 : vector<1x16xf32> to vector<16xf32>
      %swap3A_80 = vector.shape_cast %broadcast_in_dim3A_1 : vector<16xf32> to vector<1x16xf32>
      tpu.vector_store %arg7[%swap3A_76, %swap3A_77], %swap3A_80 {strides = array<i32>} : memref<128x128xf32, #tpu.memory_space<vmem>>, vector<1x16xf32>,
      %swap3A_81 = arith.index_cast %scan3A_51 : i32 to index
      %swap3A_82 = arith.constant 96 : index
      %swap3A_83 = tpu.vector_load %arg7[%swap3A_81, %swap3A_82] {strides = array<i32>} : memref<128x128xf32, #tpu.memory_space<vmem>>, vector<1x16xf32>,
      %swap3A_84 = vector.shape_cast %swap3A_83 : vector<1x16xf32> to vector<16xf32>
      %swap3A_85 = vector.shape_cast %broadcast_in_dim3A_1 : vector<16xf32> to vector<1x16xf32>
      tpu.vector_store %arg7[%swap3A_81, %swap3A_82], %swap3A_85 {strides = array<i32>} : memref<128x128xf32, #tpu.memory_space<vmem>>, vector<1x16xf32>,
      %swap3A_86 = arith.index_cast %scan3A_51 : i32 to index
      %swap3A_87 = arith.constant 112 : index
      %swap3A_88 = tpu.vector_load %arg7[%swap3A_86, %swap3A_87] {strides = array<i32>} : memref<128x128xf32, #tpu.memory_space<vmem>>, vector<1x16xf32>,
      %swap3A_89 = vector.shape_cast %swap3A_88 : vector<1x16xf32> to vector<16xf32>
      %swap3A_90 = vector.shape_cast %broadcast_in_dim3A_1 : vector<16xf32> to vector<1x16xf32>
      tpu.vector_store %arg7[%swap3A_86, %swap3A_87], %swap3A_90 {strides = array<i32>} : memref<128x128xf32, #tpu.memory_space<vmem>>, vector<1x16xf32>,
    }
    %scan3A_5 = arith.constant 128 : i32
    %mul3A_6 = arith.constant 640 : i32
    %mul3A_7 = arith.muli %arg1, %mul3A_6 : i32
    %multiple_of3A = tpu.assume_multiple %mul3A_7, 128 : i32
    %add3A_8 = arith.constant 0 : i32
    %add3A_9 = arith.addi %multiple_of3A, %add3A_8 : i32
    "tpu.region"() ({
      %run_scoped3A_51 = tpu.sem_alloc : memref<!tpu.dma_semaphore, #tpu.memory_space<semaphore_mem>>
      %dma_start3A = arith.constant 0 : i32
      %dma_start3A_52 = tpu.memref_slice %arg6[%add3A_9, %dma_start3A] : memref<10240x128xf32, #tpu.memory_space<vmem_shared>> -> memref<128x128xf32, #tpu.memory_space<vmem_shared>>
      %dma_start3A_53 = arith.constant 0 : i32
      %dma_start3A_54 = tpu.memref_slice %arg6[%add3A_9, %dma_start3A_53] : memref<10240x128xf32, #tpu.memory_space<vmem_shared>> -> memref<128x128xf32, #tpu.memory_space<vmem_shared>>
      tpu.enqueue_dma source(%arg7 : memref<128x128xf32, #tpu.memory_space<vmem>>) target(%dma_start3A_54 : memref<128x128xf32, #tpu.memory_space<vmem_shared>>) target_semaphore(%run_scoped3A_51 : memref<!tpu.dma_semaphore, #tpu.memory_space<semaphore_mem>>)
      %dma_wait3A = arith.constant 0 : i32
      %dma_wait3A_55 = tpu.memref_slice %arg6[%add3A_9, %dma_wait3A] : memref<10240x128xf32, #tpu.memory_space<vmem_shared>> -> memref<128x128xf32, #tpu.memory_space<vmem_shared>>
      %dma_wait3A_56 = arith.constant 0 : i32
      %dma_wait3A_57 = tpu.memref_slice %arg6[%add3A_9, %dma_wait3A_56] : memref<10240x128xf32, #tpu.memory_space<vmem_shared>> -> memref<128x128xf32, #tpu.memory_space<vmem_shared>>
      tpu.wait_dma2 semaphore(%run_scoped3A_51 : memref<!tpu.dma_semaphore, #tpu.memory_space<semaphore_mem>>) src(%arg7 : memref<128x128xf32, #tpu.memory_space<vmem>>) dst(%dma_wait3A_57 : memref<128x128xf32, #tpu.memory_space<vmem_shared>>)
      tpu.yield
    }) : () -> ()
    %add3A_10 = arith.constant 128 : i32
    %add3A_11 = arith.addi %multiple_of3A, %add3A_10 : i32
    "tpu.region"() ({
      %run_scoped3A_51 = tpu.sem_alloc : memref<!tpu.dma_semaphore, #tpu.memory_space<semaphore_mem>>
      %dma_start3A = arith.constant 0 : i32
      %dma_start3A_52 = tpu.memref_slice %arg6[%add3A_11, %dma_start3A] : memref<10240x128xf32, #tpu.memory_space<vmem_shared>> -> memref<128x128xf32, #tpu.memory_space<vmem_shared>>
      %dma_start3A_53 = arith.constant 0 : i32
      %dma_start3A_54 = tpu.memref_slice %arg6[%add3A_11, %dma_start3A_53] : memref<10240x128xf32, #tpu.memory_space<vmem_shared>> -> memref<128x128xf32, #tpu.memory_space<vmem_shared>>
      tpu.enqueue_dma source(%arg7 : memref<128x128xf32, #tpu.memory_space<vmem>>) target(%dma_start3A_54 : memref<128x128xf32, #tpu.memory_space<vmem_shared>>) target_semaphore(%run_scoped3A_51 : memref<!tpu.dma_semaphore, #tpu.memory_space<semaphore_mem>>)
      %dma_wait3A = arith.constant 0 : i32
      %dma_wait3A_55 = tpu.memref_slice %arg6[%add3A_11, %dma_wait3A] : memref<10240x128xf32, #tpu.memory_space<vmem_shared>> -> memref<128x128xf32, #tpu.memory_space<vmem_shared>>
      %dma_wait3A_56 = arith.constant 0 : i32
      %dma_wait3A_57 = tpu.memref_slice %arg6[%add3A_11, %dma_wait3A_56] : memref<10240x128xf32, #tpu.memory_space<vmem_shared>> -> memref<128x128xf32, #tpu.memory_space<vmem_shared>>
      tpu.wait_dma2 semaphore(%run_scoped3A_51 : memref<!tpu.dma_semaphore, #tpu.memory_space<semaphore_mem>>) src(%arg7 : memref<128x128xf32, #tpu.memory_space<vmem>>) dst(%dma_wait3A_57 : memref<128x128xf32, #tpu.memory_space<vmem_shared>>)
      tpu.yield
    }) : () -> ()
    %add3A_12 = arith.constant 256 : i32
    %add3A_13 = arith.addi %multiple_of3A, %add3A_12 : i32
    "tpu.region"() ({
      %run_scoped3A_51 = tpu.sem_alloc : memref<!tpu.dma_semaphore, #tpu.memory_space<semaphore_mem>>
      %dma_start3A = arith.constant 0 : i32
      %dma_start3A_52 = tpu.memref_slice %arg6[%add3A_13, %dma_start3A] : memref<10240x128xf32, #tpu.memory_space<vmem_shared>> -> memref<128x128xf32, #tpu.memory_space<vmem_shared>>
      %dma_start3A_53 = arith.constant 0 : i32
      %dma_start3A_54 = tpu.memref_slice %arg6[%add3A_13, %dma_start3A_53] : memref<10240x128xf32, #tpu.memory_space<vmem_shared>> -> memref<128x128xf32, #tpu.memory_space<vmem_shared>>
      tpu.enqueue_dma source(%arg7 : memref<128x128xf32, #tpu.memory_space<vmem>>) target(%dma_start3A_54 : memref<128x128xf32, #tpu.memory_space<vmem_shared>>) target_semaphore(%run_scoped3A_51 : memref<!tpu.dma_semaphore, #tpu.memory_space<semaphore_mem>>)
      %dma_wait3A = arith.constant 0 : i32
      %dma_wait3A_55 = tpu.memref_slice %arg6[%add3A_13, %dma_wait3A] : memref<10240x128xf32, #tpu.memory_space<vmem_shared>> -> memref<128x128xf32, #tpu.memory_space<vmem_shared>>
      %dma_wait3A_56 = arith.constant 0 : i32
      %dma_wait3A_57 = tpu.memref_slice %arg6[%add3A_13, %dma_wait3A_56] : memref<10240x128xf32, #tpu.memory_space<vmem_shared>> -> memref<128x128xf32, #tpu.memory_space<vmem_shared>>
      tpu.wait_dma2 semaphore(%run_scoped3A_51 : memref<!tpu.dma_semaphore, #tpu.memory_space<semaphore_mem>>) src(%arg7 : memref<128x128xf32, #tpu.memory_space<vmem>>) dst(%dma_wait3A_57 : memref<128x128xf32, #tpu.memory_space<vmem_shared>>)
      tpu.yield
    }) : () -> ()
    %add3A_14 = arith.constant 384 : i32
    %add3A_15 = arith.addi %multiple_of3A, %add3A_14 : i32
    "tpu.region"() ({
      %run_scoped3A_51 = tpu.sem_alloc : memref<!tpu.dma_semaphore, #tpu.memory_space<semaphore_mem>>
      %dma_start3A = arith.constant 0 : i32
      %dma_start3A_52 = tpu.memref_slice %arg6[%add3A_15, %dma_start3A] : memref<10240x128xf32, #tpu.memory_space<vmem_shared>> -> memref<128x128xf32, #tpu.memory_space<vmem_shared>>
      %dma_start3A_53 = arith.constant 0 : i32
      %dma_start3A_54 = tpu.memref_slice %arg6[%add3A_15, %dma_start3A_53] : memref<10240x128xf32, #tpu.memory_space<vmem_shared>> -> memref<128x128xf32, #tpu.memory_space<vmem_shared>>
      tpu.enqueue_dma source(%arg7 : memref<128x128xf32, #tpu.memory_space<vmem>>) target(%dma_start3A_54 : memref<128x128xf32, #tpu.memory_space<vmem_shared>>) target_semaphore(%run_scoped3A_51 : memref<!tpu.dma_semaphore, #tpu.memory_space<semaphore_mem>>)
      %dma_wait3A = arith.constant 0 : i32
      %dma_wait3A_55 = tpu.memref_slice %arg6[%add3A_15, %dma_wait3A] : memref<10240x128xf32, #tpu.memory_space<vmem_shared>> -> memref<128x128xf32, #tpu.memory_space<vmem_shared>>
      %dma_wait3A_56 = arith.constant 0 : i32
      %dma_wait3A_57 = tpu.memref_slice %arg6[%add3A_15, %dma_wait3A_56] : memref<10240x128xf32, #tpu.memory_space<vmem_shared>> -> memref<128x128xf32, #tpu.memory_space<vmem_shared>>
      tpu.wait_dma2 semaphore(%run_scoped3A_51 : memref<!tpu.dma_semaphore, #tpu.memory_space<semaphore_mem>>) src(%arg7 : memref<128x128xf32, #tpu.memory_space<vmem>>) dst(%dma_wait3A_57 : memref<128x128xf32, #tpu.memory_space<vmem_shared>>)
      tpu.yield
    }) : () -> ()
    %add3A_16 = arith.constant 512 : i32
    %add3A_17 = arith.addi %multiple_of3A, %add3A_16 : i32
    "tpu.region"() ({
      %run_scoped3A_51 = tpu.sem_alloc : memref<!tpu.dma_semaphore, #tpu.memory_space<semaphore_mem>>
      %dma_start3A = arith.constant 0 : i32
      %dma_start3A_52 = tpu.memref_slice %arg6[%add3A_17, %dma_start3A] : memref<10240x128xf32, #tpu.memory_space<vmem_shared>> -> memref<128x128xf32, #tpu.memory_space<vmem_shared>>
      %dma_start3A_53 = arith.constant 0 : i32
      %dma_start3A_54 = tpu.memref_slice %arg6[%add3A_17, %dma_start3A_53] : memref<10240x128xf32, #tpu.memory_space<vmem_shared>> -> memref<128x128xf32, #tpu.memory_space<vmem_shared>>
      tpu.enqueue_dma source(%arg7 : memref<128x128xf32, #tpu.memory_space<vmem>>) target(%dma_start3A_54 : memref<128x128xf32, #tpu.memory_space<vmem_shared>>) target_semaphore(%run_scoped3A_51 : memref<!tpu.dma_semaphore, #tpu.memory_space<semaphore_mem>>)
      %dma_wait3A = arith.constant 0 : i32
      %dma_wait3A_55 = tpu.memref_slice %arg6[%add3A_17, %dma_wait3A] : memref<10240x128xf32, #tpu.memory_space<vmem_shared>> -> memref<128x128xf32, #tpu.memory_space<vmem_shared>>
      %dma_wait3A_56 = arith.constant 0 : i32
      %dma_wait3A_57 = tpu.memref_slice %arg6[%add3A_17, %dma_wait3A_56] : memref<10240x128xf32, #tpu.memory_space<vmem_shared>> -> memref<128x128xf32, #tpu.memory_space<vmem_shared>>
      tpu.wait_dma2 semaphore(%run_scoped3A_51 : memref<!tpu.dma_semaphore, #tpu.memory_space<semaphore_mem>>) src(%arg7 : memref<128x128xf32, #tpu.memory_space<vmem>>) dst(%dma_wait3A_57 : memref<128x128xf32, #tpu.memory_space<vmem_shared>>)
      tpu.yield
    }) : () -> ()
    %barrier3A = arith.constant 0 : index
    tpu.barrier barrier_id(%barrier3A)
    %scan3A_18 = arith.constant 0 : i32
    %scan3A_19 = arith.constant 78 : i32
    %scan3A_20 = arith.addi %scan3A_18, %scan3A_19 : i32
    %scan3A_21 = arith.constant 1 : i32
    scf.for %scan3A_51 = %scan3A_18 to %scan3A_20 step %scan3A_21  : i32 {
      %mul3A_52 = arith.constant 32 : i32
      %mul3A_53 = arith.muli %scan3A_51, %mul3A_52 : i32
      %add3A_54 = arith.addi %add3A, %mul3A_53 : i32
      %mul3A_55 = arith.constant 128 : i32
      %mul3A_56 = arith.muli %add3A_54, %mul3A_55 : i32
      %multiple_of3A_57 = tpu.assume_multiple %mul3A_56, 128 : i32
      "tpu.region"() ({
        %run_scoped3A_64 = tpu.sem_alloc : memref<!tpu.dma_semaphore, #tpu.memory_space<semaphore_mem>>
        %dma_start3A_65 = tpu.memref_slice %arg3[%multiple_of3A_57] : memref<320000xi32, #tpu.memory_space<hbm>> -> memref<128xi32, #tpu.memory_space<hbm>>
        %dma_start3A_66 = tpu.memref_slice %arg3[%multiple_of3A_57] : memref<320000xi32, #tpu.memory_space<hbm>> -> memref<128xi32, #tpu.memory_space<hbm>>
        tpu.enqueue_dma source(%dma_start3A_66 : memref<128xi32, #tpu.memory_space<hbm>>) target(%arg8 : memref<128xi32, #tpu.memory_space<vmem>>) target_semaphore(%run_scoped3A_64 : memref<!tpu.dma_semaphore, #tpu.memory_space<semaphore_mem>>)
        %dma_wait3A_67 = tpu.memref_slice %arg3[%multiple_of3A_57] : memref<320000xi32, #tpu.memory_space<hbm>> -> memref<128xi32, #tpu.memory_space<hbm>>
        %dma_wait3A_68 = tpu.memref_slice %arg3[%multiple_of3A_57] : memref<320000xi32, #tpu.memory_space<hbm>> -> memref<128xi32, #tpu.memory_space<hbm>>
        tpu.wait_dma2 semaphore(%run_scoped3A_64 : memref<!tpu.dma_semaphore, #tpu.memory_space<semaphore_mem>>) src(%dma_wait3A_68 : memref<128xi32, #tpu.memory_space<hbm>>) dst(%arg8 : memref<128xi32, #tpu.memory_space<vmem>>)
        tpu.yield
      }) : () -> ()
      %run_scoped3A_58 = arith.constant 0 : i32
      "tpu.region"() ({
        %run_scoped3A_64 = tpu.sem_alloc : memref<!tpu.dma_semaphore, #tpu.memory_space<semaphore_mem>>
        %dma_start3A_65 = arith.constant 0 : i32
        %dma_start3A_66 = tpu.memref_slice %arg9[%run_scoped3A_58, %dma_start3A_65] : memref<1x128xi32, #tpu.memory_space<vmem>> -> memref<1x128xi32, #tpu.memory_space<vmem>>
        %dma_start3A_67 = tpu.memref_squeeze %dma_start3A_66 : memref<1x128xi32, #tpu.memory_space<vmem>> -> memref<128xi32, #tpu.memory_space<vmem>>
        %dma_start3A_68 = tpu.memref_slice %arg4[%multiple_of3A_57] : memref<320000xi32, #tpu.memory_space<hbm>> -> memref<128xi32, #tpu.memory_space<hbm>>
        %dma_start3A_69 = arith.constant 0 : i32
        %dma_start3A_70 = tpu.memref_slice %arg9[%run_scoped3A_58, %dma_start3A_69] : memref<1x128xi32, #tpu.memory_space<vmem>> -> memref<1x128xi32, #tpu.memory_space<vmem>>
        %dma_start3A_71 = tpu.memref_squeeze %dma_start3A_70 : memref<1x128xi32, #tpu.memory_space<vmem>> -> memref<128xi32, #tpu.memory_space<vmem>>
        %dma_start3A_72 = tpu.memref_slice %arg4[%multiple_of3A_57] : memref<320000xi32, #tpu.memory_space<hbm>> -> memref<128xi32, #tpu.memory_space<hbm>>
        tpu.enqueue_dma source(%dma_start3A_72 : memref<128xi32, #tpu.memory_space<hbm>>) target(%dma_start3A_71 : memref<128xi32, #tpu.memory_space<vmem>>) target_semaphore(%run_scoped3A_64 : memref<!tpu.dma_semaphore, #tpu.memory_space<semaphore_mem>>)
        %dma_wait3A_73 = arith.constant 0 : i32
        %dma_wait3A_74 = tpu.memref_slice %arg9[%run_scoped3A_58, %dma_wait3A_73] : memref<1x128xi32, #tpu.memory_space<vmem>> -> memref<1x128xi32, #tpu.memory_space<vmem>>
        %dma_wait3A_75 = tpu.memref_squeeze %dma_wait3A_74 : memref<1x128xi32, #tpu.memory_space<vmem>> -> memref<128xi32, #tpu.memory_space<vmem>>
        %dma_wait3A_76 = tpu.memref_slice %arg4[%multiple_of3A_57] : memref<320000xi32, #tpu.memory_space<hbm>> -> memref<128xi32, #tpu.memory_space<hbm>>
        %dma_wait3A_77 = arith.constant 0 : i32
        %dma_wait3A_78 = tpu.memref_slice %arg9[%run_scoped3A_58, %dma_wait3A_77] : memref<1x128xi32, #tpu.memory_space<vmem>> -> memref<1x128xi32, #tpu.memory_space<vmem>>
        %dma_wait3A_79 = tpu.memref_squeeze %dma_wait3A_78 : memref<1x128xi32, #tpu.memory_space<vmem>> -> memref<128xi32, #tpu.memory_space<vmem>>
        %dma_wait3A_80 = tpu.memref_slice %arg4[%multiple_of3A_57] : memref<320000xi32, #tpu.memory_space<hbm>> -> memref<128xi32, #tpu.memory_space<hbm>>
        tpu.wait_dma2 semaphore(%run_scoped3A_64 : memref<!tpu.dma_semaphore, #tpu.memory_space<semaphore_mem>>) src(%dma_wait3A_80 : memref<128xi32, #tpu.memory_space<hbm>>) dst(%dma_wait3A_79 : memref<128xi32, #tpu.memory_space<vmem>>)
        tpu.yield
      }) : () -> ()
      %dma_start3A = arith.constant 0 : i32
      %dma_start3A_59 = arith.constant 0 : i32
      %dma_start3A_60 = tpu.memref_slice %arg2[%dma_start3A, %dma_start3A_59] : memref<10000x128xf32, #tpu.memory_space<hbm>> -> memref<10000x128xf32, #tpu.memory_space<hbm>>
      tpu.enqueue_indirect_dma source(%dma_start3A_60 : memref<10000x128xf32, #tpu.memory_space<hbm>>) target(%arg10 : memref<128x128xf32, #tpu.memory_space<vmem>>) offsets(%arg8 : memref<128xi32, #tpu.memory_space<vmem>>) semaphore(%arg11 : memref<!tpu.dma_semaphore, #tpu.memory_space<semaphore_mem>>)
      %dma_wait3A = arith.constant 0 : i32
      %dma_wait3A_61 = arith.constant 0 : i32
      %dma_wait3A_62 = tpu.memref_slice %arg2[%dma_wait3A, %dma_wait3A_61] : memref<10000x128xf32, #tpu.memory_space<hbm>> -> memref<10000x128xf32, #tpu.memory_space<hbm>>
      tpu.wait_indirect_dma semaphore(%arg11 : memref<!tpu.dma_semaphore, #tpu.memory_space<semaphore_mem>>) src(%dma_wait3A_62 : memref<10000x128xf32, #tpu.memory_space<hbm>>) dst(%arg10 : memref<128x128xf32, #tpu.memory_space<vmem>>)
      %run_scoped3A_63 = arith.constant 0 : i32
      "tpu.region"() ({
        %run_scoped3A_64 = tpu.sem_alloc : memref<!tpu.dma_semaphore, #tpu.memory_space<semaphore_mem>>
        %dma_start3A_65 = arith.constant 0 : i32
        %dma_start3A_66 = tpu.memref_slice %arg9[%run_scoped3A_63, %dma_start3A_65] : memref<1x128xi32, #tpu.memory_space<vmem>> -> memref<1x128xi32, #tpu.memory_space<vmem>>
        %dma_start3A_67 = tpu.memref_squeeze %dma_start3A_66 : memref<1x128xi32, #tpu.memory_space<vmem>> -> memref<128xi32, #tpu.memory_space<vmem>>
        %dma_start3A_68 = arith.constant 0 : i32
        %dma_start3A_69 = arith.constant 0 : i32
        %dma_start3A_70 = tpu.memref_slice %arg6[%dma_start3A_68, %dma_start3A_69] : memref<10240x128xf32, #tpu.memory_space<vmem_shared>> -> memref<10240x128xf32, #tpu.memory_space<vmem_shared>>
        tpu.enqueue_indirect_dma source(%arg10 : memref<128x128xf32, #tpu.memory_space<vmem>>) target(%dma_start3A_70 : memref<10240x128xf32, #tpu.memory_space<vmem_shared>>) offsets(%dma_start3A_67 : memref<128xi32, #tpu.memory_space<vmem>>) semaphore(%run_scoped3A_64 : memref<!tpu.dma_semaphore, #tpu.memory_space<semaphore_mem>>) {add = true}
        %dma_wait3A_71 = arith.constant 0 : i32
        %dma_wait3A_72 = tpu.memref_slice %arg9[%run_scoped3A_63, %dma_wait3A_71] : memref<1x128xi32, #tpu.memory_space<vmem>> -> memref<1x128xi32, #tpu.memory_space<vmem>>
        %dma_wait3A_73 = tpu.memref_squeeze %dma_wait3A_72 : memref<1x128xi32, #tpu.memory_space<vmem>> -> memref<128xi32, #tpu.memory_space<vmem>>
        %dma_wait3A_74 = arith.constant 0 : i32
        %dma_wait3A_75 = arith.constant 0 : i32
        %dma_wait3A_76 = tpu.memref_slice %arg6[%dma_wait3A_74, %dma_wait3A_75] : memref<10240x128xf32, #tpu.memory_space<vmem_shared>> -> memref<10240x128xf32, #tpu.memory_space<vmem_shared>>
        tpu.wait_indirect_dma semaphore(%run_scoped3A_64 : memref<!tpu.dma_semaphore, #tpu.memory_space<semaphore_mem>>) src(%arg10 : memref<128x128xf32, #tpu.memory_space<vmem>>) dst(%dma_wait3A_76 : memref<10240x128xf32, #tpu.memory_space<vmem_shared>>)
        tpu.yield
      }) : () -> ()
    }
    %scan3A_22 = arith.constant 78 : i32
    %lt3A = arith.constant 4 : i32
    %lt3A_23 = arith.cmpi slt, %add3A, %lt3A : i32
    %convert_element_type3A = arith.extui %lt3A_23 : i1 to i32
    %cond3A = arith.constant 0 : i32
    %cond3A_24 = arith.cmpi ne, %convert_element_type3A, %cond3A : i32
    scf.if %cond3A_24 {
      %add3A_51 = arith.constant 2496 : i32
      %add3A_52 = arith.addi %add3A, %add3A_51 : i32
      %mul3A_53 = arith.constant 128 : i32
      %mul3A_54 = arith.muli %add3A_52, %mul3A_53 : i32
      %multiple_of3A_55 = tpu.assume_multiple %mul3A_54, 128 : i32
      "tpu.region"() ({
        %run_scoped3A_62 = tpu.sem_alloc : memref<!tpu.dma_semaphore, #tpu.memory_space<semaphore_mem>>
        %dma_start3A_63 = tpu.memref_slice %arg3[%multiple_of3A_55] : memref<320000xi32, #tpu.memory_space<hbm>> -> memref<128xi32, #tpu.memory_space<hbm>>
        %dma_start3A_64 = tpu.memref_slice %arg3[%multiple_of3A_55] : memref<320000xi32, #tpu.memory_space<hbm>> -> memref<128xi32, #tpu.memory_space<hbm>>
        tpu.enqueue_dma source(%dma_start3A_64 : memref<128xi32, #tpu.memory_space<hbm>>) target(%arg8 : memref<128xi32, #tpu.memory_space<vmem>>) target_semaphore(%run_scoped3A_62 : memref<!tpu.dma_semaphore, #tpu.memory_space<semaphore_mem>>)
        %dma_wait3A_65 = tpu.memref_slice %arg3[%multiple_of3A_55] : memref<320000xi32, #tpu.memory_space<hbm>> -> memref<128xi32, #tpu.memory_space<hbm>>
        %dma_wait3A_66 = tpu.memref_slice %arg3[%multiple_of3A_55] : memref<320000xi32, #tpu.memory_space<hbm>> -> memref<128xi32, #tpu.memory_space<hbm>>
        tpu.wait_dma2 semaphore(%run_scoped3A_62 : memref<!tpu.dma_semaphore, #tpu.memory_space<semaphore_mem>>) src(%dma_wait3A_66 : memref<128xi32, #tpu.memory_space<hbm>>) dst(%arg8 : memref<128xi32, #tpu.memory_space<vmem>>)
        tpu.yield
      }) : () -> ()
      %run_scoped3A_56 = arith.constant 0 : i32
      "tpu.region"() ({
        %run_scoped3A_62 = tpu.sem_alloc : memref<!tpu.dma_semaphore, #tpu.memory_space<semaphore_mem>>
        %dma_start3A_63 = arith.constant 0 : i32
        %dma_start3A_64 = tpu.memref_slice %arg9[%run_scoped3A_56, %dma_start3A_63] : memref<1x128xi32, #tpu.memory_space<vmem>> -> memref<1x128xi32, #tpu.memory_space<vmem>>
        %dma_start3A_65 = tpu.memref_squeeze %dma_start3A_64 : memref<1x128xi32, #tpu.memory_space<vmem>> -> memref<128xi32, #tpu.memory_space<vmem>>
        %dma_start3A_66 = tpu.memref_slice %arg4[%multiple_of3A_55] : memref<320000xi32, #tpu.memory_space<hbm>> -> memref<128xi32, #tpu.memory_space<hbm>>
        %dma_start3A_67 = arith.constant 0 : i32
        %dma_start3A_68 = tpu.memref_slice %arg9[%run_scoped3A_56, %dma_start3A_67] : memref<1x128xi32, #tpu.memory_space<vmem>> -> memref<1x128xi32, #tpu.memory_space<vmem>>
        %dma_start3A_69 = tpu.memref_squeeze %dma_start3A_68 : memref<1x128xi32, #tpu.memory_space<vmem>> -> memref<128xi32, #tpu.memory_space<vmem>>
        %dma_start3A_70 = tpu.memref_slice %arg4[%multiple_of3A_55] : memref<320000xi32, #tpu.memory_space<hbm>> -> memref<128xi32, #tpu.memory_space<hbm>>
        tpu.enqueue_dma source(%dma_start3A_70 : memref<128xi32, #tpu.memory_space<hbm>>) target(%dma_start3A_69 : memref<128xi32, #tpu.memory_space<vmem>>) target_semaphore(%run_scoped3A_62 : memref<!tpu.dma_semaphore, #tpu.memory_space<semaphore_mem>>)
        %dma_wait3A_71 = arith.constant 0 : i32
        %dma_wait3A_72 = tpu.memref_slice %arg9[%run_scoped3A_56, %dma_wait3A_71] : memref<1x128xi32, #tpu.memory_space<vmem>> -> memref<1x128xi32, #tpu.memory_space<vmem>>
        %dma_wait3A_73 = tpu.memref_squeeze %dma_wait3A_72 : memref<1x128xi32, #tpu.memory_space<vmem>> -> memref<128xi32, #tpu.memory_space<vmem>>
        %dma_wait3A_74 = tpu.memref_slice %arg4[%multiple_of3A_55] : memref<320000xi32, #tpu.memory_space<hbm>> -> memref<128xi32, #tpu.memory_space<hbm>>
        %dma_wait3A_75 = arith.constant 0 : i32
        %dma_wait3A_76 = tpu.memref_slice %arg9[%run_scoped3A_56, %dma_wait3A_75] : memref<1x128xi32, #tpu.memory_space<vmem>> -> memref<1x128xi32, #tpu.memory_space<vmem>>
        %dma_wait3A_77 = tpu.memref_squeeze %dma_wait3A_76 : memref<1x128xi32, #tpu.memory_space<vmem>> -> memref<128xi32, #tpu.memory_space<vmem>>
        %dma_wait3A_78 = tpu.memref_slice %arg4[%multiple_of3A_55] : memref<320000xi32, #tpu.memory_space<hbm>> -> memref<128xi32, #tpu.memory_space<hbm>>
        tpu.wait_dma2 semaphore(%run_scoped3A_62 : memref<!tpu.dma_semaphore, #tpu.memory_space<semaphore_mem>>) src(%dma_wait3A_78 : memref<128xi32, #tpu.memory_space<hbm>>) dst(%dma_wait3A_77 : memref<128xi32, #tpu.memory_space<vmem>>)
        tpu.yield
      }) : () -> ()
      %dma_start3A = arith.constant 0 : i32
      %dma_start3A_57 = arith.constant 0 : i32
      %dma_start3A_58 = tpu.memref_slice %arg2[%dma_start3A, %dma_start3A_57] : memref<10000x128xf32, #tpu.memory_space<hbm>> -> memref<10000x128xf32, #tpu.memory_space<hbm>>
      tpu.enqueue_indirect_dma source(%dma_start3A_58 : memref<10000x128xf32, #tpu.memory_space<hbm>>) target(%arg10 : memref<128x128xf32, #tpu.memory_space<vmem>>) offsets(%arg8 : memref<128xi32, #tpu.memory_space<vmem>>) semaphore(%arg11 : memref<!tpu.dma_semaphore, #tpu.memory_space<semaphore_mem>>)
      %dma_wait3A = arith.constant 0 : i32
      %dma_wait3A_59 = arith.constant 0 : i32
      %dma_wait3A_60 = tpu.memref_slice %arg2[%dma_wait3A, %dma_wait3A_59] : memref<10000x128xf32, #tpu.memory_space<hbm>> -> memref<10000x128xf32, #tpu.memory_space<hbm>>
      tpu.wait_indirect_dma semaphore(%arg11 : memref<!tpu.dma_semaphore, #tpu.memory_space<semaphore_mem>>) src(%dma_wait3A_60 : memref<10000x128xf32, #tpu.memory_space<hbm>>) dst(%arg10 : memref<128x128xf32, #tpu.memory_space<vmem>>)
      %run_scoped3A_61 = arith.constant 0 : i32
      "tpu.region"() ({
        %run_scoped3A_62 = tpu.sem_alloc : memref<!tpu.dma_semaphore, #tpu.memory_space<semaphore_mem>>
        %dma_start3A_63 = arith.constant 0 : i32
        %dma_start3A_64 = tpu.memref_slice %arg9[%run_scoped3A_61, %dma_start3A_63] : memref<1x128xi32, #tpu.memory_space<vmem>> -> memref<1x128xi32, #tpu.memory_space<vmem>>
        %dma_start3A_65 = tpu.memref_squeeze %dma_start3A_64 : memref<1x128xi32, #tpu.memory_space<vmem>> -> memref<128xi32, #tpu.memory_space<vmem>>
        %dma_start3A_66 = arith.constant 0 : i32
        %dma_start3A_67 = arith.constant 0 : i32
        %dma_start3A_68 = tpu.memref_slice %arg6[%dma_start3A_66, %dma_start3A_67] : memref<10240x128xf32, #tpu.memory_space<vmem_shared>> -> memref<10240x128xf32, #tpu.memory_space<vmem_shared>>
        tpu.enqueue_indirect_dma source(%arg10 : memref<128x128xf32, #tpu.memory_space<vmem>>) target(%dma_start3A_68 : memref<10240x128xf32, #tpu.memory_space<vmem_shared>>) offsets(%dma_start3A_65 : memref<128xi32, #tpu.memory_space<vmem>>) semaphore(%run_scoped3A_62 : memref<!tpu.dma_semaphore, #tpu.memory_space<semaphore_mem>>) {add = true}
        %dma_wait3A_69 = arith.constant 0 : i32
        %dma_wait3A_70 = tpu.memref_slice %arg9[%run_scoped3A_61, %dma_wait3A_69] : memref<1x128xi32, #tpu.memory_space<vmem>> -> memref<1x128xi32, #tpu.memory_space<vmem>>
        %dma_wait3A_71 = tpu.memref_squeeze %dma_wait3A_70 : memref<1x128xi32, #tpu.memory_space<vmem>> -> memref<128xi32, #tpu.memory_space<vmem>>
        %dma_wait3A_72 = arith.constant 0 : i32
        %dma_wait3A_73 = arith.constant 0 : i32
        %dma_wait3A_74 = tpu.memref_slice %arg6[%dma_wait3A_72, %dma_wait3A_73] : memref<10240x128xf32, #tpu.memory_space<vmem_shared>> -> memref<10240x128xf32, #tpu.memory_space<vmem_shared>>
        tpu.wait_indirect_dma semaphore(%run_scoped3A_62 : memref<!tpu.dma_semaphore, #tpu.memory_space<semaphore_mem>>) src(%arg10 : memref<128x128xf32, #tpu.memory_space<vmem>>) dst(%dma_wait3A_74 : memref<10240x128xf32, #tpu.memory_space<vmem_shared>>)
        tpu.yield
      }) : () -> ()
    } else {
    }
    %barrier3A_25 = arith.constant 0 : index
    tpu.barrier barrier_id(%barrier3A_25)
    %run_scoped3A = arith.constant 0 : i32
    "tpu.region"() ({
      %run_scoped3A_51 = tpu.sem_alloc : memref<!tpu.dma_semaphore, #tpu.memory_space<semaphore_mem>>
      %dma_start3A = arith.constant 0 : i32
      %dma_start3A_52 = tpu.memref_slice %arg5[%arg0, %run_scoped3A, %multiple_of3A, %dma_start3A] : memref<2x2x10240x128xf32, #tpu.memory_space<hbm>> -> memref<1x1x640x128xf32, #tpu.memory_space<hbm>>
      %dma_start3A_53 = tpu.memref_squeeze %dma_start3A_52 : memref<1x1x640x128xf32, #tpu.memory_space<hbm>> -> memref<640x128xf32, #tpu.memory_space<hbm>>
      %dma_start3A_54 = arith.constant 0 : i32
      %dma_start3A_55 = tpu.memref_slice %arg6[%multiple_of3A, %dma_start3A_54] : memref<10240x128xf32, #tpu.memory_space<vmem_shared>> -> memref<640x128xf32, #tpu.memory_space<vmem_shared>>
      tpu.enqueue_dma source(%dma_start3A_55 : memref<640x128xf32, #tpu.memory_space<vmem_shared>>) target(%dma_start3A_53 : memref<640x128xf32, #tpu.memory_space<hbm>>) target_semaphore(%run_scoped3A_51 : memref<!tpu.dma_semaphore, #tpu.memory_space<semaphore_mem>>)
      %dma_wait3A = arith.constant 0 : i32
      %dma_wait3A_56 = tpu.memref_slice %arg5[%arg0, %run_scoped3A, %multiple_of3A, %dma_wait3A] : memref<2x2x10240x128xf32, #tpu.memory_space<hbm>> -> memref<1x1x640x128xf32, #tpu.memory_space<hbm>>
      %dma_wait3A_57 = tpu.memref_squeeze %dma_wait3A_56 : memref<1x1x640x128xf32, #tpu.memory_space<hbm>> -> memref<640x128xf32, #tpu.memory_space<hbm>>
      %dma_wait3A_58 = arith.constant 0 : i32
      %dma_wait3A_59 = tpu.memref_slice %arg6[%multiple_of3A, %dma_wait3A_58] : memref<10240x128xf32, #tpu.memory_space<vmem_shared>> -> memref<640x128xf32, #tpu.memory_space<vmem_shared>>
      tpu.wait_dma2 semaphore(%run_scoped3A_51 : memref<!tpu.dma_semaphore, #tpu.memory_space<semaphore_mem>>) src(%dma_wait3A_59 : memref<640x128xf32, #tpu.memory_space<vmem_shared>>) dst(%dma_wait3A_57 : memref<640x128xf32, #tpu.memory_space<hbm>>)
      tpu.yield
    }) : () -> ()
    %barrier3A_26 = arith.constant 0 : index
    tpu.barrier barrier_id(%barrier3A_26)
    %add3A_27 = arith.constant 0 : i32
    %add3A_28 = arith.addi %multiple_of3A, %add3A_27 : i32
    "tpu.region"() ({
      %run_scoped3A_51 = tpu.sem_alloc : memref<!tpu.dma_semaphore, #tpu.memory_space<semaphore_mem>>
      %dma_start3A = arith.constant 0 : i32
      %dma_start3A_52 = tpu.memref_slice %arg6[%add3A_28, %dma_start3A] : memref<10240x128xf32, #tpu.memory_space<vmem_shared>> -> memref<128x128xf32, #tpu.memory_space<vmem_shared>>
      %dma_start3A_53 = arith.constant 0 : i32
      %dma_start3A_54 = tpu.memref_slice %arg6[%add3A_28, %dma_start3A_53] : memref<10240x128xf32, #tpu.memory_space<vmem_shared>> -> memref<128x128xf32, #tpu.memory_space<vmem_shared>>
      tpu.enqueue_dma source(%arg7 : memref<128x128xf32, #tpu.memory_space<vmem>>) target(%dma_start3A_54 : memref<128x128xf32, #tpu.memory_space<vmem_shared>>) target_semaphore(%run_scoped3A_51 : memref<!tpu.dma_semaphore, #tpu.memory_space<semaphore_mem>>)
      %dma_wait3A = arith.constant 0 : i32
      %dma_wait3A_55 = tpu.memref_slice %arg6[%add3A_28, %dma_wait3A] : memref<10240x128xf32, #tpu.memory_space<vmem_shared>> -> memref<128x128xf32, #tpu.memory_space<vmem_shared>>
      %dma_wait3A_56 = arith.constant 0 : i32
      %dma_wait3A_57 = tpu.memref_slice %arg6[%add3A_28, %dma_wait3A_56] : memref<10240x128xf32, #tpu.memory_space<vmem_shared>> -> memref<128x128xf32, #tpu.memory_space<vmem_shared>>
      tpu.wait_dma2 semaphore(%run_scoped3A_51 : memref<!tpu.dma_semaphore, #tpu.memory_space<semaphore_mem>>) src(%arg7 : memref<128x128xf32, #tpu.memory_space<vmem>>) dst(%dma_wait3A_57 : memref<128x128xf32, #tpu.memory_space<vmem_shared>>)
      tpu.yield
    }) : () -> ()
    %add3A_29 = arith.constant 128 : i32
    %add3A_30 = arith.addi %multiple_of3A, %add3A_29 : i32
    "tpu.region"() ({
      %run_scoped3A_51 = tpu.sem_alloc : memref<!tpu.dma_semaphore, #tpu.memory_space<semaphore_mem>>
      %dma_start3A = arith.constant 0 : i32
      %dma_start3A_52 = tpu.memref_slice %arg6[%add3A_30, %dma_start3A] : memref<10240x128xf32, #tpu.memory_space<vmem_shared>> -> memref<128x128xf32, #tpu.memory_space<vmem_shared>>
      %dma_start3A_53 = arith.constant 0 : i32
      %dma_start3A_54 = tpu.memref_slice %arg6[%add3A_30, %dma_start3A_53] : memref<10240x128xf32, #tpu.memory_space<vmem_shared>> -> memref<128x128xf32, #tpu.memory_space<vmem_shared>>
      tpu.enqueue_dma source(%arg7 : memref<128x128xf32, #tpu.memory_space<vmem>>) target(%dma_start3A_54 : memref<128x128xf32, #tpu.memory_space<vmem_shared>>) target_semaphore(%run_scoped3A_51 : memref<!tpu.dma_semaphore, #tpu.memory_space<semaphore_mem>>)
      %dma_wait3A = arith.constant 0 : i32
      %dma_wait3A_55 = tpu.memref_slice %arg6[%add3A_30, %dma_wait3A] : memref<10240x128xf32, #tpu.memory_space<vmem_shared>> -> memref<128x128xf32, #tpu.memory_space<vmem_shared>>
      %dma_wait3A_56 = arith.constant 0 : i32
      %dma_wait3A_57 = tpu.memref_slice %arg6[%add3A_30, %dma_wait3A_56] : memref<10240x128xf32, #tpu.memory_space<vmem_shared>> -> memref<128x128xf32, #tpu.memory_space<vmem_shared>>
      tpu.wait_dma2 semaphore(%run_scoped3A_51 : memref<!tpu.dma_semaphore, #tpu.memory_space<semaphore_mem>>) src(%arg7 : memref<128x128xf32, #tpu.memory_space<vmem>>) dst(%dma_wait3A_57 : memref<128x128xf32, #tpu.memory_space<vmem_shared>>)
      tpu.yield
    }) : () -> ()
    %add3A_31 = arith.constant 256 : i32
    %add3A_32 = arith.addi %multiple_of3A, %add3A_31 : i32
    "tpu.region"() ({
      %run_scoped3A_51 = tpu.sem_alloc : memref<!tpu.dma_semaphore, #tpu.memory_space<semaphore_mem>>
      %dma_start3A = arith.constant 0 : i32
      %dma_start3A_52 = tpu.memref_slice %arg6[%add3A_32, %dma_start3A] : memref<10240x128xf32, #tpu.memory_space<vmem_shared>> -> memref<128x128xf32, #tpu.memory_space<vmem_shared>>
      %dma_start3A_53 = arith.constant 0 : i32
      %dma_start3A_54 = tpu.memref_slice %arg6[%add3A_32, %dma_start3A_53] : memref<10240x128xf32, #tpu.memory_space<vmem_shared>> -> memref<128x128xf32, #tpu.memory_space<vmem_shared>>
      tpu.enqueue_dma source(%arg7 : memref<128x128xf32, #tpu.memory_space<vmem>>) target(%dma_start3A_54 : memref<128x128xf32, #tpu.memory_space<vmem_shared>>) target_semaphore(%run_scoped3A_51 : memref<!tpu.dma_semaphore, #tpu.memory_space<semaphore_mem>>)
      %dma_wait3A = arith.constant 0 : i32
      %dma_wait3A_55 = tpu.memref_slice %arg6[%add3A_32, %dma_wait3A] : memref<10240x128xf32, #tpu.memory_space<vmem_shared>> -> memref<128x128xf32, #tpu.memory_space<vmem_shared>>
      %dma_wait3A_56 = arith.constant 0 : i32
      %dma_wait3A_57 = tpu.memref_slice %arg6[%add3A_32, %dma_wait3A_56] : memref<10240x128xf32, #tpu.memory_space<vmem_shared>> -> memref<128x128xf32, #tpu.memory_space<vmem_shared>>
      tpu.wait_dma2 semaphore(%run_scoped3A_51 : memref<!tpu.dma_semaphore, #tpu.memory_space<semaphore_mem>>) src(%arg7 : memref<128x128xf32, #tpu.memory_space<vmem>>) dst(%dma_wait3A_57 : memref<128x128xf32, #tpu.memory_space<vmem_shared>>)
      tpu.yield
    }) : () -> ()
    %add3A_33 = arith.constant 384 : i32
    %add3A_34 = arith.addi %multiple_of3A, %add3A_33 : i32
    "tpu.region"() ({
      %run_scoped3A_51 = tpu.sem_alloc : memref<!tpu.dma_semaphore, #tpu.memory_space<semaphore_mem>>
      %dma_start3A = arith.constant 0 : i32
      %dma_start3A_52 = tpu.memref_slice %arg6[%add3A_34, %dma_start3A] : memref<10240x128xf32, #tpu.memory_space<vmem_shared>> -> memref<128x128xf32, #tpu.memory_space<vmem_shared>>
      %dma_start3A_53 = arith.constant 0 : i32
      %dma_start3A_54 = tpu.memref_slice %arg6[%add3A_34, %dma_start3A_53] : memref<10240x128xf32, #tpu.memory_space<vmem_shared>> -> memref<128x128xf32, #tpu.memory_space<vmem_shared>>
      tpu.enqueue_dma source(%arg7 : memref<128x128xf32, #tpu.memory_space<vmem>>) target(%dma_start3A_54 : memref<128x128xf32, #tpu.memory_space<vmem_shared>>) target_semaphore(%run_scoped3A_51 : memref<!tpu.dma_semaphore, #tpu.memory_space<semaphore_mem>>)
      %dma_wait3A = arith.constant 0 : i32
      %dma_wait3A_55 = tpu.memref_slice %arg6[%add3A_34, %dma_wait3A] : memref<10240x128xf32, #tpu.memory_space<vmem_shared>> -> memref<128x128xf32, #tpu.memory_space<vmem_shared>>
      %dma_wait3A_56 = arith.constant 0 : i32
      %dma_wait3A_57 = tpu.memref_slice %arg6[%add3A_34, %dma_wait3A_56] : memref<10240x128xf32, #tpu.memory_space<vmem_shared>> -> memref<128x128xf32, #tpu.memory_space<vmem_shared>>
      tpu.wait_dma2 semaphore(%run_scoped3A_51 : memref<!tpu.dma_semaphore, #tpu.memory_space<semaphore_mem>>) src(%arg7 : memref<128x128xf32, #tpu.memory_space<vmem>>) dst(%dma_wait3A_57 : memref<128x128xf32, #tpu.memory_space<vmem_shared>>)
      tpu.yield
    }) : () -> ()
    %add3A_35 = arith.constant 512 : i32
    %add3A_36 = arith.addi %multiple_of3A, %add3A_35 : i32
    "tpu.region"() ({
      %run_scoped3A_51 = tpu.sem_alloc : memref<!tpu.dma_semaphore, #tpu.memory_space<semaphore_mem>>
      %dma_start3A = arith.constant 0 : i32
      %dma_start3A_52 = tpu.memref_slice %arg6[%add3A_36, %dma_start3A] : memref<10240x128xf32, #tpu.memory_space<vmem_shared>> -> memref<128x128xf32, #tpu.memory_space<vmem_shared>>
      %dma_start3A_53 = arith.constant 0 : i32
      %dma_start3A_54 = tpu.memref_slice %arg6[%add3A_36, %dma_start3A_53] : memref<10240x128xf32, #tpu.memory_space<vmem_shared>> -> memref<128x128xf32, #tpu.memory_space<vmem_shared>>
      tpu.enqueue_dma source(%arg7 : memref<128x128xf32, #tpu.memory_space<vmem>>) target(%dma_start3A_54 : memref<128x128xf32, #tpu.memory_space<vmem_shared>>) target_semaphore(%run_scoped3A_51 : memref<!tpu.dma_semaphore, #tpu.memory_space<semaphore_mem>>)
      %dma_wait3A = arith.constant 0 : i32
      %dma_wait3A_55 = tpu.memref_slice %arg6[%add3A_36, %dma_wait3A] : memref<10240x128xf32, #tpu.memory_space<vmem_shared>> -> memref<128x128xf32, #tpu.memory_space<vmem_shared>>
      %dma_wait3A_56 = arith.constant 0 : i32
      %dma_wait3A_57 = tpu.memref_slice %arg6[%add3A_36, %dma_wait3A_56] : memref<10240x128xf32, #tpu.memory_space<vmem_shared>> -> memref<128x128xf32, #tpu.memory_space<vmem_shared>>
      tpu.wait_dma2 semaphore(%run_scoped3A_51 : memref<!tpu.dma_semaphore, #tpu.memory_space<semaphore_mem>>) src(%arg7 : memref<128x128xf32, #tpu.memory_space<vmem>>) dst(%dma_wait3A_57 : memref<128x128xf32, #tpu.memory_space<vmem_shared>>)
      tpu.yield
    }) : () -> ()
    %barrier3A_37 = arith.constant 0 : index
    tpu.barrier barrier_id(%barrier3A_37)
    %scan3A_38 = arith.constant 0 : i32
    %scan3A_39 = arith.constant 78 : i32
    %scan3A_40 = arith.addi %scan3A_38, %scan3A_39 : i32
    %scan3A_41 = arith.constant 1 : i32
    scf.for %scan3A_51 = %scan3A_38 to %scan3A_40 step %scan3A_41  : i32 {
      %mul3A_52 = arith.constant 32 : i32
      %mul3A_53 = arith.muli %scan3A_51, %mul3A_52 : i32
      %add3A_54 = arith.addi %add3A, %mul3A_53 : i32
      %mul3A_55 = arith.constant 128 : i32
      %mul3A_56 = arith.muli %add3A_54, %mul3A_55 : i32
      %multiple_of3A_57 = tpu.assume_multiple %mul3A_56, 128 : i32
      "tpu.region"() ({
        %run_scoped3A_64 = tpu.sem_alloc : memref<!tpu.dma_semaphore, #tpu.memory_space<semaphore_mem>>
        %dma_start3A_65 = tpu.memref_slice %arg4[%multiple_of3A_57] : memref<320000xi32, #tpu.memory_space<hbm>> -> memref<128xi32, #tpu.memory_space<hbm>>
        %dma_start3A_66 = tpu.memref_slice %arg4[%multiple_of3A_57] : memref<320000xi32, #tpu.memory_space<hbm>> -> memref<128xi32, #tpu.memory_space<hbm>>
        tpu.enqueue_dma source(%dma_start3A_66 : memref<128xi32, #tpu.memory_space<hbm>>) target(%arg8 : memref<128xi32, #tpu.memory_space<vmem>>) target_semaphore(%run_scoped3A_64 : memref<!tpu.dma_semaphore, #tpu.memory_space<semaphore_mem>>)
        %dma_wait3A_67 = tpu.memref_slice %arg4[%multiple_of3A_57] : memref<320000xi32, #tpu.memory_space<hbm>> -> memref<128xi32, #tpu.memory_space<hbm>>
        %dma_wait3A_68 = tpu.memref_slice %arg4[%multiple_of3A_57] : memref<320000xi32, #tpu.memory_space<hbm>> -> memref<128xi32, #tpu.memory_space<hbm>>
        tpu.wait_dma2 semaphore(%run_scoped3A_64 : memref<!tpu.dma_semaphore, #tpu.memory_space<semaphore_mem>>) src(%dma_wait3A_68 : memref<128xi32, #tpu.memory_space<hbm>>) dst(%arg8 : memref<128xi32, #tpu.memory_space<vmem>>)
        tpu.yield
      }) : () -> ()
      %run_scoped3A_58 = arith.constant 0 : i32
      "tpu.region"() ({
        %run_scoped3A_64 = tpu.sem_alloc : memref<!tpu.dma_semaphore, #tpu.memory_space<semaphore_mem>>
        %dma_start3A_65 = arith.constant 0 : i32
        %dma_start3A_66 = tpu.memref_slice %arg9[%run_scoped3A_58, %dma_start3A_65] : memref<1x128xi32, #tpu.memory_space<vmem>> -> memref<1x128xi32, #tpu.memory_space<vmem>>
        %dma_start3A_67 = tpu.memref_squeeze %dma_start3A_66 : memref<1x128xi32, #tpu.memory_space<vmem>> -> memref<128xi32, #tpu.memory_space<vmem>>
        %dma_start3A_68 = tpu.memref_slice %arg3[%multiple_of3A_57] : memref<320000xi32, #tpu.memory_space<hbm>> -> memref<128xi32, #tpu.memory_space<hbm>>
        %dma_start3A_69 = arith.constant 0 : i32
        %dma_start3A_70 = tpu.memref_slice %arg9[%run_scoped3A_58, %dma_start3A_69] : memref<1x128xi32, #tpu.memory_space<vmem>> -> memref<1x128xi32, #tpu.memory_space<vmem>>
        %dma_start3A_71 = tpu.memref_squeeze %dma_start3A_70 : memref<1x128xi32, #tpu.memory_space<vmem>> -> memref<128xi32, #tpu.memory_space<vmem>>
        %dma_start3A_72 = tpu.memref_slice %arg3[%multiple_of3A_57] : memref<320000xi32, #tpu.memory_space<hbm>> -> memref<128xi32, #tpu.memory_space<hbm>>
        tpu.enqueue_dma source(%dma_start3A_72 : memref<128xi32, #tpu.memory_space<hbm>>) target(%dma_start3A_71 : memref<128xi32, #tpu.memory_space<vmem>>) target_semaphore(%run_scoped3A_64 : memref<!tpu.dma_semaphore, #tpu.memory_space<semaphore_mem>>)
        %dma_wait3A_73 = arith.constant 0 : i32
        %dma_wait3A_74 = tpu.memref_slice %arg9[%run_scoped3A_58, %dma_wait3A_73] : memref<1x128xi32, #tpu.memory_space<vmem>> -> memref<1x128xi32, #tpu.memory_space<vmem>>
        %dma_wait3A_75 = tpu.memref_squeeze %dma_wait3A_74 : memref<1x128xi32, #tpu.memory_space<vmem>> -> memref<128xi32, #tpu.memory_space<vmem>>
        %dma_wait3A_76 = tpu.memref_slice %arg3[%multiple_of3A_57] : memref<320000xi32, #tpu.memory_space<hbm>> -> memref<128xi32, #tpu.memory_space<hbm>>
        %dma_wait3A_77 = arith.constant 0 : i32
        %dma_wait3A_78 = tpu.memref_slice %arg9[%run_scoped3A_58, %dma_wait3A_77] : memref<1x128xi32, #tpu.memory_space<vmem>> -> memref<1x128xi32, #tpu.memory_space<vmem>>
        %dma_wait3A_79 = tpu.memref_squeeze %dma_wait3A_78 : memref<1x128xi32, #tpu.memory_space<vmem>> -> memref<128xi32, #tpu.memory_space<vmem>>
        %dma_wait3A_80 = tpu.memref_slice %arg3[%multiple_of3A_57] : memref<320000xi32, #tpu.memory_space<hbm>> -> memref<128xi32, #tpu.memory_space<hbm>>
        tpu.wait_dma2 semaphore(%run_scoped3A_64 : memref<!tpu.dma_semaphore, #tpu.memory_space<semaphore_mem>>) src(%dma_wait3A_80 : memref<128xi32, #tpu.memory_space<hbm>>) dst(%dma_wait3A_79 : memref<128xi32, #tpu.memory_space<vmem>>)
        tpu.yield
      }) : () -> ()
      %dma_start3A = arith.constant 0 : i32
      %dma_start3A_59 = arith.constant 0 : i32
      %dma_start3A_60 = tpu.memref_slice %arg2[%dma_start3A, %dma_start3A_59] : memref<10000x128xf32, #tpu.memory_space<hbm>> -> memref<10000x128xf32, #tpu.memory_space<hbm>>
      tpu.enqueue_indirect_dma source(%dma_start3A_60 : memref<10000x128xf32, #tpu.memory_space<hbm>>) target(%arg10 : memref<128x128xf32, #tpu.memory_space<vmem>>) offsets(%arg8 : memref<128xi32, #tpu.memory_space<vmem>>) semaphore(%arg11 : memref<!tpu.dma_semaphore, #tpu.memory_space<semaphore_mem>>)
      %dma_wait3A = arith.constant 0 : i32
      %dma_wait3A_61 = arith.constant 0 : i32
      %dma_wait3A_62 = tpu.memref_slice %arg2[%dma_wait3A, %dma_wait3A_61] : memref<10000x128xf32, #tpu.memory_space<hbm>> -> memref<10000x128xf32, #tpu.memory_space<hbm>>
      tpu.wait_indirect_dma semaphore(%arg11 : memref<!tpu.dma_semaphore, #tpu.memory_space<semaphore_mem>>) src(%dma_wait3A_62 : memref<10000x128xf32, #tpu.memory_space<hbm>>) dst(%arg10 : memref<128x128xf32, #tpu.memory_space<vmem>>)
      %run_scoped3A_63 = arith.constant 0 : i32
      "tpu.region"() ({
        %run_scoped3A_64 = tpu.sem_alloc : memref<!tpu.dma_semaphore, #tpu.memory_space<semaphore_mem>>
        %dma_start3A_65 = arith.constant 0 : i32
        %dma_start3A_66 = tpu.memref_slice %arg9[%run_scoped3A_63, %dma_start3A_65] : memref<1x128xi32, #tpu.memory_space<vmem>> -> memref<1x128xi32, #tpu.memory_space<vmem>>
        %dma_start3A_67 = tpu.memref_squeeze %dma_start3A_66 : memref<1x128xi32, #tpu.memory_space<vmem>> -> memref<128xi32, #tpu.memory_space<vmem>>
        %dma_start3A_68 = arith.constant 0 : i32
        %dma_start3A_69 = arith.constant 0 : i32
        %dma_start3A_70 = tpu.memref_slice %arg6[%dma_start3A_68, %dma_start3A_69] : memref<10240x128xf32, #tpu.memory_space<vmem_shared>> -> memref<10240x128xf32, #tpu.memory_space<vmem_shared>>
        tpu.enqueue_indirect_dma source(%arg10 : memref<128x128xf32, #tpu.memory_space<vmem>>) target(%dma_start3A_70 : memref<10240x128xf32, #tpu.memory_space<vmem_shared>>) offsets(%dma_start3A_67 : memref<128xi32, #tpu.memory_space<vmem>>) semaphore(%run_scoped3A_64 : memref<!tpu.dma_semaphore, #tpu.memory_space<semaphore_mem>>) {add = true}
        %dma_wait3A_71 = arith.constant 0 : i32
        %dma_wait3A_72 = tpu.memref_slice %arg9[%run_scoped3A_63, %dma_wait3A_71] : memref<1x128xi32, #tpu.memory_space<vmem>> -> memref<1x128xi32, #tpu.memory_space<vmem>>
        %dma_wait3A_73 = tpu.memref_squeeze %dma_wait3A_72 : memref<1x128xi32, #tpu.memory_space<vmem>> -> memref<128xi32, #tpu.memory_space<vmem>>
        %dma_wait3A_74 = arith.constant 0 : i32
        %dma_wait3A_75 = arith.constant 0 : i32
        %dma_wait3A_76 = tpu.memref_slice %arg6[%dma_wait3A_74, %dma_wait3A_75] : memref<10240x128xf32, #tpu.memory_space<vmem_shared>> -> memref<10240x128xf32, #tpu.memory_space<vmem_shared>>
        tpu.wait_indirect_dma semaphore(%run_scoped3A_64 : memref<!tpu.dma_semaphore, #tpu.memory_space<semaphore_mem>>) src(%arg10 : memref<128x128xf32, #tpu.memory_space<vmem>>) dst(%dma_wait3A_76 : memref<10240x128xf32, #tpu.memory_space<vmem_shared>>)
        tpu.yield
      }) : () -> ()
    }
    %scan3A_42 = arith.constant 78 : i32
    %lt3A_43 = arith.constant 4 : i32
    %lt3A_44 = arith.cmpi slt, %add3A, %lt3A_43 : i32
    %convert_element_type3A_45 = arith.extui %lt3A_44 : i1 to i32
    %cond3A_46 = arith.constant 0 : i32
    %cond3A_47 = arith.cmpi ne, %convert_element_type3A_45, %cond3A_46 : i32
    scf.if %cond3A_47 {
      %add3A_51 = arith.constant 2496 : i32
      %add3A_52 = arith.addi %add3A, %add3A_51 : i32
      %mul3A_53 = arith.constant 128 : i32
      %mul3A_54 = arith.muli %add3A_52, %mul3A_53 : i32
      %multiple_of3A_55 = tpu.assume_multiple %mul3A_54, 128 : i32
      "tpu.region"() ({
        %run_scoped3A_62 = tpu.sem_alloc : memref<!tpu.dma_semaphore, #tpu.memory_space<semaphore_mem>>
        %dma_start3A_63 = tpu.memref_slice %arg4[%multiple_of3A_55] : memref<320000xi32, #tpu.memory_space<hbm>> -> memref<128xi32, #tpu.memory_space<hbm>>
        %dma_start3A_64 = tpu.memref_slice %arg4[%multiple_of3A_55] : memref<320000xi32, #tpu.memory_space<hbm>> -> memref<128xi32, #tpu.memory_space<hbm>>
        tpu.enqueue_dma source(%dma_start3A_64 : memref<128xi32, #tpu.memory_space<hbm>>) target(%arg8 : memref<128xi32, #tpu.memory_space<vmem>>) target_semaphore(%run_scoped3A_62 : memref<!tpu.dma_semaphore, #tpu.memory_space<semaphore_mem>>)
        %dma_wait3A_65 = tpu.memref_slice %arg4[%multiple_of3A_55] : memref<320000xi32, #tpu.memory_space<hbm>> -> memref<128xi32, #tpu.memory_space<hbm>>
        %dma_wait3A_66 = tpu.memref_slice %arg4[%multiple_of3A_55] : memref<320000xi32, #tpu.memory_space<hbm>> -> memref<128xi32, #tpu.memory_space<hbm>>
        tpu.wait_dma2 semaphore(%run_scoped3A_62 : memref<!tpu.dma_semaphore, #tpu.memory_space<semaphore_mem>>) src(%dma_wait3A_66 : memref<128xi32, #tpu.memory_space<hbm>>) dst(%arg8 : memref<128xi32, #tpu.memory_space<vmem>>)
        tpu.yield
      }) : () -> ()
      %run_scoped3A_56 = arith.constant 0 : i32
      "tpu.region"() ({
        %run_scoped3A_62 = tpu.sem_alloc : memref<!tpu.dma_semaphore, #tpu.memory_space<semaphore_mem>>
        %dma_start3A_63 = arith.constant 0 : i32
        %dma_start3A_64 = tpu.memref_slice %arg9[%run_scoped3A_56, %dma_start3A_63] : memref<1x128xi32, #tpu.memory_space<vmem>> -> memref<1x128xi32, #tpu.memory_space<vmem>>
        %dma_start3A_65 = tpu.memref_squeeze %dma_start3A_64 : memref<1x128xi32, #tpu.memory_space<vmem>> -> memref<128xi32, #tpu.memory_space<vmem>>
        %dma_start3A_66 = tpu.memref_slice %arg3[%multiple_of3A_55] : memref<320000xi32, #tpu.memory_space<hbm>> -> memref<128xi32, #tpu.memory_space<hbm>>
        %dma_start3A_67 = arith.constant 0 : i32
        %dma_start3A_68 = tpu.memref_slice %arg9[%run_scoped3A_56, %dma_start3A_67] : memref<1x128xi32, #tpu.memory_space<vmem>> -> memref<1x128xi32, #tpu.memory_space<vmem>>
        %dma_start3A_69 = tpu.memref_squeeze %dma_start3A_68 : memref<1x128xi32, #tpu.memory_space<vmem>> -> memref<128xi32, #tpu.memory_space<vmem>>
        %dma_start3A_70 = tpu.memref_slice %arg3[%multiple_of3A_55] : memref<320000xi32, #tpu.memory_space<hbm>> -> memref<128xi32, #tpu.memory_space<hbm>>
        tpu.enqueue_dma source(%dma_start3A_70 : memref<128xi32, #tpu.memory_space<hbm>>) target(%dma_start3A_69 : memref<128xi32, #tpu.memory_space<vmem>>) target_semaphore(%run_scoped3A_62 : memref<!tpu.dma_semaphore, #tpu.memory_space<semaphore_mem>>)
        %dma_wait3A_71 = arith.constant 0 : i32
        %dma_wait3A_72 = tpu.memref_slice %arg9[%run_scoped3A_56, %dma_wait3A_71] : memref<1x128xi32, #tpu.memory_space<vmem>> -> memref<1x128xi32, #tpu.memory_space<vmem>>
        %dma_wait3A_73 = tpu.memref_squeeze %dma_wait3A_72 : memref<1x128xi32, #tpu.memory_space<vmem>> -> memref<128xi32, #tpu.memory_space<vmem>>
        %dma_wait3A_74 = tpu.memref_slice %arg3[%multiple_of3A_55] : memref<320000xi32, #tpu.memory_space<hbm>> -> memref<128xi32, #tpu.memory_space<hbm>>
        %dma_wait3A_75 = arith.constant 0 : i32
        %dma_wait3A_76 = tpu.memref_slice %arg9[%run_scoped3A_56, %dma_wait3A_75] : memref<1x128xi32, #tpu.memory_space<vmem>> -> memref<1x128xi32, #tpu.memory_space<vmem>>
        %dma_wait3A_77 = tpu.memref_squeeze %dma_wait3A_76 : memref<1x128xi32, #tpu.memory_space<vmem>> -> memref<128xi32, #tpu.memory_space<vmem>>
        %dma_wait3A_78 = tpu.memref_slice %arg3[%multiple_of3A_55] : memref<320000xi32, #tpu.memory_space<hbm>> -> memref<128xi32, #tpu.memory_space<hbm>>
        tpu.wait_dma2 semaphore(%run_scoped3A_62 : memref<!tpu.dma_semaphore, #tpu.memory_space<semaphore_mem>>) src(%dma_wait3A_78 : memref<128xi32, #tpu.memory_space<hbm>>) dst(%dma_wait3A_77 : memref<128xi32, #tpu.memory_space<vmem>>)
        tpu.yield
      }) : () -> ()
      %dma_start3A = arith.constant 0 : i32
      %dma_start3A_57 = arith.constant 0 : i32
      %dma_start3A_58 = tpu.memref_slice %arg2[%dma_start3A, %dma_start3A_57] : memref<10000x128xf32, #tpu.memory_space<hbm>> -> memref<10000x128xf32, #tpu.memory_space<hbm>>
      tpu.enqueue_indirect_dma source(%dma_start3A_58 : memref<10000x128xf32, #tpu.memory_space<hbm>>) target(%arg10 : memref<128x128xf32, #tpu.memory_space<vmem>>) offsets(%arg8 : memref<128xi32, #tpu.memory_space<vmem>>) semaphore(%arg11 : memref<!tpu.dma_semaphore, #tpu.memory_space<semaphore_mem>>)
      %dma_wait3A = arith.constant 0 : i32
      %dma_wait3A_59 = arith.constant 0 : i32
      %dma_wait3A_60 = tpu.memref_slice %arg2[%dma_wait3A, %dma_wait3A_59] : memref<10000x128xf32, #tpu.memory_space<hbm>> -> memref<10000x128xf32, #tpu.memory_space<hbm>>
      tpu.wait_indirect_dma semaphore(%arg11 : memref<!tpu.dma_semaphore, #tpu.memory_space<semaphore_mem>>) src(%dma_wait3A_60 : memref<10000x128xf32, #tpu.memory_space<hbm>>) dst(%arg10 : memref<128x128xf32, #tpu.memory_space<vmem>>)
      %run_scoped3A_61 = arith.constant 0 : i32
      "tpu.region"() ({
        %run_scoped3A_62 = tpu.sem_alloc : memref<!tpu.dma_semaphore, #tpu.memory_space<semaphore_mem>>
        %dma_start3A_63 = arith.constant 0 : i32
        %dma_start3A_64 = tpu.memref_slice %arg9[%run_scoped3A_61, %dma_start3A_63] : memref<1x128xi32, #tpu.memory_space<vmem>> -> memref<1x128xi32, #tpu.memory_space<vmem>>
        %dma_start3A_65 = tpu.memref_squeeze %dma_start3A_64 : memref<1x128xi32, #tpu.memory_space<vmem>> -> memref<128xi32, #tpu.memory_space<vmem>>
        %dma_start3A_66 = arith.constant 0 : i32
        %dma_start3A_67 = arith.constant 0 : i32
        %dma_start3A_68 = tpu.memref_slice %arg6[%dma_start3A_66, %dma_start3A_67] : memref<10240x128xf32, #tpu.memory_space<vmem_shared>> -> memref<10240x128xf32, #tpu.memory_space<vmem_shared>>
        tpu.enqueue_indirect_dma source(%arg10 : memref<128x128xf32, #tpu.memory_space<vmem>>) target(%dma_start3A_68 : memref<10240x128xf32, #tpu.memory_space<vmem_shared>>) offsets(%dma_start3A_65 : memref<128xi32, #tpu.memory_space<vmem>>) semaphore(%run_scoped3A_62 : memref<!tpu.dma_semaphore, #tpu.memory_space<semaphore_mem>>) {add = true}
        %dma_wait3A_69 = arith.constant 0 : i32
        %dma_wait3A_70 = tpu.memref_slice %arg9[%run_scoped3A_61, %dma_wait3A_69] : memref<1x128xi32, #tpu.memory_space<vmem>> -> memref<1x128xi32, #tpu.memory_space<vmem>>
        %dma_wait3A_71 = tpu.memref_squeeze %dma_wait3A_70 : memref<1x128xi32, #tpu.memory_space<vmem>> -> memref<128xi32, #tpu.memory_space<vmem>>
        %dma_wait3A_72 = arith.constant 0 : i32
        %dma_wait3A_73 = arith.constant 0 : i32
        %dma_wait3A_74 = tpu.memref_slice %arg6[%dma_wait3A_72, %dma_wait3A_73] : memref<10240x128xf32, #tpu.memory_space<vmem_shared>> -> memref<10240x128xf32, #tpu.memory_space<vmem_shared>>
        tpu.wait_indirect_dma semaphore(%run_scoped3A_62 : memref<!tpu.dma_semaphore, #tpu.memory_space<semaphore_mem>>) src(%arg10 : memref<128x128xf32, #tpu.memory_space<vmem>>) dst(%dma_wait3A_74 : memref<10240x128xf32, #tpu.memory_space<vmem_shared>>)
        tpu.yield
      }) : () -> ()
    } else {
    }
    %barrier3A_48 = arith.constant 0 : index
    tpu.barrier barrier_id(%barrier3A_48)
    %run_scoped3A_49 = arith.constant 1 : i32
    "tpu.region"() ({
      %run_scoped3A_51 = tpu.sem_alloc : memref<!tpu.dma_semaphore, #tpu.memory_space<semaphore_mem>>
      %dma_start3A = arith.constant 0 : i32
      %dma_start3A_52 = tpu.memref_slice %arg5[%arg0, %run_scoped3A_49, %multiple_of3A, %dma_start3A] : memref<2x2x10240x128xf32, #tpu.memory_space<hbm>> -> memref<1x1x640x128xf32, #tpu.memory_space<hbm>>
      %dma_start3A_53 = tpu.memref_squeeze %dma_start3A_52 : memref<1x1x640x128xf32, #tpu.memory_space<hbm>> -> memref<640x128xf32, #tpu.memory_space<hbm>>
      %dma_start3A_54 = arith.constant 0 : i32
      %dma_start3A_55 = tpu.memref_slice %arg6[%multiple_of3A, %dma_start3A_54] : memref<10240x128xf32, #tpu.memory_space<vmem_shared>> -> memref<640x128xf32, #tpu.memory_space<vmem_shared>>
      tpu.enqueue_dma source(%dma_start3A_55 : memref<640x128xf32, #tpu.memory_space<vmem_shared>>) target(%dma_start3A_53 : memref<640x128xf32, #tpu.memory_space<hbm>>) target_semaphore(%run_scoped3A_51 : memref<!tpu.dma_semaphore, #tpu.memory_space<semaphore_mem>>)
      %dma_wait3A = arith.constant 0 : i32
      %dma_wait3A_56 = tpu.memref_slice %arg5[%arg0, %run_scoped3A_49, %multiple_of3A, %dma_wait3A] : memref<2x2x10240x128xf32, #tpu.memory_space<hbm>> -> memref<1x1x640x128xf32, #tpu.memory_space<hbm>>
      %dma_wait3A_57 = tpu.memref_squeeze %dma_wait3A_56 : memref<1x1x640x128xf32, #tpu.memory_space<hbm>> -> memref<640x128xf32, #tpu.memory_space<hbm>>
      %dma_wait3A_58 = arith.constant 0 : i32
      %dma_wait3A_59 = tpu.memref_slice %arg6[%multiple_of3A, %dma_wait3A_58] : memref<10240x128xf32, #tpu.memory_space<vmem_shared>> -> memref<640x128xf32, #tpu.memory_space<vmem_shared>>
      tpu.wait_dma2 semaphore(%run_scoped3A_51 : memref<!tpu.dma_semaphore, #tpu.memory_space<semaphore_mem>>) src(%dma_wait3A_59 : memref<640x128xf32, #tpu.memory_space<vmem_shared>>) dst(%dma_wait3A_57 : memref<640x128xf32, #tpu.memory_space<hbm>>)
      tpu.yield
    }) : () -> ()
    %barrier3A_50 = arith.constant 0 : index
    tpu.barrier barrier_id(%barrier3A_50)
    return
  }
}

#map = affine_map<(d0, d1) -> (0)>
#map1 = affine_map<(d0, d1) -> (0, 0, 0)>
module attributes {stable_mosaic.version = 14 : i64} {
  func.func @deg_kernel(%arg0: i32, %arg1: i32, %arg2: memref<320000xf32, #tpu.memory_space<hbm>>, %arg3: memref<320000xi32, #tpu.memory_space<hbm>>, %arg4: memref<320000xi32, #tpu.memory_space<hbm>>, %arg5: memref<2x1x10240xf32, #tpu.memory_space<hbm>>, %arg6: memref<2x1x10240xf32, #tpu.memory_space<hbm>>, %arg7: memref<10240xf32, #tpu.memory_space<vmem_shared>>, %arg8: memref<10240xf32, #tpu.memory_space<vmem_shared>>, %arg9: memref<640xf32, #tpu.memory_space<vmem>>, %arg10: memref<128xf32, #tpu.memory_space<vmem>>, %arg11: memref<2x128xi32, #tpu.memory_space<vmem>>) attributes {dimension_semantics = [#tpu.dimension_semantics<core_parallel>, #tpu.dimension_semantics<subcore_parallel>], iteration_bounds = array<i64: 2, 16>, scalar_prefetch = 0 : i64, scratch_operands = 5 : i64, tpu.core_type = #tpu.core_type<sc_vector_subcore>, window_params = [{transform_indices = #map}, {transform_indices = #map}, {transform_indices = #map}, {transform_indices = #map1}, {transform_indices = #map1}]} {
    %mul3A = arith.constant 16 : i32
    %mul3A_0 = arith.muli %arg0, %mul3A : i32
    %add3A = arith.addi %mul3A_0, %arg1 : i32
    %broadcast_in_dim3A = arith.constant 0.000000e+00 : f32
    %broadcast_in_dim3A_1 = vector.broadcast %broadcast_in_dim3A : f32 to vector<16xf32>
    %scan3A = arith.constant 0 : i32
    %scan3A_2 = arith.constant 40 : i32
    %scan3A_3 = arith.addi %scan3A, %scan3A_2 : i32
    %scan3A_4 = arith.constant 1 : i32
    scf.for %scan3A_17 = %scan3A to %scan3A_3 step %scan3A_4  : i32 {
      %mul3A_18 = arith.constant 16 : i32
      %mul3A_19 = arith.muli %scan3A_17, %mul3A_18 : i32
      %swap3A = arith.index_cast %mul3A_19 : i32 to index
      %swap3A_20 = tpu.vector_load %arg9[%swap3A] {strides = array<i32>} : memref<640xf32, #tpu.memory_space<vmem>>, vector<16xf32>,
      %swap3A_21 = vector.shape_cast %swap3A_20 : vector<16xf32> to vector<16xf32>
      %swap3A_22 = vector.shape_cast %broadcast_in_dim3A_1 : vector<16xf32> to vector<16xf32>
      tpu.vector_store %arg9[%swap3A], %swap3A_22 {strides = array<i32>} : memref<640xf32, #tpu.memory_space<vmem>>, vector<16xf32>,
    }
    %scan3A_5 = arith.constant 40 : i32
    %mul3A_6 = arith.constant 640 : i32
    %mul3A_7 = arith.muli %arg1, %mul3A_6 : i32
    %multiple_of3A = tpu.assume_multiple %mul3A_7, 128 : i32
    "tpu.region"() ({
      %run_scoped3A_17 = tpu.sem_alloc : memref<!tpu.dma_semaphore, #tpu.memory_space<semaphore_mem>>
      %dma_start3A = tpu.memref_slice %arg7[%multiple_of3A] : memref<10240xf32, #tpu.memory_space<vmem_shared>> -> memref<640xf32, #tpu.memory_space<vmem_shared>>
      %dma_start3A_18 = tpu.memref_slice %arg7[%multiple_of3A] : memref<10240xf32, #tpu.memory_space<vmem_shared>> -> memref<640xf32, #tpu.memory_space<vmem_shared>>
      tpu.enqueue_dma source(%arg9 : memref<640xf32, #tpu.memory_space<vmem>>) target(%dma_start3A_18 : memref<640xf32, #tpu.memory_space<vmem_shared>>) target_semaphore(%run_scoped3A_17 : memref<!tpu.dma_semaphore, #tpu.memory_space<semaphore_mem>>)
      %dma_wait3A = tpu.memref_slice %arg7[%multiple_of3A] : memref<10240xf32, #tpu.memory_space<vmem_shared>> -> memref<640xf32, #tpu.memory_space<vmem_shared>>
      %dma_wait3A_19 = tpu.memref_slice %arg7[%multiple_of3A] : memref<10240xf32, #tpu.memory_space<vmem_shared>> -> memref<640xf32, #tpu.memory_space<vmem_shared>>
      tpu.wait_dma2 semaphore(%run_scoped3A_17 : memref<!tpu.dma_semaphore, #tpu.memory_space<semaphore_mem>>) src(%arg9 : memref<640xf32, #tpu.memory_space<vmem>>) dst(%dma_wait3A_19 : memref<640xf32, #tpu.memory_space<vmem_shared>>)
      tpu.yield
    }) : () -> ()
    "tpu.region"() ({
      %run_scoped3A_17 = tpu.sem_alloc : memref<!tpu.dma_semaphore, #tpu.memory_space<semaphore_mem>>
      %dma_start3A = tpu.memref_slice %arg8[%multiple_of3A] : memref<10240xf32, #tpu.memory_space<vmem_shared>> -> memref<640xf32, #tpu.memory_space<vmem_shared>>
      %dma_start3A_18 = tpu.memref_slice %arg8[%multiple_of3A] : memref<10240xf32, #tpu.memory_space<vmem_shared>> -> memref<640xf32, #tpu.memory_space<vmem_shared>>
      tpu.enqueue_dma source(%arg9 : memref<640xf32, #tpu.memory_space<vmem>>) target(%dma_start3A_18 : memref<640xf32, #tpu.memory_space<vmem_shared>>) target_semaphore(%run_scoped3A_17 : memref<!tpu.dma_semaphore, #tpu.memory_space<semaphore_mem>>)
      %dma_wait3A = tpu.memref_slice %arg8[%multiple_of3A] : memref<10240xf32, #tpu.memory_space<vmem_shared>> -> memref<640xf32, #tpu.memory_space<vmem_shared>>
      %dma_wait3A_19 = tpu.memref_slice %arg8[%multiple_of3A] : memref<10240xf32, #tpu.memory_space<vmem_shared>> -> memref<640xf32, #tpu.memory_space<vmem_shared>>
      tpu.wait_dma2 semaphore(%run_scoped3A_17 : memref<!tpu.dma_semaphore, #tpu.memory_space<semaphore_mem>>) src(%arg9 : memref<640xf32, #tpu.memory_space<vmem>>) dst(%dma_wait3A_19 : memref<640xf32, #tpu.memory_space<vmem_shared>>)
      tpu.yield
    }) : () -> ()
    %barrier3A = arith.constant 0 : index
    tpu.barrier barrier_id(%barrier3A)
    %scan3A_8 = arith.constant 0 : i32
    %scan3A_9 = arith.constant 78 : i32
    %scan3A_10 = arith.addi %scan3A_8, %scan3A_9 : i32
    %scan3A_11 = arith.constant 1 : i32
    scf.for %scan3A_17 = %scan3A_8 to %scan3A_10 step %scan3A_11  : i32 {
      %mul3A_18 = arith.constant 32 : i32
      %mul3A_19 = arith.muli %scan3A_17, %mul3A_18 : i32
      %add3A_20 = arith.addi %add3A, %mul3A_19 : i32
      %mul3A_21 = arith.constant 128 : i32
      %mul3A_22 = arith.muli %add3A_20, %mul3A_21 : i32
      %multiple_of3A_23 = tpu.assume_multiple %mul3A_22, 128 : i32
      "tpu.region"() ({
        %run_scoped3A_28 = tpu.sem_alloc : memref<!tpu.dma_semaphore, #tpu.memory_space<semaphore_mem>>
        %dma_start3A = tpu.memref_slice %arg2[%multiple_of3A_23] : memref<320000xf32, #tpu.memory_space<hbm>> -> memref<128xf32, #tpu.memory_space<hbm>>
        %dma_start3A_29 = tpu.memref_slice %arg2[%multiple_of3A_23] : memref<320000xf32, #tpu.memory_space<hbm>> -> memref<128xf32, #tpu.memory_space<hbm>>
        tpu.enqueue_dma source(%dma_start3A_29 : memref<128xf32, #tpu.memory_space<hbm>>) target(%arg10 : memref<128xf32, #tpu.memory_space<vmem>>) target_semaphore(%run_scoped3A_28 : memref<!tpu.dma_semaphore, #tpu.memory_space<semaphore_mem>>)
        %dma_wait3A = tpu.memref_slice %arg2[%multiple_of3A_23] : memref<320000xf32, #tpu.memory_space<hbm>> -> memref<128xf32, #tpu.memory_space<hbm>>
        %dma_wait3A_30 = tpu.memref_slice %arg2[%multiple_of3A_23] : memref<320000xf32, #tpu.memory_space<hbm>> -> memref<128xf32, #tpu.memory_space<hbm>>
        tpu.wait_dma2 semaphore(%run_scoped3A_28 : memref<!tpu.dma_semaphore, #tpu.memory_space<semaphore_mem>>) src(%dma_wait3A_30 : memref<128xf32, #tpu.memory_space<hbm>>) dst(%arg10 : memref<128xf32, #tpu.memory_space<vmem>>)
        tpu.yield
      }) : () -> ()
      %run_scoped3A_24 = arith.constant 0 : i32
      "tpu.region"() ({
        %run_scoped3A_28 = tpu.sem_alloc : memref<!tpu.dma_semaphore, #tpu.memory_space<semaphore_mem>>
        %dma_start3A = arith.constant 0 : i32
        %dma_start3A_29 = tpu.memref_slice %arg11[%run_scoped3A_24, %dma_start3A] : memref<2x128xi32, #tpu.memory_space<vmem>> -> memref<1x128xi32, #tpu.memory_space<vmem>>
        %dma_start3A_30 = tpu.memref_squeeze %dma_start3A_29 : memref<1x128xi32, #tpu.memory_space<vmem>> -> memref<128xi32, #tpu.memory_space<vmem>>
        %dma_start3A_31 = tpu.memref_slice %arg4[%multiple_of3A_23] : memref<320000xi32, #tpu.memory_space<hbm>> -> memref<128xi32, #tpu.memory_space<hbm>>
        %dma_start3A_32 = arith.constant 0 : i32
        %dma_start3A_33 = tpu.memref_slice %arg11[%run_scoped3A_24, %dma_start3A_32] : memref<2x128xi32, #tpu.memory_space<vmem>> -> memref<1x128xi32, #tpu.memory_space<vmem>>
        %dma_start3A_34 = tpu.memref_squeeze %dma_start3A_33 : memref<1x128xi32, #tpu.memory_space<vmem>> -> memref<128xi32, #tpu.memory_space<vmem>>
        %dma_start3A_35 = tpu.memref_slice %arg4[%multiple_of3A_23] : memref<320000xi32, #tpu.memory_space<hbm>> -> memref<128xi32, #tpu.memory_space<hbm>>
        tpu.enqueue_dma source(%dma_start3A_35 : memref<128xi32, #tpu.memory_space<hbm>>) target(%dma_start3A_34 : memref<128xi32, #tpu.memory_space<vmem>>) target_semaphore(%run_scoped3A_28 : memref<!tpu.dma_semaphore, #tpu.memory_space<semaphore_mem>>)
        %dma_wait3A = arith.constant 0 : i32
        %dma_wait3A_36 = tpu.memref_slice %arg11[%run_scoped3A_24, %dma_wait3A] : memref<2x128xi32, #tpu.memory_space<vmem>> -> memref<1x128xi32, #tpu.memory_space<vmem>>
        %dma_wait3A_37 = tpu.memref_squeeze %dma_wait3A_36 : memref<1x128xi32, #tpu.memory_space<vmem>> -> memref<128xi32, #tpu.memory_space<vmem>>
        %dma_wait3A_38 = tpu.memref_slice %arg4[%multiple_of3A_23] : memref<320000xi32, #tpu.memory_space<hbm>> -> memref<128xi32, #tpu.memory_space<hbm>>
        %dma_wait3A_39 = arith.constant 0 : i32
        %dma_wait3A_40 = tpu.memref_slice %arg11[%run_scoped3A_24, %dma_wait3A_39] : memref<2x128xi32, #tpu.memory_space<vmem>> -> memref<1x128xi32, #tpu.memory_space<vmem>>
        %dma_wait3A_41 = tpu.memref_squeeze %dma_wait3A_40 : memref<1x128xi32, #tpu.memory_space<vmem>> -> memref<128xi32, #tpu.memory_space<vmem>>
        %dma_wait3A_42 = tpu.memref_slice %arg4[%multiple_of3A_23] : memref<320000xi32, #tpu.memory_space<hbm>> -> memref<128xi32, #tpu.memory_space<hbm>>
        tpu.wait_dma2 semaphore(%run_scoped3A_28 : memref<!tpu.dma_semaphore, #tpu.memory_space<semaphore_mem>>) src(%dma_wait3A_42 : memref<128xi32, #tpu.memory_space<hbm>>) dst(%dma_wait3A_41 : memref<128xi32, #tpu.memory_space<vmem>>)
        tpu.yield
      }) : () -> ()
      %run_scoped3A_25 = arith.constant 1 : i32
      "tpu.region"() ({
        %run_scoped3A_28 = tpu.sem_alloc : memref<!tpu.dma_semaphore, #tpu.memory_space<semaphore_mem>>
        %dma_start3A = arith.constant 0 : i32
        %dma_start3A_29 = tpu.memref_slice %arg11[%run_scoped3A_25, %dma_start3A] : memref<2x128xi32, #tpu.memory_space<vmem>> -> memref<1x128xi32, #tpu.memory_space<vmem>>
        %dma_start3A_30 = tpu.memref_squeeze %dma_start3A_29 : memref<1x128xi32, #tpu.memory_space<vmem>> -> memref<128xi32, #tpu.memory_space<vmem>>
        %dma_start3A_31 = tpu.memref_slice %arg3[%multiple_of3A_23] : memref<320000xi32, #tpu.memory_space<hbm>> -> memref<128xi32, #tpu.memory_space<hbm>>
        %dma_start3A_32 = arith.constant 0 : i32
        %dma_start3A_33 = tpu.memref_slice %arg11[%run_scoped3A_25, %dma_start3A_32] : memref<2x128xi32, #tpu.memory_space<vmem>> -> memref<1x128xi32, #tpu.memory_space<vmem>>
        %dma_start3A_34 = tpu.memref_squeeze %dma_start3A_33 : memref<1x128xi32, #tpu.memory_space<vmem>> -> memref<128xi32, #tpu.memory_space<vmem>>
        %dma_start3A_35 = tpu.memref_slice %arg3[%multiple_of3A_23] : memref<320000xi32, #tpu.memory_space<hbm>> -> memref<128xi32, #tpu.memory_space<hbm>>
        tpu.enqueue_dma source(%dma_start3A_35 : memref<128xi32, #tpu.memory_space<hbm>>) target(%dma_start3A_34 : memref<128xi32, #tpu.memory_space<vmem>>) target_semaphore(%run_scoped3A_28 : memref<!tpu.dma_semaphore, #tpu.memory_space<semaphore_mem>>)
        %dma_wait3A = arith.constant 0 : i32
        %dma_wait3A_36 = tpu.memref_slice %arg11[%run_scoped3A_25, %dma_wait3A] : memref<2x128xi32, #tpu.memory_space<vmem>> -> memref<1x128xi32, #tpu.memory_space<vmem>>
        %dma_wait3A_37 = tpu.memref_squeeze %dma_wait3A_36 : memref<1x128xi32, #tpu.memory_space<vmem>> -> memref<128xi32, #tpu.memory_space<vmem>>
        %dma_wait3A_38 = tpu.memref_slice %arg3[%multiple_of3A_23] : memref<320000xi32, #tpu.memory_space<hbm>> -> memref<128xi32, #tpu.memory_space<hbm>>
        %dma_wait3A_39 = arith.constant 0 : i32
        %dma_wait3A_40 = tpu.memref_slice %arg11[%run_scoped3A_25, %dma_wait3A_39] : memref<2x128xi32, #tpu.memory_space<vmem>> -> memref<1x128xi32, #tpu.memory_space<vmem>>
        %dma_wait3A_41 = tpu.memref_squeeze %dma_wait3A_40 : memref<1x128xi32, #tpu.memory_space<vmem>> -> memref<128xi32, #tpu.memory_space<vmem>>
        %dma_wait3A_42 = tpu.memref_slice %arg3[%multiple_of3A_23] : memref<320000xi32, #tpu.memory_space<hbm>> -> memref<128xi32, #tpu.memory_space<hbm>>
        tpu.wait_dma2 semaphore(%run_scoped3A_28 : memref<!tpu.dma_semaphore, #tpu.memory_space<semaphore_mem>>) src(%dma_wait3A_42 : memref<128xi32, #tpu.memory_space<hbm>>) dst(%dma_wait3A_41 : memref<128xi32, #tpu.memory_space<vmem>>)
        tpu.yield
      }) : () -> ()
      %run_scoped3A_26 = arith.constant 0 : i32
      "tpu.region"() ({
        %run_scoped3A_28 = tpu.sem_alloc : memref<!tpu.dma_semaphore, #tpu.memory_space<semaphore_mem>>
        %dma_start3A = arith.constant 0 : i32
        %dma_start3A_29 = tpu.memref_slice %arg11[%run_scoped3A_26, %dma_start3A] : memref<2x128xi32, #tpu.memory_space<vmem>> -> memref<1x128xi32, #tpu.memory_space<vmem>>
        %dma_start3A_30 = tpu.memref_squeeze %dma_start3A_29 : memref<1x128xi32, #tpu.memory_space<vmem>> -> memref<128xi32, #tpu.memory_space<vmem>>
        %dma_start3A_31 = arith.constant 0 : i32
        %dma_start3A_32 = tpu.memref_slice %arg7[%dma_start3A_31] : memref<10240xf32, #tpu.memory_space<vmem_shared>> -> memref<10240xf32, #tpu.memory_space<vmem_shared>>
        tpu.enqueue_indirect_dma source(%arg10 : memref<128xf32, #tpu.memory_space<vmem>>) target(%dma_start3A_32 : memref<10240xf32, #tpu.memory_space<vmem_shared>>) offsets(%dma_start3A_30 : memref<128xi32, #tpu.memory_space<vmem>>) semaphore(%run_scoped3A_28 : memref<!tpu.dma_semaphore, #tpu.memory_space<semaphore_mem>>) {add = true}
        %dma_wait3A = arith.constant 0 : i32
        %dma_wait3A_33 = tpu.memref_slice %arg11[%run_scoped3A_26, %dma_wait3A] : memref<2x128xi32, #tpu.memory_space<vmem>> -> memref<1x128xi32, #tpu.memory_space<vmem>>
        %dma_wait3A_34 = tpu.memref_squeeze %dma_wait3A_33 : memref<1x128xi32, #tpu.memory_space<vmem>> -> memref<128xi32, #tpu.memory_space<vmem>>
        %dma_wait3A_35 = arith.constant 0 : i32
        %dma_wait3A_36 = tpu.memref_slice %arg7[%dma_wait3A_35] : memref<10240xf32, #tpu.memory_space<vmem_shared>> -> memref<10240xf32, #tpu.memory_space<vmem_shared>>
        tpu.wait_indirect_dma semaphore(%run_scoped3A_28 : memref<!tpu.dma_semaphore, #tpu.memory_space<semaphore_mem>>) src(%arg10 : memref<128xf32, #tpu.memory_space<vmem>>) dst(%dma_wait3A_36 : memref<10240xf32, #tpu.memory_space<vmem_shared>>)
        tpu.yield
      }) : () -> ()
      %run_scoped3A_27 = arith.constant 1 : i32
      "tpu.region"() ({
        %run_scoped3A_28 = tpu.sem_alloc : memref<!tpu.dma_semaphore, #tpu.memory_space<semaphore_mem>>
        %dma_start3A = arith.constant 0 : i32
        %dma_start3A_29 = tpu.memref_slice %arg11[%run_scoped3A_27, %dma_start3A] : memref<2x128xi32, #tpu.memory_space<vmem>> -> memref<1x128xi32, #tpu.memory_space<vmem>>
        %dma_start3A_30 = tpu.memref_squeeze %dma_start3A_29 : memref<1x128xi32, #tpu.memory_space<vmem>> -> memref<128xi32, #tpu.memory_space<vmem>>
        %dma_start3A_31 = arith.constant 0 : i32
        %dma_start3A_32 = tpu.memref_slice %arg8[%dma_start3A_31] : memref<10240xf32, #tpu.memory_space<vmem_shared>> -> memref<10240xf32, #tpu.memory_space<vmem_shared>>
        tpu.enqueue_indirect_dma source(%arg10 : memref<128xf32, #tpu.memory_space<vmem>>) target(%dma_start3A_32 : memref<10240xf32, #tpu.memory_space<vmem_shared>>) offsets(%dma_start3A_30 : memref<128xi32, #tpu.memory_space<vmem>>) semaphore(%run_scoped3A_28 : memref<!tpu.dma_semaphore, #tpu.memory_space<semaphore_mem>>) {add = true}
        %dma_wait3A = arith.constant 0 : i32
        %dma_wait3A_33 = tpu.memref_slice %arg11[%run_scoped3A_27, %dma_wait3A] : memref<2x128xi32, #tpu.memory_space<vmem>> -> memref<1x128xi32, #tpu.memory_space<vmem>>
        %dma_wait3A_34 = tpu.memref_squeeze %dma_wait3A_33 : memref<1x128xi32, #tpu.memory_space<vmem>> -> memref<128xi32, #tpu.memory_space<vmem>>
        %dma_wait3A_35 = arith.constant 0 : i32
        %dma_wait3A_36 = tpu.memref_slice %arg8[%dma_wait3A_35] : memref<10240xf32, #tpu.memory_space<vmem_shared>> -> memref<10240xf32, #tpu.memory_space<vmem_shared>>
        tpu.wait_indirect_dma semaphore(%run_scoped3A_28 : memref<!tpu.dma_semaphore, #tpu.memory_space<semaphore_mem>>) src(%arg10 : memref<128xf32, #tpu.memory_space<vmem>>) dst(%dma_wait3A_36 : memref<10240xf32, #tpu.memory_space<vmem_shared>>)
        tpu.yield
      }) : () -> ()
    }
    %scan3A_12 = arith.constant 78 : i32
    %lt3A = arith.constant 4 : i32
    %lt3A_13 = arith.cmpi slt, %add3A, %lt3A : i32
    %convert_element_type3A = arith.extui %lt3A_13 : i1 to i32
    %cond3A = arith.constant 0 : i32
    %cond3A_14 = arith.cmpi ne, %convert_element_type3A, %cond3A : i32
    scf.if %cond3A_14 {
      %add3A_17 = arith.constant 2496 : i32
      %add3A_18 = arith.addi %add3A, %add3A_17 : i32
      %mul3A_19 = arith.constant 128 : i32
      %mul3A_20 = arith.muli %add3A_18, %mul3A_19 : i32
      %multiple_of3A_21 = tpu.assume_multiple %mul3A_20, 128 : i32
      "tpu.region"() ({
        %run_scoped3A_26 = tpu.sem_alloc : memref<!tpu.dma_semaphore, #tpu.memory_space<semaphore_mem>>
        %dma_start3A = tpu.memref_slice %arg2[%multiple_of3A_21] : memref<320000xf32, #tpu.memory_space<hbm>> -> memref<128xf32, #tpu.memory_space<hbm>>
        %dma_start3A_27 = tpu.memref_slice %arg2[%multiple_of3A_21] : memref<320000xf32, #tpu.memory_space<hbm>> -> memref<128xf32, #tpu.memory_space<hbm>>
        tpu.enqueue_dma source(%dma_start3A_27 : memref<128xf32, #tpu.memory_space<hbm>>) target(%arg10 : memref<128xf32, #tpu.memory_space<vmem>>) target_semaphore(%run_scoped3A_26 : memref<!tpu.dma_semaphore, #tpu.memory_space<semaphore_mem>>)
        %dma_wait3A = tpu.memref_slice %arg2[%multiple_of3A_21] : memref<320000xf32, #tpu.memory_space<hbm>> -> memref<128xf32, #tpu.memory_space<hbm>>
        %dma_wait3A_28 = tpu.memref_slice %arg2[%multiple_of3A_21] : memref<320000xf32, #tpu.memory_space<hbm>> -> memref<128xf32, #tpu.memory_space<hbm>>
        tpu.wait_dma2 semaphore(%run_scoped3A_26 : memref<!tpu.dma_semaphore, #tpu.memory_space<semaphore_mem>>) src(%dma_wait3A_28 : memref<128xf32, #tpu.memory_space<hbm>>) dst(%arg10 : memref<128xf32, #tpu.memory_space<vmem>>)
        tpu.yield
      }) : () -> ()
      %run_scoped3A_22 = arith.constant 0 : i32
      "tpu.region"() ({
        %run_scoped3A_26 = tpu.sem_alloc : memref<!tpu.dma_semaphore, #tpu.memory_space<semaphore_mem>>
        %dma_start3A = arith.constant 0 : i32
        %dma_start3A_27 = tpu.memref_slice %arg11[%run_scoped3A_22, %dma_start3A] : memref<2x128xi32, #tpu.memory_space<vmem>> -> memref<1x128xi32, #tpu.memory_space<vmem>>
        %dma_start3A_28 = tpu.memref_squeeze %dma_start3A_27 : memref<1x128xi32, #tpu.memory_space<vmem>> -> memref<128xi32, #tpu.memory_space<vmem>>
        %dma_start3A_29 = tpu.memref_slice %arg4[%multiple_of3A_21] : memref<320000xi32, #tpu.memory_space<hbm>> -> memref<128xi32, #tpu.memory_space<hbm>>
        %dma_start3A_30 = arith.constant 0 : i32
        %dma_start3A_31 = tpu.memref_slice %arg11[%run_scoped3A_22, %dma_start3A_30] : memref<2x128xi32, #tpu.memory_space<vmem>> -> memref<1x128xi32, #tpu.memory_space<vmem>>
        %dma_start3A_32 = tpu.memref_squeeze %dma_start3A_31 : memref<1x128xi32, #tpu.memory_space<vmem>> -> memref<128xi32, #tpu.memory_space<vmem>>
        %dma_start3A_33 = tpu.memref_slice %arg4[%multiple_of3A_21] : memref<320000xi32, #tpu.memory_space<hbm>> -> memref<128xi32, #tpu.memory_space<hbm>>
        tpu.enqueue_dma source(%dma_start3A_33 : memref<128xi32, #tpu.memory_space<hbm>>) target(%dma_start3A_32 : memref<128xi32, #tpu.memory_space<vmem>>) target_semaphore(%run_scoped3A_26 : memref<!tpu.dma_semaphore, #tpu.memory_space<semaphore_mem>>)
        %dma_wait3A = arith.constant 0 : i32
        %dma_wait3A_34 = tpu.memref_slice %arg11[%run_scoped3A_22, %dma_wait3A] : memref<2x128xi32, #tpu.memory_space<vmem>> -> memref<1x128xi32, #tpu.memory_space<vmem>>
        %dma_wait3A_35 = tpu.memref_squeeze %dma_wait3A_34 : memref<1x128xi32, #tpu.memory_space<vmem>> -> memref<128xi32, #tpu.memory_space<vmem>>
        %dma_wait3A_36 = tpu.memref_slice %arg4[%multiple_of3A_21] : memref<320000xi32, #tpu.memory_space<hbm>> -> memref<128xi32, #tpu.memory_space<hbm>>
        %dma_wait3A_37 = arith.constant 0 : i32
        %dma_wait3A_38 = tpu.memref_slice %arg11[%run_scoped3A_22, %dma_wait3A_37] : memref<2x128xi32, #tpu.memory_space<vmem>> -> memref<1x128xi32, #tpu.memory_space<vmem>>
        %dma_wait3A_39 = tpu.memref_squeeze %dma_wait3A_38 : memref<1x128xi32, #tpu.memory_space<vmem>> -> memref<128xi32, #tpu.memory_space<vmem>>
        %dma_wait3A_40 = tpu.memref_slice %arg4[%multiple_of3A_21] : memref<320000xi32, #tpu.memory_space<hbm>> -> memref<128xi32, #tpu.memory_space<hbm>>
        tpu.wait_dma2 semaphore(%run_scoped3A_26 : memref<!tpu.dma_semaphore, #tpu.memory_space<semaphore_mem>>) src(%dma_wait3A_40 : memref<128xi32, #tpu.memory_space<hbm>>) dst(%dma_wait3A_39 : memref<128xi32, #tpu.memory_space<vmem>>)
        tpu.yield
      }) : () -> ()
      %run_scoped3A_23 = arith.constant 1 : i32
      "tpu.region"() ({
        %run_scoped3A_26 = tpu.sem_alloc : memref<!tpu.dma_semaphore, #tpu.memory_space<semaphore_mem>>
        %dma_start3A = arith.constant 0 : i32
        %dma_start3A_27 = tpu.memref_slice %arg11[%run_scoped3A_23, %dma_start3A] : memref<2x128xi32, #tpu.memory_space<vmem>> -> memref<1x128xi32, #tpu.memory_space<vmem>>
        %dma_start3A_28 = tpu.memref_squeeze %dma_start3A_27 : memref<1x128xi32, #tpu.memory_space<vmem>> -> memref<128xi32, #tpu.memory_space<vmem>>
        %dma_start3A_29 = tpu.memref_slice %arg3[%multiple_of3A_21] : memref<320000xi32, #tpu.memory_space<hbm>> -> memref<128xi32, #tpu.memory_space<hbm>>
        %dma_start3A_30 = arith.constant 0 : i32
        %dma_start3A_31 = tpu.memref_slice %arg11[%run_scoped3A_23, %dma_start3A_30] : memref<2x128xi32, #tpu.memory_space<vmem>> -> memref<1x128xi32, #tpu.memory_space<vmem>>
        %dma_start3A_32 = tpu.memref_squeeze %dma_start3A_31 : memref<1x128xi32, #tpu.memory_space<vmem>> -> memref<128xi32, #tpu.memory_space<vmem>>
        %dma_start3A_33 = tpu.memref_slice %arg3[%multiple_of3A_21] : memref<320000xi32, #tpu.memory_space<hbm>> -> memref<128xi32, #tpu.memory_space<hbm>>
        tpu.enqueue_dma source(%dma_start3A_33 : memref<128xi32, #tpu.memory_space<hbm>>) target(%dma_start3A_32 : memref<128xi32, #tpu.memory_space<vmem>>) target_semaphore(%run_scoped3A_26 : memref<!tpu.dma_semaphore, #tpu.memory_space<semaphore_mem>>)
        %dma_wait3A = arith.constant 0 : i32
        %dma_wait3A_34 = tpu.memref_slice %arg11[%run_scoped3A_23, %dma_wait3A] : memref<2x128xi32, #tpu.memory_space<vmem>> -> memref<1x128xi32, #tpu.memory_space<vmem>>
        %dma_wait3A_35 = tpu.memref_squeeze %dma_wait3A_34 : memref<1x128xi32, #tpu.memory_space<vmem>> -> memref<128xi32, #tpu.memory_space<vmem>>
        %dma_wait3A_36 = tpu.memref_slice %arg3[%multiple_of3A_21] : memref<320000xi32, #tpu.memory_space<hbm>> -> memref<128xi32, #tpu.memory_space<hbm>>
        %dma_wait3A_37 = arith.constant 0 : i32
        %dma_wait3A_38 = tpu.memref_slice %arg11[%run_scoped3A_23, %dma_wait3A_37] : memref<2x128xi32, #tpu.memory_space<vmem>> -> memref<1x128xi32, #tpu.memory_space<vmem>>
        %dma_wait3A_39 = tpu.memref_squeeze %dma_wait3A_38 : memref<1x128xi32, #tpu.memory_space<vmem>> -> memref<128xi32, #tpu.memory_space<vmem>>
        %dma_wait3A_40 = tpu.memref_slice %arg3[%multiple_of3A_21] : memref<320000xi32, #tpu.memory_space<hbm>> -> memref<128xi32, #tpu.memory_space<hbm>>
        tpu.wait_dma2 semaphore(%run_scoped3A_26 : memref<!tpu.dma_semaphore, #tpu.memory_space<semaphore_mem>>) src(%dma_wait3A_40 : memref<128xi32, #tpu.memory_space<hbm>>) dst(%dma_wait3A_39 : memref<128xi32, #tpu.memory_space<vmem>>)
        tpu.yield
      }) : () -> ()
      %run_scoped3A_24 = arith.constant 0 : i32
      "tpu.region"() ({
        %run_scoped3A_26 = tpu.sem_alloc : memref<!tpu.dma_semaphore, #tpu.memory_space<semaphore_mem>>
        %dma_start3A = arith.constant 0 : i32
        %dma_start3A_27 = tpu.memref_slice %arg11[%run_scoped3A_24, %dma_start3A] : memref<2x128xi32, #tpu.memory_space<vmem>> -> memref<1x128xi32, #tpu.memory_space<vmem>>
        %dma_start3A_28 = tpu.memref_squeeze %dma_start3A_27 : memref<1x128xi32, #tpu.memory_space<vmem>> -> memref<128xi32, #tpu.memory_space<vmem>>
        %dma_start3A_29 = arith.constant 0 : i32
        %dma_start3A_30 = tpu.memref_slice %arg7[%dma_start3A_29] : memref<10240xf32, #tpu.memory_space<vmem_shared>> -> memref<10240xf32, #tpu.memory_space<vmem_shared>>
        tpu.enqueue_indirect_dma source(%arg10 : memref<128xf32, #tpu.memory_space<vmem>>) target(%dma_start3A_30 : memref<10240xf32, #tpu.memory_space<vmem_shared>>) offsets(%dma_start3A_28 : memref<128xi32, #tpu.memory_space<vmem>>) semaphore(%run_scoped3A_26 : memref<!tpu.dma_semaphore, #tpu.memory_space<semaphore_mem>>) {add = true}
        %dma_wait3A = arith.constant 0 : i32
        %dma_wait3A_31 = tpu.memref_slice %arg11[%run_scoped3A_24, %dma_wait3A] : memref<2x128xi32, #tpu.memory_space<vmem>> -> memref<1x128xi32, #tpu.memory_space<vmem>>
        %dma_wait3A_32 = tpu.memref_squeeze %dma_wait3A_31 : memref<1x128xi32, #tpu.memory_space<vmem>> -> memref<128xi32, #tpu.memory_space<vmem>>
        %dma_wait3A_33 = arith.constant 0 : i32
        %dma_wait3A_34 = tpu.memref_slice %arg7[%dma_wait3A_33] : memref<10240xf32, #tpu.memory_space<vmem_shared>> -> memref<10240xf32, #tpu.memory_space<vmem_shared>>
        tpu.wait_indirect_dma semaphore(%run_scoped3A_26 : memref<!tpu.dma_semaphore, #tpu.memory_space<semaphore_mem>>) src(%arg10 : memref<128xf32, #tpu.memory_space<vmem>>) dst(%dma_wait3A_34 : memref<10240xf32, #tpu.memory_space<vmem_shared>>)
        tpu.yield
      }) : () -> ()
      %run_scoped3A_25 = arith.constant 1 : i32
      "tpu.region"() ({
        %run_scoped3A_26 = tpu.sem_alloc : memref<!tpu.dma_semaphore, #tpu.memory_space<semaphore_mem>>
        %dma_start3A = arith.constant 0 : i32
        %dma_start3A_27 = tpu.memref_slice %arg11[%run_scoped3A_25, %dma_start3A] : memref<2x128xi32, #tpu.memory_space<vmem>> -> memref<1x128xi32, #tpu.memory_space<vmem>>
        %dma_start3A_28 = tpu.memref_squeeze %dma_start3A_27 : memref<1x128xi32, #tpu.memory_space<vmem>> -> memref<128xi32, #tpu.memory_space<vmem>>
        %dma_start3A_29 = arith.constant 0 : i32
        %dma_start3A_30 = tpu.memref_slice %arg8[%dma_start3A_29] : memref<10240xf32, #tpu.memory_space<vmem_shared>> -> memref<10240xf32, #tpu.memory_space<vmem_shared>>
        tpu.enqueue_indirect_dma source(%arg10 : memref<128xf32, #tpu.memory_space<vmem>>) target(%dma_start3A_30 : memref<10240xf32, #tpu.memory_space<vmem_shared>>) offsets(%dma_start3A_28 : memref<128xi32, #tpu.memory_space<vmem>>) semaphore(%run_scoped3A_26 : memref<!tpu.dma_semaphore, #tpu.memory_space<semaphore_mem>>) {add = true}
        %dma_wait3A = arith.constant 0 : i32
        %dma_wait3A_31 = tpu.memref_slice %arg11[%run_scoped3A_25, %dma_wait3A] : memref<2x128xi32, #tpu.memory_space<vmem>> -> memref<1x128xi32, #tpu.memory_space<vmem>>
        %dma_wait3A_32 = tpu.memref_squeeze %dma_wait3A_31 : memref<1x128xi32, #tpu.memory_space<vmem>> -> memref<128xi32, #tpu.memory_space<vmem>>
        %dma_wait3A_33 = arith.constant 0 : i32
        %dma_wait3A_34 = tpu.memref_slice %arg8[%dma_wait3A_33] : memref<10240xf32, #tpu.memory_space<vmem_shared>> -> memref<10240xf32, #tpu.memory_space<vmem_shared>>
        tpu.wait_indirect_dma semaphore(%run_scoped3A_26 : memref<!tpu.dma_semaphore, #tpu.memory_space<semaphore_mem>>) src(%arg10 : memref<128xf32, #tpu.memory_space<vmem>>) dst(%dma_wait3A_34 : memref<10240xf32, #tpu.memory_space<vmem_shared>>)
        tpu.yield
      }) : () -> ()
    } else {
    }
    %barrier3A_15 = arith.constant 0 : index
    tpu.barrier barrier_id(%barrier3A_15)
    %run_scoped3A = arith.constant 0 : i32
    "tpu.region"() ({
      %run_scoped3A_17 = tpu.sem_alloc : memref<!tpu.dma_semaphore, #tpu.memory_space<semaphore_mem>>
      %dma_start3A = tpu.memref_slice %arg5[%arg0, %run_scoped3A, %multiple_of3A] : memref<2x1x10240xf32, #tpu.memory_space<hbm>> -> memref<1x1x640xf32, #tpu.memory_space<hbm>>
      %dma_start3A_18 = tpu.memref_squeeze %dma_start3A : memref<1x1x640xf32, #tpu.memory_space<hbm>> -> memref<640xf32, #tpu.memory_space<hbm>>
      %dma_start3A_19 = tpu.memref_slice %arg7[%multiple_of3A] : memref<10240xf32, #tpu.memory_space<vmem_shared>> -> memref<640xf32, #tpu.memory_space<vmem_shared>>
      tpu.enqueue_dma source(%dma_start3A_19 : memref<640xf32, #tpu.memory_space<vmem_shared>>) target(%dma_start3A_18 : memref<640xf32, #tpu.memory_space<hbm>>) target_semaphore(%run_scoped3A_17 : memref<!tpu.dma_semaphore, #tpu.memory_space<semaphore_mem>>)
      %dma_wait3A = tpu.memref_slice %arg5[%arg0, %run_scoped3A, %multiple_of3A] : memref<2x1x10240xf32, #tpu.memory_space<hbm>> -> memref<1x1x640xf32, #tpu.memory_space<hbm>>
      %dma_wait3A_20 = tpu.memref_squeeze %dma_wait3A : memref<1x1x640xf32, #tpu.memory_space<hbm>> -> memref<640xf32, #tpu.memory_space<hbm>>
      %dma_wait3A_21 = tpu.memref_slice %arg7[%multiple_of3A] : memref<10240xf32, #tpu.memory_space<vmem_shared>> -> memref<640xf32, #tpu.memory_space<vmem_shared>>
      tpu.wait_dma2 semaphore(%run_scoped3A_17 : memref<!tpu.dma_semaphore, #tpu.memory_space<semaphore_mem>>) src(%dma_wait3A_21 : memref<640xf32, #tpu.memory_space<vmem_shared>>) dst(%dma_wait3A_20 : memref<640xf32, #tpu.memory_space<hbm>>)
      tpu.yield
    }) : () -> ()
    %run_scoped3A_16 = arith.constant 0 : i32
    "tpu.region"() ({
      %run_scoped3A_17 = tpu.sem_alloc : memref<!tpu.dma_semaphore, #tpu.memory_space<semaphore_mem>>
      %dma_start3A = tpu.memref_slice %arg6[%arg0, %run_scoped3A_16, %multiple_of3A] : memref<2x1x10240xf32, #tpu.memory_space<hbm>> -> memref<1x1x640xf32, #tpu.memory_space<hbm>>
      %dma_start3A_18 = tpu.memref_squeeze %dma_start3A : memref<1x1x640xf32, #tpu.memory_space<hbm>> -> memref<640xf32, #tpu.memory_space<hbm>>
      %dma_start3A_19 = tpu.memref_slice %arg8[%multiple_of3A] : memref<10240xf32, #tpu.memory_space<vmem_shared>> -> memref<640xf32, #tpu.memory_space<vmem_shared>>
      tpu.enqueue_dma source(%dma_start3A_19 : memref<640xf32, #tpu.memory_space<vmem_shared>>) target(%dma_start3A_18 : memref<640xf32, #tpu.memory_space<hbm>>) target_semaphore(%run_scoped3A_17 : memref<!tpu.dma_semaphore, #tpu.memory_space<semaphore_mem>>)
      %dma_wait3A = tpu.memref_slice %arg6[%arg0, %run_scoped3A_16, %multiple_of3A] : memref<2x1x10240xf32, #tpu.memory_space<hbm>> -> memref<1x1x640xf32, #tpu.memory_space<hbm>>
      %dma_wait3A_20 = tpu.memref_squeeze %dma_wait3A : memref<1x1x640xf32, #tpu.memory_space<hbm>> -> memref<640xf32, #tpu.memory_space<hbm>>
      %dma_wait3A_21 = tpu.memref_slice %arg8[%multiple_of3A] : memref<10240xf32, #tpu.memory_space<vmem_shared>> -> memref<640xf32, #tpu.memory_space<vmem_shared>>
      tpu.wait_dma2 semaphore(%run_scoped3A_17 : memref<!tpu.dma_semaphore, #tpu.memory_space<semaphore_mem>>) src(%dma_wait3A_21 : memref<640xf32, #tpu.memory_space<vmem_shared>>) dst(%dma_wait3A_20 : memref<640xf32, #tpu.memory_space<hbm>>)
      tpu.yield
    }) : () -> ()
    return
  }
}

module attributes {stable_mosaic.version = 14 : i64} {
  func.func @body(%arg0: memref<3x1x128xf32, #tpu.memory_space<vmem>>, %arg1: memref<3x1x128xf32, #tpu.memory_space<vmem>>, %arg2: memref<3x128x128xf32, #tpu.memory_space<vmem>>, %arg3: memref<3x128x128xf32, #tpu.memory_space<vmem>>, %arg4: memref<3x128x128xf32, #tpu.memory_space<vmem>>, %arg5: memref<3x128x128xf32, #tpu.memory_space<vmem>>, %arg6: memref<3x128x128xf32, #tpu.memory_space<vmem>>, %arg7: memref<3x1x128xf32, #tpu.memory_space<vmem>>, %arg8: memref<3x1x128xf32, #tpu.memory_space<vmem>>, %arg9: memref<3x128x128xf32, #tpu.memory_space<vmem>>) attributes {dimension_semantics = [], scalar_prefetch = 0 : i64, scratch_operands = 0 : i64, tpu.core_type = #tpu.core_type<tc>} {
    %get3A = arith.constant 0 : index
    %get3A_0 = arith.constant 0 : index
    %get3A_1 = arith.constant 0 : index
    %get3A_2 = vector.load %arg0[%get3A, %get3A_0, %get3A_1] : memref<3x1x128xf32, #tpu.memory_space<vmem>>, vector<1x1x128xf32>
    %get3A_3 = vector.shape_cast %get3A_2 : vector<1x1x128xf32> to vector<1x128xf32>
    %get3A_4 = arith.constant 0 : index
    %get3A_5 = arith.constant 0 : index
    %get3A_6 = arith.constant 0 : index
    %get3A_7 = vector.load %arg4[%get3A_4, %get3A_5, %get3A_6] : memref<3x128x128xf32, #tpu.memory_space<vmem>>, vector<1x128x128xf32>
    %get3A_8 = vector.shape_cast %get3A_7 : vector<1x128x128xf32> to vector<128x128xf32>
    %dot_general3A = arith.constant dense<0.000000e+00> : vector<1x128xf32>
    %dot_general3A_9 = tpu.matmul %get3A_3, %get3A_8, %dot_general3A {dimension_numbers = #tpu.dot_dimension_numbers<[1], [0], [0], [1], [0, 0, 1, 1], [], []>, precision = #tpu.contract_precision<fp32>, transpose_lhs_hint = false} : vector<1x128xf32>, vector<128x128xf32>, vector<1x128xf32> -> vector<1x128xf32>
    %swap3A = arith.constant 0 : index
    %swap3A_10 = arith.constant 0 : index
    %swap3A_11 = arith.constant 0 : index
    %swap3A_12 = vector.load %arg7[%swap3A, %swap3A_10, %swap3A_11] : memref<3x1x128xf32, #tpu.memory_space<vmem>>, vector<1x1x128xf32>
    %swap3A_13 = vector.shape_cast %swap3A_12 : vector<1x1x128xf32> to vector<1x128xf32>
    %swap3A_14 = vector.shape_cast %dot_general3A_9 : vector<1x128xf32> to vector<1x1x128xf32>
    tpu.vector_store %arg7[%swap3A, %swap3A_10, %swap3A_11], %swap3A_14 {strides = array<i32>} : memref<3x1x128xf32, #tpu.memory_space<vmem>>, vector<1x1x128xf32>,
    %get3A_15 = arith.constant 0 : index
    %get3A_16 = arith.constant 0 : index
    %get3A_17 = arith.constant 0 : index
    %get3A_18 = vector.load %arg1[%get3A_15, %get3A_16, %get3A_17] : memref<3x1x128xf32, #tpu.memory_space<vmem>>, vector<1x1x128xf32>
    %get3A_19 = vector.shape_cast %get3A_18 : vector<1x1x128xf32> to vector<1x128xf32>
    %max3A = arith.constant 0.000000e+00 : f32
    %max3A_20 = vector.broadcast %max3A : f32 to vector<1x128xf32>
    %max3A_21 = arith.maximumf %get3A_19, %max3A_20 : vector<1x128xf32>
    %get3A_22 = arith.constant 0 : index
    %get3A_23 = arith.constant 0 : index
    %get3A_24 = arith.constant 0 : index
    %get3A_25 = vector.load %arg3[%get3A_22, %get3A_23, %get3A_24] : memref<3x128x128xf32, #tpu.memory_space<vmem>>, vector<1x128x128xf32>
    %get3A_26 = vector.shape_cast %get3A_25 : vector<1x128x128xf32> to vector<128x128xf32>
    %dot_general3A_27 = arith.constant dense<0.000000e+00> : vector<1x128xf32>
    %dot_general3A_28 = tpu.matmul %max3A_21, %get3A_26, %dot_general3A_27 {dimension_numbers = #tpu.dot_dimension_numbers<[1], [0], [0], [1], [0, 0, 1, 1], [], []>, precision = #tpu.contract_precision<fp32>, transpose_lhs_hint = false} : vector<1x128xf32>, vector<128x128xf32>, vector<1x128xf32> -> vector<1x128xf32>
    %get3A_29 = arith.constant 0 : index
    %get3A_30 = arith.constant 0 : index
    %get3A_31 = arith.constant 0 : index
    %get3A_32 = vector.load %arg6[%get3A_29, %get3A_30, %get3A_31] : memref<3x128x128xf32, #tpu.memory_space<vmem>>, vector<1x128x128xf32>
    %get3A_33 = vector.shape_cast %get3A_32 : vector<1x128x128xf32> to vector<128x128xf32>
    %dot_general3A_34 = arith.constant dense<0.000000e+00> : vector<1x128xf32>
    %dot_general3A_35 = tpu.matmul %dot_general3A_28, %get3A_33, %dot_general3A_34 {dimension_numbers = #tpu.dot_dimension_numbers<[1], [0], [0], [1], [0, 0, 1, 1], [], []>, precision = #tpu.contract_precision<fp32>, transpose_lhs_hint = false} : vector<1x128xf32>, vector<128x128xf32>, vector<1x128xf32> -> vector<1x128xf32>
    %swap3A_36 = arith.constant 0 : index
    %swap3A_37 = arith.constant 0 : index
    %swap3A_38 = arith.constant 0 : index
    %swap3A_39 = vector.load %arg8[%swap3A_36, %swap3A_37, %swap3A_38] : memref<3x1x128xf32, #tpu.memory_space<vmem>>, vector<1x1x128xf32>
    %swap3A_40 = vector.shape_cast %swap3A_39 : vector<1x1x128xf32> to vector<1x128xf32>
    %swap3A_41 = vector.shape_cast %dot_general3A_35 : vector<1x128xf32> to vector<1x1x128xf32>
    tpu.vector_store %arg8[%swap3A_36, %swap3A_37, %swap3A_38], %swap3A_41 {strides = array<i32>} : memref<3x1x128xf32, #tpu.memory_space<vmem>>, vector<1x1x128xf32>,
    %get3A_42 = arith.constant 0 : index
    %get3A_43 = arith.constant 0 : index
    %get3A_44 = arith.constant 0 : index
    %get3A_45 = vector.load %arg2[%get3A_42, %get3A_43, %get3A_44] : memref<3x128x128xf32, #tpu.memory_space<vmem>>, vector<1x128x128xf32>
    %get3A_46 = vector.shape_cast %get3A_45 : vector<1x128x128xf32> to vector<128x128xf32>
    %get3A_47 = arith.constant 0 : index
    %get3A_48 = arith.constant 0 : index
    %get3A_49 = arith.constant 0 : index
    %get3A_50 = vector.load %arg5[%get3A_47, %get3A_48, %get3A_49] : memref<3x128x128xf32, #tpu.memory_space<vmem>>, vector<1x128x128xf32>
    %get3A_51 = vector.shape_cast %get3A_50 : vector<1x128x128xf32> to vector<128x128xf32>
    %dot_general3A_52 = arith.constant dense<0.000000e+00> : vector<128x128xf32>
    %dot_general3A_53 = tpu.matmul %get3A_46, %get3A_51, %dot_general3A_52 {dimension_numbers = #tpu.dot_dimension_numbers<[1], [0], [0], [1], [0, 0, 1, 1], [], []>, precision = #tpu.contract_precision<fp32>, transpose_lhs_hint = false} : vector<128x128xf32>, vector<128x128xf32>, vector<128x128xf32> -> vector<128x128xf32>
    %swap3A_54 = arith.constant 0 : index
    %swap3A_55 = arith.constant 0 : index
    %swap3A_56 = arith.constant 0 : index
    %swap3A_57 = vector.load %arg9[%swap3A_54, %swap3A_55, %swap3A_56] : memref<3x128x128xf32, #tpu.memory_space<vmem>>, vector<1x128x128xf32>
    %swap3A_58 = vector.shape_cast %swap3A_57 : vector<1x128x128xf32> to vector<128x128xf32>
    %swap3A_59 = vector.shape_cast %dot_general3A_53 : vector<128x128xf32> to vector<1x128x128xf32>
    tpu.vector_store %arg9[%swap3A_54, %swap3A_55, %swap3A_56], %swap3A_59 {strides = array<i32>} : memref<3x128x128xf32, #tpu.memory_space<vmem>>, vector<1x128x128xf32>,
    %get3A_60 = arith.constant 1 : index
    %get3A_61 = arith.constant 0 : index
    %get3A_62 = arith.constant 0 : index
    %get3A_63 = vector.load %arg0[%get3A_60, %get3A_61, %get3A_62] : memref<3x1x128xf32, #tpu.memory_space<vmem>>, vector<1x1x128xf32>
    %get3A_64 = vector.shape_cast %get3A_63 : vector<1x1x128xf32> to vector<1x128xf32>
    %get3A_65 = arith.constant 1 : index
    %get3A_66 = arith.constant 0 : index
    %get3A_67 = arith.constant 0 : index
    %get3A_68 = vector.load %arg4[%get3A_65, %get3A_66, %get3A_67] : memref<3x128x128xf32, #tpu.memory_space<vmem>>, vector<1x128x128xf32>
    %get3A_69 = vector.shape_cast %get3A_68 : vector<1x128x128xf32> to vector<128x128xf32>
    %dot_general3A_70 = arith.constant dense<0.000000e+00> : vector<1x128xf32>
    %dot_general3A_71 = tpu.matmul %get3A_64, %get3A_69, %dot_general3A_70 {dimension_numbers = #tpu.dot_dimension_numbers<[1], [0], [0], [1], [0, 0, 1, 1], [], []>, precision = #tpu.contract_precision<fp32>, transpose_lhs_hint = false} : vector<1x128xf32>, vector<128x128xf32>, vector<1x128xf32> -> vector<1x128xf32>
    %swap3A_72 = arith.constant 1 : index
    %swap3A_73 = arith.constant 0 : index
    %swap3A_74 = arith.constant 0 : index
    %swap3A_75 = vector.load %arg7[%swap3A_72, %swap3A_73, %swap3A_74] : memref<3x1x128xf32, #tpu.memory_space<vmem>>, vector<1x1x128xf32>
    %swap3A_76 = vector.shape_cast %swap3A_75 : vector<1x1x128xf32> to vector<1x128xf32>
    %swap3A_77 = vector.shape_cast %dot_general3A_71 : vector<1x128xf32> to vector<1x1x128xf32>
    tpu.vector_store %arg7[%swap3A_72, %swap3A_73, %swap3A_74], %swap3A_77 {strides = array<i32>} : memref<3x1x128xf32, #tpu.memory_space<vmem>>, vector<1x1x128xf32>,
    %get3A_78 = arith.constant 1 : index
    %get3A_79 = arith.constant 0 : index
    %get3A_80 = arith.constant 0 : index
    %get3A_81 = vector.load %arg1[%get3A_78, %get3A_79, %get3A_80] : memref<3x1x128xf32, #tpu.memory_space<vmem>>, vector<1x1x128xf32>
    %get3A_82 = vector.shape_cast %get3A_81 : vector<1x1x128xf32> to vector<1x128xf32>
    %max3A_83 = arith.constant 0.000000e+00 : f32
    %max3A_84 = vector.broadcast %max3A_83 : f32 to vector<1x128xf32>
    %max3A_85 = arith.maximumf %get3A_82, %max3A_84 : vector<1x128xf32>
    %get3A_86 = arith.constant 1 : index
    %get3A_87 = arith.constant 0 : index
    %get3A_88 = arith.constant 0 : index
    %get3A_89 = vector.load %arg3[%get3A_86, %get3A_87, %get3A_88] : memref<3x128x128xf32, #tpu.memory_space<vmem>>, vector<1x128x128xf32>
    %get3A_90 = vector.shape_cast %get3A_89 : vector<1x128x128xf32> to vector<128x128xf32>
    %dot_general3A_91 = arith.constant dense<0.000000e+00> : vector<1x128xf32>
    %dot_general3A_92 = tpu.matmul %max3A_85, %get3A_90, %dot_general3A_91 {dimension_numbers = #tpu.dot_dimension_numbers<[1], [0], [0], [1], [0, 0, 1, 1], [], []>, precision = #tpu.contract_precision<fp32>, transpose_lhs_hint = false} : vector<1x128xf32>, vector<128x128xf32>, vector<1x128xf32> -> vector<1x128xf32>
    %get3A_93 = arith.constant 1 : index
    %get3A_94 = arith.constant 0 : index
    %get3A_95 = arith.constant 0 : index
    %get3A_96 = vector.load %arg6[%get3A_93, %get3A_94, %get3A_95] : memref<3x128x128xf32, #tpu.memory_space<vmem>>, vector<1x128x128xf32>
    %get3A_97 = vector.shape_cast %get3A_96 : vector<1x128x128xf32> to vector<128x128xf32>
    %dot_general3A_98 = arith.constant dense<0.000000e+00> : vector<1x128xf32>
    %dot_general3A_99 = tpu.matmul %dot_general3A_92, %get3A_97, %dot_general3A_98 {dimension_numbers = #tpu.dot_dimension_numbers<[1], [0], [0], [1], [0, 0, 1, 1], [], []>, precision = #tpu.contract_precision<fp32>, transpose_lhs_hint = false} : vector<1x128xf32>, vector<128x128xf32>, vector<1x128xf32> -> vector<1x128xf32>
    %swap3A_100 = arith.constant 1 : index
    %swap3A_101 = arith.constant 0 : index
    %swap3A_102 = arith.constant 0 : index
    %swap3A_103 = vector.load %arg8[%swap3A_100, %swap3A_101, %swap3A_102] : memref<3x1x128xf32, #tpu.memory_space<vmem>>, vector<1x1x128xf32>
    %swap3A_104 = vector.shape_cast %swap3A_103 : vector<1x1x128xf32> to vector<1x128xf32>
    %swap3A_105 = vector.shape_cast %dot_general3A_99 : vector<1x128xf32> to vector<1x1x128xf32>
    tpu.vector_store %arg8[%swap3A_100, %swap3A_101, %swap3A_102], %swap3A_105 {strides = array<i32>} : memref<3x1x128xf32, #tpu.memory_space<vmem>>, vector<1x1x128xf32>,
    %get3A_106 = arith.constant 1 : index
    %get3A_107 = arith.constant 0 : index
    %get3A_108 = arith.constant 0 : index
    %get3A_109 = vector.load %arg2[%get3A_106, %get3A_107, %get3A_108] : memref<3x128x128xf32, #tpu.memory_space<vmem>>, vector<1x128x128xf32>
    %get3A_110 = vector.shape_cast %get3A_109 : vector<1x128x128xf32> to vector<128x128xf32>
    %get3A_111 = arith.constant 1 : index
    %get3A_112 = arith.constant 0 : index
    %get3A_113 = arith.constant 0 : index
    %get3A_114 = vector.load %arg5[%get3A_111, %get3A_112, %get3A_113] : memref<3x128x128xf32, #tpu.memory_space<vmem>>, vector<1x128x128xf32>
    %get3A_115 = vector.shape_cast %get3A_114 : vector<1x128x128xf32> to vector<128x128xf32>
    %dot_general3A_116 = arith.constant dense<0.000000e+00> : vector<128x128xf32>
    %dot_general3A_117 = tpu.matmul %get3A_110, %get3A_115, %dot_general3A_116 {dimension_numbers = #tpu.dot_dimension_numbers<[1], [0], [0], [1], [0, 0, 1, 1], [], []>, precision = #tpu.contract_precision<fp32>, transpose_lhs_hint = false} : vector<128x128xf32>, vector<128x128xf32>, vector<128x128xf32> -> vector<128x128xf32>
    %swap3A_118 = arith.constant 1 : index
    %swap3A_119 = arith.constant 0 : index
    %swap3A_120 = arith.constant 0 : index
    %swap3A_121 = vector.load %arg9[%swap3A_118, %swap3A_119, %swap3A_120] : memref<3x128x128xf32, #tpu.memory_space<vmem>>, vector<1x128x128xf32>
    %swap3A_122 = vector.shape_cast %swap3A_121 : vector<1x128x128xf32> to vector<128x128xf32>
    %swap3A_123 = vector.shape_cast %dot_general3A_117 : vector<128x128xf32> to vector<1x128x128xf32>
    tpu.vector_store %arg9[%swap3A_118, %swap3A_119, %swap3A_120], %swap3A_123 {strides = array<i32>} : memref<3x128x128xf32, #tpu.memory_space<vmem>>, vector<1x128x128xf32>,
    %get3A_124 = arith.constant 2 : index
    %get3A_125 = arith.constant 0 : index
    %get3A_126 = arith.constant 0 : index
    %get3A_127 = vector.load %arg0[%get3A_124, %get3A_125, %get3A_126] : memref<3x1x128xf32, #tpu.memory_space<vmem>>, vector<1x1x128xf32>
    %get3A_128 = vector.shape_cast %get3A_127 : vector<1x1x128xf32> to vector<1x128xf32>
    %get3A_129 = arith.constant 2 : index
    %get3A_130 = arith.constant 0 : index
    %get3A_131 = arith.constant 0 : index
    %get3A_132 = vector.load %arg4[%get3A_129, %get3A_130, %get3A_131] : memref<3x128x128xf32, #tpu.memory_space<vmem>>, vector<1x128x128xf32>
    %get3A_133 = vector.shape_cast %get3A_132 : vector<1x128x128xf32> to vector<128x128xf32>
    %dot_general3A_134 = arith.constant dense<0.000000e+00> : vector<1x128xf32>
    %dot_general3A_135 = tpu.matmul %get3A_128, %get3A_133, %dot_general3A_134 {dimension_numbers = #tpu.dot_dimension_numbers<[1], [0], [0], [1], [0, 0, 1, 1], [], []>, precision = #tpu.contract_precision<fp32>, transpose_lhs_hint = false} : vector<1x128xf32>, vector<128x128xf32>, vector<1x128xf32> -> vector<1x128xf32>
    %swap3A_136 = arith.constant 2 : index
    %swap3A_137 = arith.constant 0 : index
    %swap3A_138 = arith.constant 0 : index
    %swap3A_139 = vector.load %arg7[%swap3A_136, %swap3A_137, %swap3A_138] : memref<3x1x128xf32, #tpu.memory_space<vmem>>, vector<1x1x128xf32>
    %swap3A_140 = vector.shape_cast %swap3A_139 : vector<1x1x128xf32> to vector<1x128xf32>
    %swap3A_141 = vector.shape_cast %dot_general3A_135 : vector<1x128xf32> to vector<1x1x128xf32>
    tpu.vector_store %arg7[%swap3A_136, %swap3A_137, %swap3A_138], %swap3A_141 {strides = array<i32>} : memref<3x1x128xf32, #tpu.memory_space<vmem>>, vector<1x1x128xf32>,
    %get3A_142 = arith.constant 2 : index
    %get3A_143 = arith.constant 0 : index
    %get3A_144 = arith.constant 0 : index
    %get3A_145 = vector.load %arg1[%get3A_142, %get3A_143, %get3A_144] : memref<3x1x128xf32, #tpu.memory_space<vmem>>, vector<1x1x128xf32>
    %get3A_146 = vector.shape_cast %get3A_145 : vector<1x1x128xf32> to vector<1x128xf32>
    %max3A_147 = arith.constant 0.000000e+00 : f32
    %max3A_148 = vector.broadcast %max3A_147 : f32 to vector<1x128xf32>
    %max3A_149 = arith.maximumf %get3A_146, %max3A_148 : vector<1x128xf32>
    %get3A_150 = arith.constant 2 : index
    %get3A_151 = arith.constant 0 : index
    %get3A_152 = arith.constant 0 : index
    %get3A_153 = vector.load %arg3[%get3A_150, %get3A_151, %get3A_152] : memref<3x128x128xf32, #tpu.memory_space<vmem>>, vector<1x128x128xf32>
    %get3A_154 = vector.shape_cast %get3A_153 : vector<1x128x128xf32> to vector<128x128xf32>
    %dot_general3A_155 = arith.constant dense<0.000000e+00> : vector<1x128xf32>
    %dot_general3A_156 = tpu.matmul %max3A_149, %get3A_154, %dot_general3A_155 {dimension_numbers = #tpu.dot_dimension_numbers<[1], [0], [0], [1], [0, 0, 1, 1], [], []>, precision = #tpu.contract_precision<fp32>, transpose_lhs_hint = false} : vector<1x128xf32>, vector<128x128xf32>, vector<1x128xf32> -> vector<1x128xf32>
    %get3A_157 = arith.constant 2 : index
    %get3A_158 = arith.constant 0 : index
    %get3A_159 = arith.constant 0 : index
    %get3A_160 = vector.load %arg6[%get3A_157, %get3A_158, %get3A_159] : memref<3x128x128xf32, #tpu.memory_space<vmem>>, vector<1x128x128xf32>
    %get3A_161 = vector.shape_cast %get3A_160 : vector<1x128x128xf32> to vector<128x128xf32>
    %dot_general3A_162 = arith.constant dense<0.000000e+00> : vector<1x128xf32>
    %dot_general3A_163 = tpu.matmul %dot_general3A_156, %get3A_161, %dot_general3A_162 {dimension_numbers = #tpu.dot_dimension_numbers<[1], [0], [0], [1], [0, 0, 1, 1], [], []>, precision = #tpu.contract_precision<fp32>, transpose_lhs_hint = false} : vector<1x128xf32>, vector<128x128xf32>, vector<1x128xf32> -> vector<1x128xf32>
    %swap3A_164 = arith.constant 2 : index
    %swap3A_165 = arith.constant 0 : index
    %swap3A_166 = arith.constant 0 : index
    %swap3A_167 = vector.load %arg8[%swap3A_164, %swap3A_165, %swap3A_166] : memref<3x1x128xf32, #tpu.memory_space<vmem>>, vector<1x1x128xf32>
    %swap3A_168 = vector.shape_cast %swap3A_167 : vector<1x1x128xf32> to vector<1x128xf32>
    %swap3A_169 = vector.shape_cast %dot_general3A_163 : vector<1x128xf32> to vector<1x1x128xf32>
    tpu.vector_store %arg8[%swap3A_164, %swap3A_165, %swap3A_166], %swap3A_169 {strides = array<i32>} : memref<3x1x128xf32, #tpu.memory_space<vmem>>, vector<1x1x128xf32>,
    %get3A_170 = arith.constant 2 : index
    %get3A_171 = arith.constant 0 : index
    %get3A_172 = arith.constant 0 : index
    %get3A_173 = vector.load %arg2[%get3A_170, %get3A_171, %get3A_172] : memref<3x128x128xf32, #tpu.memory_space<vmem>>, vector<1x128x128xf32>
    %get3A_174 = vector.shape_cast %get3A_173 : vector<1x128x128xf32> to vector<128x128xf32>
    %get3A_175 = arith.constant 2 : index
    %get3A_176 = arith.constant 0 : index
    %get3A_177 = arith.constant 0 : index
    %get3A_178 = vector.load %arg5[%get3A_175, %get3A_176, %get3A_177] : memref<3x128x128xf32, #tpu.memory_space<vmem>>, vector<1x128x128xf32>
    %get3A_179 = vector.shape_cast %get3A_178 : vector<1x128x128xf32> to vector<128x128xf32>
    %dot_general3A_180 = arith.constant dense<0.000000e+00> : vector<128x128xf32>
    %dot_general3A_181 = tpu.matmul %get3A_174, %get3A_179, %dot_general3A_180 {dimension_numbers = #tpu.dot_dimension_numbers<[1], [0], [0], [1], [0, 0, 1, 1], [], []>, precision = #tpu.contract_precision<fp32>, transpose_lhs_hint = false} : vector<128x128xf32>, vector<128x128xf32>, vector<128x128xf32> -> vector<128x128xf32>
    %swap3A_182 = arith.constant 2 : index
    %swap3A_183 = arith.constant 0 : index
    %swap3A_184 = arith.constant 0 : index
    %swap3A_185 = vector.load %arg9[%swap3A_182, %swap3A_183, %swap3A_184] : memref<3x128x128xf32, #tpu.memory_space<vmem>>, vector<1x128x128xf32>
    %swap3A_186 = vector.shape_cast %swap3A_185 : vector<1x128x128xf32> to vector<128x128xf32>
    %swap3A_187 = vector.shape_cast %dot_general3A_181 : vector<128x128xf32> to vector<1x128x128xf32>
    tpu.vector_store %arg9[%swap3A_182, %swap3A_183, %swap3A_184], %swap3A_187 {strides = array<i32>} : memref<3x128x128xf32, #tpu.memory_space<vmem>>, vector<1x128x128xf32>,
    return
  }
}

module attributes {stable_mosaic.version = 14 : i64} {
  func.func @body(%arg0: i32, %arg1: memref<1000x1xf32, #tpu.memory_space<vmem>>, %arg2: memref<2x1000x1xf32, #tpu.memory_space<vmem>>, %arg3: memref<2x1000x1xf32, #tpu.memory_space<vmem>>, %arg4: memref<1x128xf32, #tpu.memory_space<vmem>>, %arg5: memref<1x128xf32, #tpu.memory_space<vmem>>, %arg6: memref<128x128xf32, #tpu.memory_space<vmem>>, %arg7: memref<128x128xf32, #tpu.memory_space<vmem>>, %arg8: memref<128x128xf32, #tpu.memory_space<vmem>>, %arg9: memref<1000x128xf32, #tpu.memory_space<vmem>>) attributes {dimension_semantics = [#tpu.dimension_semantics<arbitrary>], iteration_bounds = array<i64: 10>, scalar_prefetch = 0 : i64, scratch_operands = 0 : i64, tpu.core_type = #tpu.core_type<tc>, window_params = [{transform_indices = @transform_0, window_bounds = array<i64: 1000, 1>}, {transform_indices = @transform_1, window_bounds = array<i64: 2, 1000, 1>}, {transform_indices = @transform_2, window_bounds = array<i64: 2, 1000, 1>}, {pipeline_mode = #tpu.pipeline_mode<synchronous>, transform_indices = @transform_3, window_bounds = array<i64: 1, 128>}, {pipeline_mode = #tpu.pipeline_mode<synchronous>, transform_indices = @transform_4, window_bounds = array<i64: 1, 128>}, {pipeline_mode = #tpu.pipeline_mode<synchronous>, transform_indices = @transform_5, window_bounds = array<i64: 128, 128>}, {pipeline_mode = #tpu.pipeline_mode<synchronous>, transform_indices = @transform_6, window_bounds = array<i64: 128, 128>}, {pipeline_mode = #tpu.pipeline_mode<synchronous>, transform_indices = @transform_7, window_bounds = array<i64: 128, 128>}, {transform_indices = @transform_8, window_bounds = array<i64: 1000, 128>}]} {
    %get3A = arith.constant 0 : index
    %get3A_0 = arith.constant 0 : index
    %get3A_1 = vector.load %arg1[%get3A, %get3A_0] : memref<1000x1xf32, #tpu.memory_space<vmem>>, vector<1000x1xf32>
    %get3A_2 = arith.constant 0 : index
    %get3A_3 = arith.constant 0 : index
    %get3A_4 = vector.load %arg4[%get3A_2, %get3A_3] : memref<1x128xf32, #tpu.memory_space<vmem>>, vector<1x128xf32>
    %get3A_5 = arith.constant 0 : index
    %get3A_6 = arith.constant 0 : index
    %get3A_7 = vector.load %arg5[%get3A_5, %get3A_6] : memref<1x128xf32, #tpu.memory_space<vmem>>, vector<1x128xf32>
    %mul3A = vector.broadcast %get3A_1 : vector<1000x1xf32> to vector<1000x128xf32>
    %mul3A_8 = vector.broadcast %get3A_4 : vector<1x128xf32> to vector<1000x128xf32>
    %mul3A_9 = arith.mulf %mul3A, %mul3A_8 : vector<1000x128xf32>
    %get3A_10 = arith.constant 0 : index
    %get3A_11 = arith.constant 0 : index
    %get3A_12 = arith.constant 0 : index
    %get3A_13 = vector.load %arg2[%get3A_10, %get3A_11, %get3A_12] : memref<2x1000x1xf32, #tpu.memory_space<vmem>>, vector<1x1000x1xf32>
    %get3A_14 = vector.shape_cast %get3A_13 : vector<1x1000x1xf32> to vector<1000x1xf32>
    %get3A_15 = arith.constant 1 : index
    %get3A_16 = arith.constant 0 : index
    %get3A_17 = arith.constant 0 : index
    %get3A_18 = vector.load %arg2[%get3A_15, %get3A_16, %get3A_17] : memref<2x1000x1xf32, #tpu.memory_space<vmem>>, vector<1x1000x1xf32>
    %get3A_19 = vector.shape_cast %get3A_18 : vector<1x1000x1xf32> to vector<1000x1xf32>
    %add3A = arith.addf %get3A_14, %get3A_19 : vector<1000x1xf32>
    %mul3A_20 = vector.broadcast %add3A : vector<1000x1xf32> to vector<1000x128xf32>
    %mul3A_21 = vector.broadcast %get3A_7 : vector<1x128xf32> to vector<1000x128xf32>
    %mul3A_22 = arith.mulf %mul3A_20, %mul3A_21 : vector<1000x128xf32>
    %add3A_23 = arith.addf %mul3A_9, %mul3A_22 : vector<1000x128xf32>
    %max3A = arith.constant 0.000000e+00 : f32
    %max3A_24 = vector.broadcast %max3A : f32 to vector<1000x128xf32>
    %max3A_25 = arith.maximumf %add3A_23, %max3A_24 : vector<1000x128xf32>
    %get3A_26 = arith.constant 0 : index
    %get3A_27 = arith.constant 0 : index
    %get3A_28 = vector.load %arg6[%get3A_26, %get3A_27] : memref<128x128xf32, #tpu.memory_space<vmem>>, vector<128x128xf32>
    %dot_general3A = arith.constant dense<0.000000e+00> : vector<1000x128xf32>
    %dot_general3A_29 = tpu.matmul %max3A_25, %get3A_28, %dot_general3A {dimension_numbers = #tpu.dot_dimension_numbers<[1], [0], [0], [1], [0, 0, 1, 1], [], []>, precision = #tpu.contract_precision<fp32>, transpose_lhs_hint = false} : vector<1000x128xf32>, vector<128x128xf32>, vector<1000x128xf32> -> vector<1000x128xf32>
    %max3A_30 = arith.constant 0.000000e+00 : f32
    %max3A_31 = vector.broadcast %max3A_30 : f32 to vector<1000x128xf32>
    %max3A_32 = arith.maximumf %dot_general3A_29, %max3A_31 : vector<1000x128xf32>
    %mul3A_33 = vector.broadcast %get3A_1 : vector<1000x1xf32> to vector<1000x128xf32>
    %mul3A_34 = vector.broadcast %get3A_4 : vector<1x128xf32> to vector<1000x128xf32>
    %mul3A_35 = arith.mulf %mul3A_33, %mul3A_34 : vector<1000x128xf32>
    %get3A_36 = arith.constant 0 : index
    %get3A_37 = arith.constant 0 : index
    %get3A_38 = arith.constant 0 : index
    %get3A_39 = vector.load %arg3[%get3A_36, %get3A_37, %get3A_38] : memref<2x1000x1xf32, #tpu.memory_space<vmem>>, vector<1x1000x1xf32>
    %get3A_40 = vector.shape_cast %get3A_39 : vector<1x1000x1xf32> to vector<1000x1xf32>
    %get3A_41 = arith.constant 1 : index
    %get3A_42 = arith.constant 0 : index
    %get3A_43 = arith.constant 0 : index
    %get3A_44 = vector.load %arg3[%get3A_41, %get3A_42, %get3A_43] : memref<2x1000x1xf32, #tpu.memory_space<vmem>>, vector<1x1000x1xf32>
    %get3A_45 = vector.shape_cast %get3A_44 : vector<1x1000x1xf32> to vector<1000x1xf32>
    %add3A_46 = arith.addf %get3A_40, %get3A_45 : vector<1000x1xf32>
    %mul3A_47 = vector.broadcast %add3A_46 : vector<1000x1xf32> to vector<1000x128xf32>
    %mul3A_48 = vector.broadcast %get3A_7 : vector<1x128xf32> to vector<1000x128xf32>
    %mul3A_49 = arith.mulf %mul3A_47, %mul3A_48 : vector<1000x128xf32>
    %add3A_50 = arith.addf %mul3A_35, %mul3A_49 : vector<1000x128xf32>
    %max3A_51 = arith.constant 0.000000e+00 : f32
    %max3A_52 = vector.broadcast %max3A_51 : f32 to vector<1000x128xf32>
    %max3A_53 = arith.maximumf %add3A_50, %max3A_52 : vector<1000x128xf32>
    %get3A_54 = arith.constant 0 : index
    %get3A_55 = arith.constant 0 : index
    %get3A_56 = vector.load %arg6[%get3A_54, %get3A_55] : memref<128x128xf32, #tpu.memory_space<vmem>>, vector<128x128xf32>
    %dot_general3A_57 = arith.constant dense<0.000000e+00> : vector<1000x128xf32>
    %dot_general3A_58 = tpu.matmul %max3A_53, %get3A_56, %dot_general3A_57 {dimension_numbers = #tpu.dot_dimension_numbers<[1], [0], [0], [1], [0, 0, 1, 1], [], []>, precision = #tpu.contract_precision<fp32>, transpose_lhs_hint = false} : vector<1000x128xf32>, vector<128x128xf32>, vector<1000x128xf32> -> vector<1000x128xf32>
    %max3A_59 = arith.constant 0.000000e+00 : f32
    %max3A_60 = vector.broadcast %max3A_59 : f32 to vector<1000x128xf32>
    %max3A_61 = arith.maximumf %dot_general3A_58, %max3A_60 : vector<1000x128xf32>
    %get3A_62 = arith.constant 0 : index
    %get3A_63 = arith.constant 0 : index
    %get3A_64 = vector.load %arg7[%get3A_62, %get3A_63] : memref<128x128xf32, #tpu.memory_space<vmem>>, vector<128x128xf32>
    %dot_general3A_65 = arith.constant dense<0.000000e+00> : vector<1000x128xf32>
    %dot_general3A_66 = tpu.matmul %max3A_32, %get3A_64, %dot_general3A_65 {dimension_numbers = #tpu.dot_dimension_numbers<[1], [0], [0], [1], [0, 0, 1, 1], [], []>, precision = #tpu.contract_precision<fp32>, transpose_lhs_hint = false} : vector<1000x128xf32>, vector<128x128xf32>, vector<1000x128xf32> -> vector<1000x128xf32>
    %get3A_67 = arith.constant 0 : index
    %get3A_68 = arith.constant 0 : index
    %get3A_69 = vector.load %arg8[%get3A_67, %get3A_68] : memref<128x128xf32, #tpu.memory_space<vmem>>, vector<128x128xf32>
    %dot_general3A_70 = arith.constant dense<0.000000e+00> : vector<1000x128xf32>
    %dot_general3A_71 = tpu.matmul %max3A_61, %get3A_69, %dot_general3A_70 {dimension_numbers = #tpu.dot_dimension_numbers<[1], [0], [0], [1], [0, 0, 1, 1], [], []>, precision = #tpu.contract_precision<fp32>, transpose_lhs_hint = false} : vector<1000x128xf32>, vector<128x128xf32>, vector<1000x128xf32> -> vector<1000x128xf32>
    %add3A_72 = arith.addf %dot_general3A_66, %dot_general3A_71 : vector<1000x128xf32>
    %max3A_73 = arith.constant 0.000000e+00 : f32
    %max3A_74 = vector.broadcast %max3A_73 : f32 to vector<1000x128xf32>
    %max3A_75 = arith.maximumf %add3A_72, %max3A_74 : vector<1000x128xf32>
    %swap3A = arith.constant 0 : index
    %swap3A_76 = arith.constant 0 : index
    %swap3A_77 = vector.load %arg9[%swap3A, %swap3A_76] : memref<1000x128xf32, #tpu.memory_space<vmem>>, vector<1000x128xf32>
    tpu.vector_store %arg9[%swap3A, %swap3A_76], %max3A_75 {strides = array<i32>} : memref<1000x128xf32, #tpu.memory_space<vmem>>, vector<1000x128xf32>,
    return
  }
  func.func @transform_0(%arg0: i32) -> (i32, i32) {
    %c0_i32 = arith.constant 0 : i32
    %c0_i32_0 = arith.constant 0 : i32
    return %arg0, %c0_i32 : i32, i32
  }
  func.func @transform_1(%arg0: i32) -> (i32, i32, i32) {
    %c0_i32 = arith.constant 0 : i32
    %c0_i32_0 = arith.constant 0 : i32
    %c0_i32_1 = arith.constant 0 : i32
    return %c0_i32, %arg0, %c0_i32_0 : i32, i32, i32
  }
  func.func @transform_2(%arg0: i32) -> (i32, i32, i32) {
    %c0_i32 = arith.constant 0 : i32
    %c0_i32_0 = arith.constant 0 : i32
    %c0_i32_1 = arith.constant 0 : i32
    return %c0_i32, %arg0, %c0_i32_0 : i32, i32, i32
  }
  func.func @transform_3(%arg0: i32) -> (i32, i32) {
    %c0_i32 = arith.constant 0 : i32
    %c0_i32_0 = arith.constant 0 : i32
    %c0_i32_1 = arith.constant 0 : i32
    return %c0_i32, %c0_i32_0 : i32, i32
  }
  func.func @transform_4(%arg0: i32) -> (i32, i32) {
    %c0_i32 = arith.constant 0 : i32
    %c0_i32_0 = arith.constant 0 : i32
    %c0_i32_1 = arith.constant 0 : i32
    return %c0_i32, %c0_i32_0 : i32, i32
  }
  func.func @transform_5(%arg0: i32) -> (i32, i32) {
    %c0_i32 = arith.constant 0 : i32
    %c0_i32_0 = arith.constant 0 : i32
    %c0_i32_1 = arith.constant 0 : i32
    return %c0_i32, %c0_i32_0 : i32, i32
  }
  func.func @transform_6(%arg0: i32) -> (i32, i32) {
    %c0_i32 = arith.constant 0 : i32
    %c0_i32_0 = arith.constant 0 : i32
    %c0_i32_1 = arith.constant 0 : i32
    return %c0_i32, %c0_i32_0 : i32, i32
  }
  func.func @transform_7(%arg0: i32) -> (i32, i32) {
    %c0_i32 = arith.constant 0 : i32
    %c0_i32_0 = arith.constant 0 : i32
    %c0_i32_1 = arith.constant 0 : i32
    return %c0_i32, %c0_i32_0 : i32, i32
  }
  func.func @transform_8(%arg0: i32) -> (i32, i32) {
    %c0_i32 = arith.constant 0 : i32
    %c0_i32_0 = arith.constant 0 : i32
    return %arg0, %c0_i32 : i32, i32
  }
}

module attributes {stable_mosaic.version = 14 : i64} {
  func.func @body(%arg0: i32, %arg1: memref<1000x1xf32, #tpu.memory_space<vmem>>, %arg2: memref<2x1000x1xf32, #tpu.memory_space<vmem>>, %arg3: memref<2x1000x1xf32, #tpu.memory_space<vmem>>, %arg4: memref<2x2x1000x128xf32, #tpu.memory_space<vmem>>, %arg5: memref<1x128xf32, #tpu.memory_space<vmem>>, %arg6: memref<1x128xf32, #tpu.memory_space<vmem>>, %arg7: memref<128x128xf32, #tpu.memory_space<vmem>>, %arg8: memref<128x128xf32, #tpu.memory_space<vmem>>, %arg9: memref<128x128xf32, #tpu.memory_space<vmem>>, %arg10: memref<128x128xf32, #tpu.memory_space<vmem>>, %arg11: memref<1000x128xf32, #tpu.memory_space<vmem>>, %arg12: memref<1x128xf32, #tpu.memory_space<vmem>>) attributes {dimension_semantics = [#tpu.dimension_semantics<arbitrary>], iteration_bounds = array<i64: 10>, scalar_prefetch = 0 : i64, scratch_operands = 0 : i64, tpu.core_type = #tpu.core_type<tc>, window_params = [{transform_indices = @transform_0, window_bounds = array<i64: 1000, 1>}, {transform_indices = @transform_1, window_bounds = array<i64: 2, 1000, 1>}, {transform_indices = @transform_2, window_bounds = array<i64: 2, 1000, 1>}, {transform_indices = @transform_3, window_bounds = array<i64: 2, 2, 1000, 128>}, {pipeline_mode = #tpu.pipeline_mode<synchronous>, transform_indices = @transform_4, window_bounds = array<i64: 1, 128>}, {pipeline_mode = #tpu.pipeline_mode<synchronous>, transform_indices = @transform_5, window_bounds = array<i64: 1, 128>}, {pipeline_mode = #tpu.pipeline_mode<synchronous>, transform_indices = @transform_6, window_bounds = array<i64: 128, 128>}, {pipeline_mode = #tpu.pipeline_mode<synchronous>, transform_indices = @transform_7, window_bounds = array<i64: 128, 128>}, {pipeline_mode = #tpu.pipeline_mode<synchronous>, transform_indices = @transform_8, window_bounds = array<i64: 128, 128>}, {pipeline_mode = #tpu.pipeline_mode<synchronous>, transform_indices = @transform_9, window_bounds = array<i64: 128, 128>}, {transform_indices = @transform_10, window_bounds = array<i64: 1000, 128>}, {pipeline_mode = #tpu.pipeline_mode<synchronous>, transform_indices = @transform_11, window_bounds = array<i64: 1, 128>}]} {
    %get3A = arith.constant 0 : index
    %get3A_0 = arith.constant 0 : index
    %get3A_1 = vector.load %arg1[%get3A, %get3A_0] : memref<1000x1xf32, #tpu.memory_space<vmem>>, vector<1000x1xf32>
    %get3A_2 = arith.constant 0 : index
    %get3A_3 = arith.constant 0 : index
    %get3A_4 = vector.load %arg5[%get3A_2, %get3A_3] : memref<1x128xf32, #tpu.memory_space<vmem>>, vector<1x128xf32>
    %get3A_5 = arith.constant 0 : index
    %get3A_6 = arith.constant 0 : index
    %get3A_7 = vector.load %arg6[%get3A_5, %get3A_6] : memref<1x128xf32, #tpu.memory_space<vmem>>, vector<1x128xf32>
    %get3A_8 = arith.constant 0 : index
    %get3A_9 = arith.constant 0 : index
    %get3A_10 = vector.load %arg7[%get3A_8, %get3A_9] : memref<128x128xf32, #tpu.memory_space<vmem>>, vector<128x128xf32>
    %mul3A = vector.broadcast %get3A_1 : vector<1000x1xf32> to vector<1000x128xf32>
    %mul3A_11 = vector.broadcast %get3A_4 : vector<1x128xf32> to vector<1000x128xf32>
    %mul3A_12 = arith.mulf %mul3A, %mul3A_11 : vector<1000x128xf32>
    %get3A_13 = arith.constant 0 : index
    %get3A_14 = arith.constant 0 : index
    %get3A_15 = arith.constant 0 : index
    %get3A_16 = vector.load %arg2[%get3A_13, %get3A_14, %get3A_15] : memref<2x1000x1xf32, #tpu.memory_space<vmem>>, vector<1x1000x1xf32>
    %get3A_17 = vector.shape_cast %get3A_16 : vector<1x1000x1xf32> to vector<1000x1xf32>
    %get3A_18 = arith.constant 1 : index
    %get3A_19 = arith.constant 0 : index
    %get3A_20 = arith.constant 0 : index
    %get3A_21 = vector.load %arg2[%get3A_18, %get3A_19, %get3A_20] : memref<2x1000x1xf32, #tpu.memory_space<vmem>>, vector<1x1000x1xf32>
    %get3A_22 = vector.shape_cast %get3A_21 : vector<1x1000x1xf32> to vector<1000x1xf32>
    %add3A = arith.addf %get3A_17, %get3A_22 : vector<1000x1xf32>
    %mul3A_23 = vector.broadcast %add3A : vector<1000x1xf32> to vector<1000x128xf32>
    %mul3A_24 = vector.broadcast %get3A_7 : vector<1x128xf32> to vector<1000x128xf32>
    %mul3A_25 = arith.mulf %mul3A_23, %mul3A_24 : vector<1000x128xf32>
    %add3A_26 = arith.addf %mul3A_12, %mul3A_25 : vector<1000x128xf32>
    %get3A_27 = arith.constant 0 : index
    %get3A_28 = arith.constant 0 : index
    %get3A_29 = arith.constant 0 : index
    %get3A_30 = arith.constant 0 : index
    %get3A_31 = vector.load %arg4[%get3A_27, %get3A_28, %get3A_29, %get3A_30] : memref<2x2x1000x128xf32, #tpu.memory_space<vmem>>, vector<1x1x1000x128xf32>
    %get3A_32 = vector.shape_cast %get3A_31 : vector<1x1x1000x128xf32> to vector<1000x128xf32>
    %get3A_33 = arith.constant 1 : index
    %get3A_34 = arith.constant 0 : index
    %get3A_35 = arith.constant 0 : index
    %get3A_36 = arith.constant 0 : index
    %get3A_37 = vector.load %arg4[%get3A_33, %get3A_34, %get3A_35, %get3A_36] : memref<2x2x1000x128xf32, #tpu.memory_space<vmem>>, vector<1x1x1000x128xf32>
    %get3A_38 = vector.shape_cast %get3A_37 : vector<1x1x1000x128xf32> to vector<1000x128xf32>
    %add3A_39 = arith.addf %get3A_32, %get3A_38 : vector<1000x128xf32>
    %dot_general3A = arith.constant dense<0.000000e+00> : vector<1000x128xf32>
    %dot_general3A_40 = tpu.matmul %add3A_39, %get3A_10, %dot_general3A {dimension_numbers = #tpu.dot_dimension_numbers<[1], [0], [0], [1], [0, 0, 1, 1], [], []>, precision = #tpu.contract_precision<fp32>, transpose_lhs_hint = false} : vector<1000x128xf32>, vector<128x128xf32>, vector<1000x128xf32> -> vector<1000x128xf32>
    %add3A_41 = arith.addf %add3A_26, %dot_general3A_40 : vector<1000x128xf32>
    %max3A = arith.constant 0.000000e+00 : f32
    %max3A_42 = vector.broadcast %max3A : f32 to vector<1000x128xf32>
    %max3A_43 = arith.maximumf %add3A_41, %max3A_42 : vector<1000x128xf32>
    %get3A_44 = arith.constant 0 : index
    %get3A_45 = arith.constant 0 : index
    %get3A_46 = vector.load %arg8[%get3A_44, %get3A_45] : memref<128x128xf32, #tpu.memory_space<vmem>>, vector<128x128xf32>
    %dot_general3A_47 = arith.constant dense<0.000000e+00> : vector<1000x128xf32>
    %dot_general3A_48 = tpu.matmul %max3A_43, %get3A_46, %dot_general3A_47 {dimension_numbers = #tpu.dot_dimension_numbers<[1], [0], [0], [1], [0, 0, 1, 1], [], []>, precision = #tpu.contract_precision<fp32>, transpose_lhs_hint = false} : vector<1000x128xf32>, vector<128x128xf32>, vector<1000x128xf32> -> vector<1000x128xf32>
    %max3A_49 = arith.constant 0.000000e+00 : f32
    %max3A_50 = vector.broadcast %max3A_49 : f32 to vector<1000x128xf32>
    %max3A_51 = arith.maximumf %dot_general3A_48, %max3A_50 : vector<1000x128xf32>
    %mul3A_52 = vector.broadcast %get3A_1 : vector<1000x1xf32> to vector<1000x128xf32>
    %mul3A_53 = vector.broadcast %get3A_4 : vector<1x128xf32> to vector<1000x128xf32>
    %mul3A_54 = arith.mulf %mul3A_52, %mul3A_53 : vector<1000x128xf32>
    %get3A_55 = arith.constant 0 : index
    %get3A_56 = arith.constant 0 : index
    %get3A_57 = arith.constant 0 : index
    %get3A_58 = vector.load %arg3[%get3A_55, %get3A_56, %get3A_57] : memref<2x1000x1xf32, #tpu.memory_space<vmem>>, vector<1x1000x1xf32>
    %get3A_59 = vector.shape_cast %get3A_58 : vector<1x1000x1xf32> to vector<1000x1xf32>
    %get3A_60 = arith.constant 1 : index
    %get3A_61 = arith.constant 0 : index
    %get3A_62 = arith.constant 0 : index
    %get3A_63 = vector.load %arg3[%get3A_60, %get3A_61, %get3A_62] : memref<2x1000x1xf32, #tpu.memory_space<vmem>>, vector<1x1000x1xf32>
    %get3A_64 = vector.shape_cast %get3A_63 : vector<1x1000x1xf32> to vector<1000x1xf32>
    %add3A_65 = arith.addf %get3A_59, %get3A_64 : vector<1000x1xf32>
    %mul3A_66 = vector.broadcast %add3A_65 : vector<1000x1xf32> to vector<1000x128xf32>
    %mul3A_67 = vector.broadcast %get3A_7 : vector<1x128xf32> to vector<1000x128xf32>
    %mul3A_68 = arith.mulf %mul3A_66, %mul3A_67 : vector<1000x128xf32>
    %add3A_69 = arith.addf %mul3A_54, %mul3A_68 : vector<1000x128xf32>
    %get3A_70 = arith.constant 0 : index
    %get3A_71 = arith.constant 1 : index
    %get3A_72 = arith.constant 0 : index
    %get3A_73 = arith.constant 0 : index
    %get3A_74 = vector.load %arg4[%get3A_70, %get3A_71, %get3A_72, %get3A_73] : memref<2x2x1000x128xf32, #tpu.memory_space<vmem>>, vector<1x1x1000x128xf32>
    %get3A_75 = vector.shape_cast %get3A_74 : vector<1x1x1000x128xf32> to vector<1000x128xf32>
    %get3A_76 = arith.constant 1 : index
    %get3A_77 = arith.constant 1 : index
    %get3A_78 = arith.constant 0 : index
    %get3A_79 = arith.constant 0 : index
    %get3A_80 = vector.load %arg4[%get3A_76, %get3A_77, %get3A_78, %get3A_79] : memref<2x2x1000x128xf32, #tpu.memory_space<vmem>>, vector<1x1x1000x128xf32>
    %get3A_81 = vector.shape_cast %get3A_80 : vector<1x1x1000x128xf32> to vector<1000x128xf32>
    %add3A_82 = arith.addf %get3A_75, %get3A_81 : vector<1000x128xf32>
    %dot_general3A_83 = arith.constant dense<0.000000e+00> : vector<1000x128xf32>
    %dot_general3A_84 = tpu.matmul %add3A_82, %get3A_10, %dot_general3A_83 {dimension_numbers = #tpu.dot_dimension_numbers<[1], [0], [0], [1], [0, 0, 1, 1], [], []>, precision = #tpu.contract_precision<fp32>, transpose_lhs_hint = false} : vector<1000x128xf32>, vector<128x128xf32>, vector<1000x128xf32> -> vector<1000x128xf32>
    %add3A_85 = arith.addf %add3A_69, %dot_general3A_84 : vector<1000x128xf32>
    %max3A_86 = arith.constant 0.000000e+00 : f32
    %max3A_87 = vector.broadcast %max3A_86 : f32 to vector<1000x128xf32>
    %max3A_88 = arith.maximumf %add3A_85, %max3A_87 : vector<1000x128xf32>
    %get3A_89 = arith.constant 0 : index
    %get3A_90 = arith.constant 0 : index
    %get3A_91 = vector.load %arg8[%get3A_89, %get3A_90] : memref<128x128xf32, #tpu.memory_space<vmem>>, vector<128x128xf32>
    %dot_general3A_92 = arith.constant dense<0.000000e+00> : vector<1000x128xf32>
    %dot_general3A_93 = tpu.matmul %max3A_88, %get3A_91, %dot_general3A_92 {dimension_numbers = #tpu.dot_dimension_numbers<[1], [0], [0], [1], [0, 0, 1, 1], [], []>, precision = #tpu.contract_precision<fp32>, transpose_lhs_hint = false} : vector<1000x128xf32>, vector<128x128xf32>, vector<1000x128xf32> -> vector<1000x128xf32>
    %max3A_94 = arith.constant 0.000000e+00 : f32
    %max3A_95 = vector.broadcast %max3A_94 : f32 to vector<1000x128xf32>
    %max3A_96 = arith.maximumf %dot_general3A_93, %max3A_95 : vector<1000x128xf32>
    %get3A_97 = arith.constant 0 : index
    %get3A_98 = arith.constant 0 : index
    %get3A_99 = vector.load %arg9[%get3A_97, %get3A_98] : memref<128x128xf32, #tpu.memory_space<vmem>>, vector<128x128xf32>
    %dot_general3A_100 = arith.constant dense<0.000000e+00> : vector<1000x128xf32>
    %dot_general3A_101 = tpu.matmul %max3A_51, %get3A_99, %dot_general3A_100 {dimension_numbers = #tpu.dot_dimension_numbers<[1], [0], [0], [1], [0, 0, 1, 1], [], []>, precision = #tpu.contract_precision<fp32>, transpose_lhs_hint = false} : vector<1000x128xf32>, vector<128x128xf32>, vector<1000x128xf32> -> vector<1000x128xf32>
    %get3A_102 = arith.constant 0 : index
    %get3A_103 = arith.constant 0 : index
    %get3A_104 = vector.load %arg10[%get3A_102, %get3A_103] : memref<128x128xf32, #tpu.memory_space<vmem>>, vector<128x128xf32>
    %dot_general3A_105 = arith.constant dense<0.000000e+00> : vector<1000x128xf32>
    %dot_general3A_106 = tpu.matmul %max3A_96, %get3A_104, %dot_general3A_105 {dimension_numbers = #tpu.dot_dimension_numbers<[1], [0], [0], [1], [0, 0, 1, 1], [], []>, precision = #tpu.contract_precision<fp32>, transpose_lhs_hint = false} : vector<1000x128xf32>, vector<128x128xf32>, vector<1000x128xf32> -> vector<1000x128xf32>
    %add3A_107 = arith.addf %dot_general3A_101, %dot_general3A_106 : vector<1000x128xf32>
    %max3A_108 = arith.constant 0.000000e+00 : f32
    %max3A_109 = vector.broadcast %max3A_108 : f32 to vector<1000x128xf32>
    %max3A_110 = arith.maximumf %add3A_107, %max3A_109 : vector<1000x128xf32>
    %swap3A = arith.constant 0 : index
    %swap3A_111 = arith.constant 0 : index
    %swap3A_112 = vector.load %arg11[%swap3A, %swap3A_111] : memref<1000x128xf32, #tpu.memory_space<vmem>>, vector<1000x128xf32>
    tpu.vector_store %arg11[%swap3A, %swap3A_111], %max3A_110 {strides = array<i32>} : memref<1000x128xf32, #tpu.memory_space<vmem>>, vector<1000x128xf32>,
    %eq3A = arith.constant 0 : i32
    %eq3A_113 = arith.cmpi eq, %arg0, %eq3A : i32
    %convert_element_type3A = arith.extui %eq3A_113 : i1 to i32
    %cond3A = arith.constant 0 : i32
    %cond3A_114 = arith.cmpi ne, %convert_element_type3A, %cond3A : i32
    scf.if %cond3A_114 {
      %broadcast_in_dim3A_123 = arith.constant 0.000000e+00 : f32
      %broadcast_in_dim3A_124 = vector.broadcast %broadcast_in_dim3A_123 : f32 to vector<1x128xf32>
      %swap3A_125 = arith.constant 0 : index
      %swap3A_126 = arith.constant 0 : index
      %swap3A_127 = vector.load %arg12[%swap3A_125, %swap3A_126] : memref<1x128xf32, #tpu.memory_space<vmem>>, vector<1x128xf32>
      tpu.vector_store %arg12[%swap3A_125, %swap3A_126], %broadcast_in_dim3A_124 {strides = array<i32>} : memref<1x128xf32, #tpu.memory_space<vmem>>, vector<1x128xf32>,
    } else {
    }
    %get3A_115 = arith.constant 0 : index
    %get3A_116 = arith.constant 0 : index
    %get3A_117 = vector.load %arg12[%get3A_115, %get3A_116] : memref<1x128xf32, #tpu.memory_space<vmem>>, vector<1x128xf32>
    %reduce_sum3A = arith.constant dense<0.000000e+00> : vector<128xf32>
    %reduce_sum3A_118 = vector.multi_reduction <add>, %max3A_110, %reduce_sum3A [0] : vector<1000x128xf32> to vector<128xf32>
    %broadcast_in_dim3A = vector.shape_cast %reduce_sum3A_118 : vector<128xf32> to vector<1x128xf32>
    %add3A_119 = arith.addf %get3A_117, %broadcast_in_dim3A : vector<1x128xf32>
    %swap3A_120 = arith.constant 0 : index
    %swap3A_121 = arith.constant 0 : index
    %swap3A_122 = vector.load %arg12[%swap3A_120, %swap3A_121] : memref<1x128xf32, #tpu.memory_space<vmem>>, vector<1x128xf32>
    tpu.vector_store %arg12[%swap3A_120, %swap3A_121], %add3A_119 {strides = array<i32>} : memref<1x128xf32, #tpu.memory_space<vmem>>, vector<1x128xf32>,
    return
  }
  func.func @transform_0(%arg0: i32) -> (i32, i32) {
    %c0_i32 = arith.constant 0 : i32
    %c0_i32_0 = arith.constant 0 : i32
    return %arg0, %c0_i32 : i32, i32
  }
  func.func @transform_1(%arg0: i32) -> (i32, i32, i32) {
    %c0_i32 = arith.constant 0 : i32
    %c0_i32_0 = arith.constant 0 : i32
    %c0_i32_1 = arith.constant 0 : i32
    return %c0_i32, %arg0, %c0_i32_0 : i32, i32, i32
  }
  func.func @transform_2(%arg0: i32) -> (i32, i32, i32) {
    %c0_i32 = arith.constant 0 : i32
    %c0_i32_0 = arith.constant 0 : i32
    %c0_i32_1 = arith.constant 0 : i32
    return %c0_i32, %arg0, %c0_i32_0 : i32, i32, i32
  }
  func.func @transform_3(%arg0: i32) -> (i32, i32, i32, i32) {
    %c0_i32 = arith.constant 0 : i32
    %c0_i32_0 = arith.constant 0 : i32
    %c0_i32_1 = arith.constant 0 : i32
    %c0_i32_2 = arith.constant 0 : i32
    return %c0_i32, %c0_i32_0, %arg0, %c0_i32_1 : i32, i32, i32, i32
  }
  func.func @transform_4(%arg0: i32) -> (i32, i32) {
    %c0_i32 = arith.constant 0 : i32
    %c0_i32_0 = arith.constant 0 : i32
    %c0_i32_1 = arith.constant 0 : i32
    return %c0_i32, %c0_i32_0 : i32, i32
  }
  func.func @transform_5(%arg0: i32) -> (i32, i32) {
    %c0_i32 = arith.constant 0 : i32
    %c0_i32_0 = arith.constant 0 : i32
    %c0_i32_1 = arith.constant 0 : i32
    return %c0_i32, %c0_i32_0 : i32, i32
  }
  func.func @transform_6(%arg0: i32) -> (i32, i32) {
    %c0_i32 = arith.constant 0 : i32
    %c0_i32_0 = arith.constant 0 : i32
    %c0_i32_1 = arith.constant 0 : i32
    return %c0_i32, %c0_i32_0 : i32, i32
  }
  func.func @transform_7(%arg0: i32) -> (i32, i32) {
    %c0_i32 = arith.constant 0 : i32
    %c0_i32_0 = arith.constant 0 : i32
    %c0_i32_1 = arith.constant 0 : i32
    return %c0_i32, %c0_i32_0 : i32, i32
  }
  func.func @transform_8(%arg0: i32) -> (i32, i32) {
    %c0_i32 = arith.constant 0 : i32
    %c0_i32_0 = arith.constant 0 : i32
    %c0_i32_1 = arith.constant 0 : i32
    return %c0_i32, %c0_i32_0 : i32, i32
  }
  func.func @transform_9(%arg0: i32) -> (i32, i32) {
    %c0_i32 = arith.constant 0 : i32
    %c0_i32_0 = arith.constant 0 : i32
    %c0_i32_1 = arith.constant 0 : i32
    return %c0_i32, %c0_i32_0 : i32, i32
  }
  func.func @transform_10(%arg0: i32) -> (i32, i32) {
    %c0_i32 = arith.constant 0 : i32
    %c0_i32_0 = arith.constant 0 : i32
    return %arg0, %c0_i32 : i32, i32
  }
  func.func @transform_11(%arg0: i32) -> (i32, i32) {
    %c0_i32 = arith.constant 0 : i32
    %c0_i32_0 = arith.constant 0 : i32
    %c0_i32_1 = arith.constant 0 : i32
    return %c0_i32, %c0_i32_0 : i32, i32
  }
}

module attributes {stable_mosaic.version = 14 : i64} {
  func.func @body(%arg0: i32, %arg1: memref<1000x1xf32, #tpu.memory_space<vmem>>, %arg2: memref<2x1000x1xf32, #tpu.memory_space<vmem>>, %arg3: memref<2x1000x1xf32, #tpu.memory_space<vmem>>, %arg4: memref<2x2x1000x128xf32, #tpu.memory_space<vmem>>, %arg5: memref<1x128xf32, #tpu.memory_space<vmem>>, %arg6: memref<1x128xf32, #tpu.memory_space<vmem>>, %arg7: memref<128x128xf32, #tpu.memory_space<vmem>>, %arg8: memref<128x128xf32, #tpu.memory_space<vmem>>, %arg9: memref<128x128xf32, #tpu.memory_space<vmem>>, %arg10: memref<128x128xf32, #tpu.memory_space<vmem>>, %arg11: memref<1000x128xf32, #tpu.memory_space<vmem>>, %arg12: memref<1x128xf32, #tpu.memory_space<vmem>>) attributes {dimension_semantics = [#tpu.dimension_semantics<arbitrary>], iteration_bounds = array<i64: 10>, scalar_prefetch = 0 : i64, scratch_operands = 0 : i64, tpu.core_type = #tpu.core_type<tc>, window_params = [{transform_indices = @transform_0, window_bounds = array<i64: 1000, 1>}, {transform_indices = @transform_1, window_bounds = array<i64: 2, 1000, 1>}, {transform_indices = @transform_2, window_bounds = array<i64: 2, 1000, 1>}, {transform_indices = @transform_3, window_bounds = array<i64: 2, 2, 1000, 128>}, {pipeline_mode = #tpu.pipeline_mode<synchronous>, transform_indices = @transform_4, window_bounds = array<i64: 1, 128>}, {pipeline_mode = #tpu.pipeline_mode<synchronous>, transform_indices = @transform_5, window_bounds = array<i64: 1, 128>}, {pipeline_mode = #tpu.pipeline_mode<synchronous>, transform_indices = @transform_6, window_bounds = array<i64: 128, 128>}, {pipeline_mode = #tpu.pipeline_mode<synchronous>, transform_indices = @transform_7, window_bounds = array<i64: 128, 128>}, {pipeline_mode = #tpu.pipeline_mode<synchronous>, transform_indices = @transform_8, window_bounds = array<i64: 128, 128>}, {pipeline_mode = #tpu.pipeline_mode<synchronous>, transform_indices = @transform_9, window_bounds = array<i64: 128, 128>}, {transform_indices = @transform_10, window_bounds = array<i64: 1000, 128>}, {pipeline_mode = #tpu.pipeline_mode<synchronous>, transform_indices = @transform_11, window_bounds = array<i64: 1, 128>}]} {
    %get3A = arith.constant 0 : index
    %get3A_0 = arith.constant 0 : index
    %get3A_1 = vector.load %arg1[%get3A, %get3A_0] : memref<1000x1xf32, #tpu.memory_space<vmem>>, vector<1000x1xf32>
    %get3A_2 = arith.constant 0 : index
    %get3A_3 = arith.constant 0 : index
    %get3A_4 = vector.load %arg5[%get3A_2, %get3A_3] : memref<1x128xf32, #tpu.memory_space<vmem>>, vector<1x128xf32>
    %get3A_5 = arith.constant 0 : index
    %get3A_6 = arith.constant 0 : index
    %get3A_7 = vector.load %arg6[%get3A_5, %get3A_6] : memref<1x128xf32, #tpu.memory_space<vmem>>, vector<1x128xf32>
    %get3A_8 = arith.constant 0 : index
    %get3A_9 = arith.constant 0 : index
    %get3A_10 = vector.load %arg7[%get3A_8, %get3A_9] : memref<128x128xf32, #tpu.memory_space<vmem>>, vector<128x128xf32>
    %mul3A = vector.broadcast %get3A_1 : vector<1000x1xf32> to vector<1000x128xf32>
    %mul3A_11 = vector.broadcast %get3A_4 : vector<1x128xf32> to vector<1000x128xf32>
    %mul3A_12 = arith.mulf %mul3A, %mul3A_11 : vector<1000x128xf32>
    %get3A_13 = arith.constant 0 : index
    %get3A_14 = arith.constant 0 : index
    %get3A_15 = arith.constant 0 : index
    %get3A_16 = vector.load %arg2[%get3A_13, %get3A_14, %get3A_15] : memref<2x1000x1xf32, #tpu.memory_space<vmem>>, vector<1x1000x1xf32>
    %get3A_17 = vector.shape_cast %get3A_16 : vector<1x1000x1xf32> to vector<1000x1xf32>
    %get3A_18 = arith.constant 1 : index
    %get3A_19 = arith.constant 0 : index
    %get3A_20 = arith.constant 0 : index
    %get3A_21 = vector.load %arg2[%get3A_18, %get3A_19, %get3A_20] : memref<2x1000x1xf32, #tpu.memory_space<vmem>>, vector<1x1000x1xf32>
    %get3A_22 = vector.shape_cast %get3A_21 : vector<1x1000x1xf32> to vector<1000x1xf32>
    %add3A = arith.addf %get3A_17, %get3A_22 : vector<1000x1xf32>
    %mul3A_23 = vector.broadcast %add3A : vector<1000x1xf32> to vector<1000x128xf32>
    %mul3A_24 = vector.broadcast %get3A_7 : vector<1x128xf32> to vector<1000x128xf32>
    %mul3A_25 = arith.mulf %mul3A_23, %mul3A_24 : vector<1000x128xf32>
    %add3A_26 = arith.addf %mul3A_12, %mul3A_25 : vector<1000x128xf32>
    %get3A_27 = arith.constant 0 : index
    %get3A_28 = arith.constant 0 : index
    %get3A_29 = arith.constant 0 : index
    %get3A_30 = arith.constant 0 : index
    %get3A_31 = vector.load %arg4[%get3A_27, %get3A_28, %get3A_29, %get3A_30] : memref<2x2x1000x128xf32, #tpu.memory_space<vmem>>, vector<1x1x1000x128xf32>
    %get3A_32 = vector.shape_cast %get3A_31 : vector<1x1x1000x128xf32> to vector<1000x128xf32>
    %get3A_33 = arith.constant 1 : index
    %get3A_34 = arith.constant 0 : index
    %get3A_35 = arith.constant 0 : index
    %get3A_36 = arith.constant 0 : index
    %get3A_37 = vector.load %arg4[%get3A_33, %get3A_34, %get3A_35, %get3A_36] : memref<2x2x1000x128xf32, #tpu.memory_space<vmem>>, vector<1x1x1000x128xf32>
    %get3A_38 = vector.shape_cast %get3A_37 : vector<1x1x1000x128xf32> to vector<1000x128xf32>
    %add3A_39 = arith.addf %get3A_32, %get3A_38 : vector<1000x128xf32>
    %dot_general3A = arith.constant dense<0.000000e+00> : vector<1000x128xf32>
    %dot_general3A_40 = tpu.matmul %add3A_39, %get3A_10, %dot_general3A {dimension_numbers = #tpu.dot_dimension_numbers<[1], [0], [0], [1], [0, 0, 1, 1], [], []>, precision = #tpu.contract_precision<fp32>, transpose_lhs_hint = false} : vector<1000x128xf32>, vector<128x128xf32>, vector<1000x128xf32> -> vector<1000x128xf32>
    %add3A_41 = arith.addf %add3A_26, %dot_general3A_40 : vector<1000x128xf32>
    %max3A = arith.constant 0.000000e+00 : f32
    %max3A_42 = vector.broadcast %max3A : f32 to vector<1000x128xf32>
    %max3A_43 = arith.maximumf %add3A_41, %max3A_42 : vector<1000x128xf32>
    %get3A_44 = arith.constant 0 : index
    %get3A_45 = arith.constant 0 : index
    %get3A_46 = vector.load %arg8[%get3A_44, %get3A_45] : memref<128x128xf32, #tpu.memory_space<vmem>>, vector<128x128xf32>
    %dot_general3A_47 = arith.constant dense<0.000000e+00> : vector<1000x128xf32>
    %dot_general3A_48 = tpu.matmul %max3A_43, %get3A_46, %dot_general3A_47 {dimension_numbers = #tpu.dot_dimension_numbers<[1], [0], [0], [1], [0, 0, 1, 1], [], []>, precision = #tpu.contract_precision<fp32>, transpose_lhs_hint = false} : vector<1000x128xf32>, vector<128x128xf32>, vector<1000x128xf32> -> vector<1000x128xf32>
    %max3A_49 = arith.constant 0.000000e+00 : f32
    %max3A_50 = vector.broadcast %max3A_49 : f32 to vector<1000x128xf32>
    %max3A_51 = arith.maximumf %dot_general3A_48, %max3A_50 : vector<1000x128xf32>
    %mul3A_52 = vector.broadcast %get3A_1 : vector<1000x1xf32> to vector<1000x128xf32>
    %mul3A_53 = vector.broadcast %get3A_4 : vector<1x128xf32> to vector<1000x128xf32>
    %mul3A_54 = arith.mulf %mul3A_52, %mul3A_53 : vector<1000x128xf32>
    %get3A_55 = arith.constant 0 : index
    %get3A_56 = arith.constant 0 : index
    %get3A_57 = arith.constant 0 : index
    %get3A_58 = vector.load %arg3[%get3A_55, %get3A_56, %get3A_57] : memref<2x1000x1xf32, #tpu.memory_space<vmem>>, vector<1x1000x1xf32>
    %get3A_59 = vector.shape_cast %get3A_58 : vector<1x1000x1xf32> to vector<1000x1xf32>
    %get3A_60 = arith.constant 1 : index
    %get3A_61 = arith.constant 0 : index
    %get3A_62 = arith.constant 0 : index
    %get3A_63 = vector.load %arg3[%get3A_60, %get3A_61, %get3A_62] : memref<2x1000x1xf32, #tpu.memory_space<vmem>>, vector<1x1000x1xf32>
    %get3A_64 = vector.shape_cast %get3A_63 : vector<1x1000x1xf32> to vector<1000x1xf32>
    %add3A_65 = arith.addf %get3A_59, %get3A_64 : vector<1000x1xf32>
    %mul3A_66 = vector.broadcast %add3A_65 : vector<1000x1xf32> to vector<1000x128xf32>
    %mul3A_67 = vector.broadcast %get3A_7 : vector<1x128xf32> to vector<1000x128xf32>
    %mul3A_68 = arith.mulf %mul3A_66, %mul3A_67 : vector<1000x128xf32>
    %add3A_69 = arith.addf %mul3A_54, %mul3A_68 : vector<1000x128xf32>
    %get3A_70 = arith.constant 0 : index
    %get3A_71 = arith.constant 1 : index
    %get3A_72 = arith.constant 0 : index
    %get3A_73 = arith.constant 0 : index
    %get3A_74 = vector.load %arg4[%get3A_70, %get3A_71, %get3A_72, %get3A_73] : memref<2x2x1000x128xf32, #tpu.memory_space<vmem>>, vector<1x1x1000x128xf32>
    %get3A_75 = vector.shape_cast %get3A_74 : vector<1x1x1000x128xf32> to vector<1000x128xf32>
    %get3A_76 = arith.constant 1 : index
    %get3A_77 = arith.constant 1 : index
    %get3A_78 = arith.constant 0 : index
    %get3A_79 = arith.constant 0 : index
    %get3A_80 = vector.load %arg4[%get3A_76, %get3A_77, %get3A_78, %get3A_79] : memref<2x2x1000x128xf32, #tpu.memory_space<vmem>>, vector<1x1x1000x128xf32>
    %get3A_81 = vector.shape_cast %get3A_80 : vector<1x1x1000x128xf32> to vector<1000x128xf32>
    %add3A_82 = arith.addf %get3A_75, %get3A_81 : vector<1000x128xf32>
    %dot_general3A_83 = arith.constant dense<0.000000e+00> : vector<1000x128xf32>
    %dot_general3A_84 = tpu.matmul %add3A_82, %get3A_10, %dot_general3A_83 {dimension_numbers = #tpu.dot_dimension_numbers<[1], [0], [0], [1], [0, 0, 1, 1], [], []>, precision = #tpu.contract_precision<fp32>, transpose_lhs_hint = false} : vector<1000x128xf32>, vector<128x128xf32>, vector<1000x128xf32> -> vector<1000x128xf32>
    %add3A_85 = arith.addf %add3A_69, %dot_general3A_84 : vector<1000x128xf32>
    %max3A_86 = arith.constant 0.000000e+00 : f32
    %max3A_87 = vector.broadcast %max3A_86 : f32 to vector<1000x128xf32>
    %max3A_88 = arith.maximumf %add3A_85, %max3A_87 : vector<1000x128xf32>
    %get3A_89 = arith.constant 0 : index
    %get3A_90 = arith.constant 0 : index
    %get3A_91 = vector.load %arg8[%get3A_89, %get3A_90] : memref<128x128xf32, #tpu.memory_space<vmem>>, vector<128x128xf32>
    %dot_general3A_92 = arith.constant dense<0.000000e+00> : vector<1000x128xf32>
    %dot_general3A_93 = tpu.matmul %max3A_88, %get3A_91, %dot_general3A_92 {dimension_numbers = #tpu.dot_dimension_numbers<[1], [0], [0], [1], [0, 0, 1, 1], [], []>, precision = #tpu.contract_precision<fp32>, transpose_lhs_hint = false} : vector<1000x128xf32>, vector<128x128xf32>, vector<1000x128xf32> -> vector<1000x128xf32>
    %max3A_94 = arith.constant 0.000000e+00 : f32
    %max3A_95 = vector.broadcast %max3A_94 : f32 to vector<1000x128xf32>
    %max3A_96 = arith.maximumf %dot_general3A_93, %max3A_95 : vector<1000x128xf32>
    %get3A_97 = arith.constant 0 : index
    %get3A_98 = arith.constant 0 : index
    %get3A_99 = vector.load %arg9[%get3A_97, %get3A_98] : memref<128x128xf32, #tpu.memory_space<vmem>>, vector<128x128xf32>
    %dot_general3A_100 = arith.constant dense<0.000000e+00> : vector<1000x128xf32>
    %dot_general3A_101 = tpu.matmul %max3A_51, %get3A_99, %dot_general3A_100 {dimension_numbers = #tpu.dot_dimension_numbers<[1], [0], [0], [1], [0, 0, 1, 1], [], []>, precision = #tpu.contract_precision<fp32>, transpose_lhs_hint = false} : vector<1000x128xf32>, vector<128x128xf32>, vector<1000x128xf32> -> vector<1000x128xf32>
    %get3A_102 = arith.constant 0 : index
    %get3A_103 = arith.constant 0 : index
    %get3A_104 = vector.load %arg10[%get3A_102, %get3A_103] : memref<128x128xf32, #tpu.memory_space<vmem>>, vector<128x128xf32>
    %dot_general3A_105 = arith.constant dense<0.000000e+00> : vector<1000x128xf32>
    %dot_general3A_106 = tpu.matmul %max3A_96, %get3A_104, %dot_general3A_105 {dimension_numbers = #tpu.dot_dimension_numbers<[1], [0], [0], [1], [0, 0, 1, 1], [], []>, precision = #tpu.contract_precision<fp32>, transpose_lhs_hint = false} : vector<1000x128xf32>, vector<128x128xf32>, vector<1000x128xf32> -> vector<1000x128xf32>
    %add3A_107 = arith.addf %dot_general3A_101, %dot_general3A_106 : vector<1000x128xf32>
    %max3A_108 = arith.constant 0.000000e+00 : f32
    %max3A_109 = vector.broadcast %max3A_108 : f32 to vector<1000x128xf32>
    %max3A_110 = arith.maximumf %add3A_107, %max3A_109 : vector<1000x128xf32>
    %swap3A = arith.constant 0 : index
    %swap3A_111 = arith.constant 0 : index
    %swap3A_112 = vector.load %arg11[%swap3A, %swap3A_111] : memref<1000x128xf32, #tpu.memory_space<vmem>>, vector<1000x128xf32>
    tpu.vector_store %arg11[%swap3A, %swap3A_111], %max3A_110 {strides = array<i32>} : memref<1000x128xf32, #tpu.memory_space<vmem>>, vector<1000x128xf32>,
    %eq3A = arith.constant 0 : i32
    %eq3A_113 = arith.cmpi eq, %arg0, %eq3A : i32
    %convert_element_type3A = arith.extui %eq3A_113 : i1 to i32
    %cond3A = arith.constant 0 : i32
    %cond3A_114 = arith.cmpi ne, %convert_element_type3A, %cond3A : i32
    scf.if %cond3A_114 {
      %broadcast_in_dim3A_123 = arith.constant 0.000000e+00 : f32
      %broadcast_in_dim3A_124 = vector.broadcast %broadcast_in_dim3A_123 : f32 to vector<1x128xf32>
      %swap3A_125 = arith.constant 0 : index
      %swap3A_126 = arith.constant 0 : index
      %swap3A_127 = vector.load %arg12[%swap3A_125, %swap3A_126] : memref<1x128xf32, #tpu.memory_space<vmem>>, vector<1x128xf32>
      tpu.vector_store %arg12[%swap3A_125, %swap3A_126], %broadcast_in_dim3A_124 {strides = array<i32>} : memref<1x128xf32, #tpu.memory_space<vmem>>, vector<1x128xf32>,
    } else {
    }
    %get3A_115 = arith.constant 0 : index
    %get3A_116 = arith.constant 0 : index
    %get3A_117 = vector.load %arg12[%get3A_115, %get3A_116] : memref<1x128xf32, #tpu.memory_space<vmem>>, vector<1x128xf32>
    %reduce_sum3A = arith.constant dense<0.000000e+00> : vector<128xf32>
    %reduce_sum3A_118 = vector.multi_reduction <add>, %max3A_110, %reduce_sum3A [0] : vector<1000x128xf32> to vector<128xf32>
    %broadcast_in_dim3A = vector.shape_cast %reduce_sum3A_118 : vector<128xf32> to vector<1x128xf32>
    %add3A_119 = arith.addf %get3A_117, %broadcast_in_dim3A : vector<1x128xf32>
    %swap3A_120 = arith.constant 0 : index
    %swap3A_121 = arith.constant 0 : index
    %swap3A_122 = vector.load %arg12[%swap3A_120, %swap3A_121] : memref<1x128xf32, #tpu.memory_space<vmem>>, vector<1x128xf32>
    tpu.vector_store %arg12[%swap3A_120, %swap3A_121], %add3A_119 {strides = array<i32>} : memref<1x128xf32, #tpu.memory_space<vmem>>, vector<1x128xf32>,
    return
  }
  func.func @transform_0(%arg0: i32) -> (i32, i32) {
    %c0_i32 = arith.constant 0 : i32
    %c0_i32_0 = arith.constant 0 : i32
    return %arg0, %c0_i32 : i32, i32
  }
  func.func @transform_1(%arg0: i32) -> (i32, i32, i32) {
    %c0_i32 = arith.constant 0 : i32
    %c0_i32_0 = arith.constant 0 : i32
    %c0_i32_1 = arith.constant 0 : i32
    return %c0_i32, %arg0, %c0_i32_0 : i32, i32, i32
  }
  func.func @transform_2(%arg0: i32) -> (i32, i32, i32) {
    %c0_i32 = arith.constant 0 : i32
    %c0_i32_0 = arith.constant 0 : i32
    %c0_i32_1 = arith.constant 0 : i32
    return %c0_i32, %arg0, %c0_i32_0 : i32, i32, i32
  }
  func.func @transform_3(%arg0: i32) -> (i32, i32, i32, i32) {
    %c0_i32 = arith.constant 0 : i32
    %c0_i32_0 = arith.constant 0 : i32
    %c0_i32_1 = arith.constant 0 : i32
    %c0_i32_2 = arith.constant 0 : i32
    return %c0_i32, %c0_i32_0, %arg0, %c0_i32_1 : i32, i32, i32, i32
  }
  func.func @transform_4(%arg0: i32) -> (i32, i32) {
    %c0_i32 = arith.constant 0 : i32
    %c0_i32_0 = arith.constant 0 : i32
    %c0_i32_1 = arith.constant 0 : i32
    return %c0_i32, %c0_i32_0 : i32, i32
  }
  func.func @transform_5(%arg0: i32) -> (i32, i32) {
    %c0_i32 = arith.constant 0 : i32
    %c0_i32_0 = arith.constant 0 : i32
    %c0_i32_1 = arith.constant 0 : i32
    return %c0_i32, %c0_i32_0 : i32, i32
  }
  func.func @transform_6(%arg0: i32) -> (i32, i32) {
    %c0_i32 = arith.constant 0 : i32
    %c0_i32_0 = arith.constant 0 : i32
    %c0_i32_1 = arith.constant 0 : i32
    return %c0_i32, %c0_i32_0 : i32, i32
  }
  func.func @transform_7(%arg0: i32) -> (i32, i32) {
    %c0_i32 = arith.constant 0 : i32
    %c0_i32_0 = arith.constant 0 : i32
    %c0_i32_1 = arith.constant 0 : i32
    return %c0_i32, %c0_i32_0 : i32, i32
  }
  func.func @transform_8(%arg0: i32) -> (i32, i32) {
    %c0_i32 = arith.constant 0 : i32
    %c0_i32_0 = arith.constant 0 : i32
    %c0_i32_1 = arith.constant 0 : i32
    return %c0_i32, %c0_i32_0 : i32, i32
  }
  func.func @transform_9(%arg0: i32) -> (i32, i32) {
    %c0_i32 = arith.constant 0 : i32
    %c0_i32_0 = arith.constant 0 : i32
    %c0_i32_1 = arith.constant 0 : i32
    return %c0_i32, %c0_i32_0 : i32, i32
  }
  func.func @transform_10(%arg0: i32) -> (i32, i32) {
    %c0_i32 = arith.constant 0 : i32
    %c0_i32_0 = arith.constant 0 : i32
    return %arg0, %c0_i32 : i32, i32
  }
  func.func @transform_11(%arg0: i32) -> (i32, i32) {
    %c0_i32 = arith.constant 0 : i32
    %c0_i32_0 = arith.constant 0 : i32
    %c0_i32_1 = arith.constant 0 : i32
    return %c0_i32, %c0_i32_0 : i32, i32
  }
}

module attributes {stable_mosaic.version = 14 : i64} {
  func.func @body(%arg0: i32, %arg1: memref<1000x128xf32, #tpu.memory_space<vmem>>, %arg2: memref<1x128xf32, #tpu.memory_space<vmem>>, %arg3: memref<128x128xf32, #tpu.memory_space<vmem>>, %arg4: memref<128x1xf32, #tpu.memory_space<vmem>>, %arg5: memref<128x1xf32, #tpu.memory_space<vmem>>, %arg6: memref<1000x1xf32, #tpu.memory_space<vmem>>) attributes {dimension_semantics = [#tpu.dimension_semantics<arbitrary>], iteration_bounds = array<i64: 10>, scalar_prefetch = 0 : i64, scratch_operands = 0 : i64, tpu.core_type = #tpu.core_type<tc>, window_params = [{transform_indices = @transform_0, window_bounds = array<i64: 1000, 128>}, {pipeline_mode = #tpu.pipeline_mode<synchronous>, transform_indices = @transform_1, window_bounds = array<i64: 1, 128>}, {pipeline_mode = #tpu.pipeline_mode<synchronous>, transform_indices = @transform_2, window_bounds = array<i64: 128, 128>}, {pipeline_mode = #tpu.pipeline_mode<synchronous>, transform_indices = @transform_3, window_bounds = array<i64: 128, 1>}, {pipeline_mode = #tpu.pipeline_mode<synchronous>, transform_indices = @transform_4, window_bounds = array<i64: 128, 1>}, {transform_indices = @transform_5, window_bounds = array<i64: 1000, 1>}]} {
    %get3A = arith.constant 0 : index
    %get3A_0 = arith.constant 0 : index
    %get3A_1 = vector.load %arg2[%get3A, %get3A_0] : memref<1x128xf32, #tpu.memory_space<vmem>>, vector<1x128xf32>
    %max3A = arith.constant 0.000000e+00 : f32
    %max3A_2 = vector.broadcast %max3A : f32 to vector<1x128xf32>
    %max3A_3 = arith.maximumf %get3A_1, %max3A_2 : vector<1x128xf32>
    %get3A_4 = arith.constant 0 : index
    %get3A_5 = arith.constant 0 : index
    %get3A_6 = vector.load %arg4[%get3A_4, %get3A_5] : memref<128x1xf32, #tpu.memory_space<vmem>>, vector<128x1xf32>
    %dot_general3A = arith.constant dense<0.000000e+00> : vector<1x1xf32>
    %dot_general3A_7 = tpu.matmul %max3A_3, %get3A_6, %dot_general3A {dimension_numbers = #tpu.dot_dimension_numbers<[1], [0], [0], [1], [0, 0, 1, 1], [], []>, precision = #tpu.contract_precision<fp32>, transpose_lhs_hint = false} : vector<1x128xf32>, vector<128x1xf32>, vector<1x1xf32> -> vector<1x1xf32>
    %get3A_8 = arith.constant 0 : index
    %get3A_9 = arith.constant 0 : index
    %get3A_10 = vector.load %arg1[%get3A_8, %get3A_9] : memref<1000x128xf32, #tpu.memory_space<vmem>>, vector<1000x128xf32>
    %get3A_11 = arith.constant 0 : index
    %get3A_12 = arith.constant 0 : index
    %get3A_13 = vector.load %arg3[%get3A_11, %get3A_12] : memref<128x128xf32, #tpu.memory_space<vmem>>, vector<128x128xf32>
    %dot_general3A_14 = arith.constant dense<0.000000e+00> : vector<1000x128xf32>
    %dot_general3A_15 = tpu.matmul %get3A_10, %get3A_13, %dot_general3A_14 {dimension_numbers = #tpu.dot_dimension_numbers<[1], [0], [0], [1], [0, 0, 1, 1], [], []>, precision = #tpu.contract_precision<fp32>, transpose_lhs_hint = false} : vector<1000x128xf32>, vector<128x128xf32>, vector<1000x128xf32> -> vector<1000x128xf32>
    %max3A_16 = arith.constant 0.000000e+00 : f32
    %max3A_17 = vector.broadcast %max3A_16 : f32 to vector<1000x128xf32>
    %max3A_18 = arith.maximumf %dot_general3A_15, %max3A_17 : vector<1000x128xf32>
    %get3A_19 = arith.constant 0 : index
    %get3A_20 = arith.constant 0 : index
    %get3A_21 = vector.load %arg5[%get3A_19, %get3A_20] : memref<128x1xf32, #tpu.memory_space<vmem>>, vector<128x1xf32>
    %dot_general3A_22 = arith.constant dense<0.000000e+00> : vector<1000x1xf32>
    %dot_general3A_23 = tpu.matmul %max3A_18, %get3A_21, %dot_general3A_22 {dimension_numbers = #tpu.dot_dimension_numbers<[1], [0], [0], [1], [0, 0, 1, 1], [], []>, precision = #tpu.contract_precision<fp32>, transpose_lhs_hint = false} : vector<1000x128xf32>, vector<128x1xf32>, vector<1000x1xf32> -> vector<1000x1xf32>
    %add3A = vector.broadcast %dot_general3A_7 : vector<1x1xf32> to vector<1000x1xf32>
    %add3A_24 = arith.addf %add3A, %dot_general3A_23 : vector<1000x1xf32>
    %max3A_25 = arith.constant 0.000000e+00 : f32
    %max3A_26 = vector.broadcast %max3A_25 : f32 to vector<1000x1xf32>
    %max3A_27 = arith.maximumf %add3A_24, %max3A_26 : vector<1000x1xf32>
    %swap3A = arith.constant 0 : index
    %swap3A_28 = arith.constant 0 : index
    %swap3A_29 = vector.load %arg6[%swap3A, %swap3A_28] : memref<1000x1xf32, #tpu.memory_space<vmem>>, vector<1000x1xf32>
    tpu.vector_store %arg6[%swap3A, %swap3A_28], %max3A_27 {strides = array<i32>} : memref<1000x1xf32, #tpu.memory_space<vmem>>, vector<1000x1xf32>,
    return
  }
  func.func @transform_0(%arg0: i32) -> (i32, i32) {
    %c0_i32 = arith.constant 0 : i32
    %c0_i32_0 = arith.constant 0 : i32
    return %arg0, %c0_i32 : i32, i32
  }
  func.func @transform_1(%arg0: i32) -> (i32, i32) {
    %c0_i32 = arith.constant 0 : i32
    %c0_i32_0 = arith.constant 0 : i32
    %c0_i32_1 = arith.constant 0 : i32
    return %c0_i32, %c0_i32_0 : i32, i32
  }
  func.func @transform_2(%arg0: i32) -> (i32, i32) {
    %c0_i32 = arith.constant 0 : i32
    %c0_i32_0 = arith.constant 0 : i32
    %c0_i32_1 = arith.constant 0 : i32
    return %c0_i32, %c0_i32_0 : i32, i32
  }
  func.func @transform_3(%arg0: i32) -> (i32, i32) {
    %c0_i32 = arith.constant 0 : i32
    %c0_i32_0 = arith.constant 0 : i32
    %c0_i32_1 = arith.constant 0 : i32
    return %c0_i32, %c0_i32_0 : i32, i32
  }
  func.func @transform_4(%arg0: i32) -> (i32, i32) {
    %c0_i32 = arith.constant 0 : i32
    %c0_i32_0 = arith.constant 0 : i32
    %c0_i32_1 = arith.constant 0 : i32
    return %c0_i32, %c0_i32_0 : i32, i32
  }
  func.func @transform_5(%arg0: i32) -> (i32, i32) {
    %c0_i32 = arith.constant 0 : i32
    %c0_i32_0 = arith.constant 0 : i32
    return %arg0, %c0_i32 : i32, i32
  }
}

</mosaic_0001>

<sc_bundles>
// kernel: kernel.10.cloned.1.call-start
scs
__scs_entry_jumppad:
0x0: {  	(pc) =	sbr.rel $0x88, $3  }
0x1: {  	(tag) =	ssettag $0x0;
	lr =	simm.s32 $0x1  }
0x2: {  	[smem:$0x3F95] =	sst lr;
	_ =	strace $0xD0000000  }
0x3: {  	_ = 	snop  }
0x4: {  	_ = 	snop  }
0x5: {  	_ = 	snop  }
0x6: {  	_ = 	snop  }
0x7: {  	_ = 	snop  }
__scs_overlays_trampoline_lowered:
0x8: {  	[smem:$0x3FA4] =	sst s0  }
0x9: {  	[smem:$0x3FA5] =	sst s1  }
0xa: {  	[smem:$0x3FA6] =	sst s2  }
0xb: {  	[smem:$0x3FA7] =	sst s3  }
0xc: {  	[smem:$0x3FA8] =	sst s4  }
0xd: {  	[smem:$0x3FA9] =	sst s5  }
0xe: {  	[smem:$0x3FAA] =	sst s6  }
0xf: {  	[smem:$0x3FAB] =	sst s7  }
0x10: {  	[smem:$0x3FAC] =	sst s8  }
0x11: {  	[smem:$0x3FAD] =	sst s9;
	s0 =	simm.s32 @!p0 $0x0  }
0x12: {  	s1 =	sld [smem:$0x3F93];
	s0 =	simm.s32 @p0 $0x1  }
0x13: {  	[smem:$0x3FAE] =	sst s0;
	s0 =	simm.s32 @!p1 $0x0  }
0x14: {  	s2 =	sld [smem:$0x3F92];
	s0 =	simm.s32 @p1 $0x1  }
0x15: {  	[smem:$0x3FAF] =	sst s0;
	s0 =	simm.s32 @!p2 $0x0  }
0x16: {  	s3 =	sld [smem:$0x3FDB];
	s0 =	simm.s32 @p2 $0x1  }
0x17: {  	s4 =	simm.s32 $0x1BF5;
	[smem:$0x3FB1] =	sst s0  }
0x18: {  	s0 =	sld [smem:$0x3F94];
	_ =	swait.ge [sflag:s4], $0x0  }
0x19: {  	s7 =	sld [smem:$0x3F95]  }
0x1a: {  	s8 =	sadd.s32 $0xFFFFE003, lr  }
0x1b: {  	s9 =	sadd.s32 $0xFFFFFEF7, lr;
	s5 =	simm.s32 $0xFFFFFFFF;
	p2 =	slt.u32 s8, $0xFFFFF086  }
0x1c: {  	p1 =	slt.u32 s9, $0xF7A;
	s5 =	simm.s32 @!p2 $0x0  }
0x1d: {  	s5 =	simm.s32 @p1 $0x1;
	p0 =	seq.s32 s7, s2  }
0x1e: {  	s7 =	smul.u32 @!p0 $0xF7A, s2;
	p2 =	seq.s32 @!p0 s5, $0x0  }
0x1f: {  	s9 =	smul.u32 $0xF7A, s1;
	s8 =	simm.s32 @!p0 $0x1BF5;
	p2 =	por !p2, p0  }
0x20: {  	[sflag:s8] =	ssyncset.s32 @!p0 $0xFFFFF086;
	s6 =	sadd.s32 @!p0 s3, s7;
	s7 =	simm.s32 @!p0 $0x108  }
0x21: {  	s3 =	sadd.s32 s3, s9;
	s6 =	sadd.s32 @!p0 $0x88, s6;
	s7 =	simm.s32 @p2 $0x1082  }
0x22: {  	[simem:s7], [sflag:s8] =	dma.local @!p0 [hbm:s6], $0xF7A  }
0x23: {  	s9 =	sor.u32 $0xD0000000, s2;
	s6 =	simm.s32 $0x108;
	_ =	swait.ge @!p0 [sflag:s8], $0x0  }
0x24: {  	s3 =	sadd.s32 $0x88, s3;
	s6 =	simm.s32 @!p1 $0x1082;
	[sflag:s4] =	ssyncset.s32 $0xFFFFF086  }
0x25: {  	[simem:s6], [sflag:s4] =	dma.local [hbm:s3], $0xF7A  }
0x26: {  	[smem:$0x3F95] =	sst s1;
	(tag) =	ssettag s2;
	_ =	strace s9  }
0x27: {  	s1 =	sld [smem:$0x3FA5]  }
0x28: {  	s2 =	sld [smem:$0x3FA6]  }
0x29: {  	s4 =	sld [smem:$0x3FA8]  }
0x2a: {  	p0 =	seq.s32 s5, $0x0;
	s5 =	sld [smem:$0x3FA9]  }
0x2b: {  	s6 =	sld [smem:$0x3FAA]  }
0x2c: {  	s7 =	sld [smem:$0x3FAB]  }
0x2d: {  	s3 =	simm.s32 $0x108;
	s8 =	sld [smem:$0x3FAC]  }
0x2e: {  	s3 =	simm.s32 @!p0 $0x1082;
	s9 =	sld [smem:$0x3FAD]  }
0x2f: {  	lr =	sadd.s32 s0, s3;
	s0 =	sld [smem:$0x3FA4]  }
0x30: {  	s3 =	sld [smem:$0x3FA7]  }
0x31: {  	[smem:$0x3FB0] =	sst s10  }
0x32: {  	s10 =	sld [smem:$0x3FAE];
	_ =	sdelay $0x3  }
0x33: {  	p0 =	seq.s32 s10, $0x1;
	s10 =	sld [smem:$0x3FB0];
	_ =	sdelay $0x3  }
0x34: {  	[smem:$0x3FB0] =	sst s10  }
0x35: {  	s10 =	sld [smem:$0x3FAF];
	_ =	sdelay $0x3  }
0x36: {  	p1 =	seq.s32 s10, $0x1;
	s10 =	sld [smem:$0x3FB0];
	_ =	sdelay $0x3  }
0x37: {  	[smem:$0x3FB0] =	sst s10  }
0x38: {  	s10 =	sld [smem:$0x3FB1]  }
0x39: {  	_ = 	snop;
	(pc) =	sbr.ind lr, $3  }
0x3a: {  	_ = 	snop  }
0x3b: {  	_ = 	snop  }
0x3c: {  	p2 =	seq.s32 s10, $0x1;
	s10 =	sld [smem:$0x3FB0]  }
0x3d: {  	_ =	shalt  }
0x3e: {  	_ =	shalt  }
0x3f: {  	_ =	shalt  }
0x40: {  	_ =	shalt  }
0x41: {  	_ =	shalt  }
0x42: {  	_ =	shalt  }
0x43: {  	_ =	shalt  }
0x44: {  	_ =	shalt  }
0x45: {  	_ =	shalt  }
0x46: {  	_ =	shalt  }
0x47: {  	_ =	shalt  }
0x48: {  	_ =	shalt  }
0x49: {  	_ =	shalt  }
0x4a: {  	_ =	shalt  }
0x4b: {  	_ =	shalt  }
0x4c: {  	_ =	shalt  }
0x4d: {  	_ =	shalt  }
0x4e: {  	_ =	shalt  }
0x4f: {  	_ =	shalt  }
0x50: {  	_ =	shalt  }
0x51: {  	_ =	shalt  }
0x52: {  	_ =	shalt  }
0x53: {  	_ =	shalt  }
0x54: {  	_ =	shalt  }
0x55: {  	_ =	shalt  }
0x56: {  	_ =	shalt  }
0x57: {  	_ =	shalt  }
0x58: {  	_ =	shalt  }
0x59: {  	_ =	shalt  }
0x5a: {  	_ =	shalt  }
0x5b: {  	_ =	shalt  }
0x5c: {  	_ =	shalt  }
0x5d: {  	_ =	shalt  }
0x5e: {  	_ =	shalt  }
0x5f: {  	_ =	shalt  }
0x60: {  	_ =	shalt  }
0x61: {  	_ =	shalt  }
0x62: {  	_ =	shalt  }
0x63: {  	_ =	shalt  }
0x64: {  	_ =	shalt  }
0x65: {  	_ =	shalt  }
0x66: {  	_ =	shalt  }
0x67: {  	_ =	shalt  }
0x68: {  	_ =	shalt  }
0x69: {  	_ =	shalt  }
0x6a: {  	_ =	shalt  }
0x6b: {  	_ =	shalt  }
0x6c: {  	_ =	shalt  }
0x6d: {  	_ =	shalt  }
0x6e: {  	_ =	shalt  }
0x6f: {  	_ =	shalt  }
0x70: {  	_ =	shalt  }
0x71: {  	_ =	shalt  }
0x72: {  	_ =	shalt  }
0x73: {  	_ =	shalt  }
0x74: {  	_ =	shalt  }
0x75: {  	_ =	shalt  }
0x76: {  	_ =	shalt  }
0x77: {  	_ =	shalt  }
0x78: {  	_ =	shalt  }
0x79: {  	_ =	shalt  }
0x7a: {  	_ =	shalt  }
0x7b: {  	_ =	shalt  }
0x7c: {  	_ =	shalt  }
0x7d: {  	_ =	shalt  }
0x7e: {  	_ =	shalt  }
0x7f: {  	_ =	shalt  }
0x80: {  	_ =	shalt  }
0x81: {  	_ =	shalt  }
0x82: {  	_ =	shalt  }
0x83: {  	_ =	shalt  }
0x84: {  	_ =	shalt  }
0x85: {  	_ =	shalt  }
0x86: {  	_ =	shalt  }
0x87: {  	_ =	shalt  }
.Lfunc_end0:
.L_simem_size_0:
called_computation_lowered:
.L_overlay_start_0:
0x88: {  	s2 =	sld [smem:$0x3FD9]  }
0x89: {  	s3 =	sld [smem:$0x3FFE];
	_ =	sdelay $0x1  }
0x8a: {  	s1 =	srdreg.scid  }
0x8b: {  	s0 =	sand.u32 $0x1, s1  }
0x8c: {  	s16 =	sshll.u32 s0, $0xA;
	s2 =	sadd.s32 s3, s2  }
0x8d: {  	s2 =	sadd.s32 s2, s16  }
0x8e: {  	[smem:$0x3FBC] =	sst s2  }
0x8f: {  	_ = 	snop  }
0x90: {  	(tm) =	ssettm $0x1  }
0x91: {  	s17 =	sld [smem:$0x3FFB];
	_ =	sdelay $0x3  }
0x92: {  	_ =	strace s17  }
0x93: {  	s2 =	sld [smem:$0x3FFC];
	_ =	sdelay $0x3  }
0x94: {  	_ =	strace s2  }
0x95: {  	s2 =	sld [smem:$0x3FFD];
	_ =	sdelay $0x3  }
0x96: {  	_ =	strace s2  }
0x97: {  	_ =	strace $0x8FFFFFFF  }
0x98: {  	s18 =	sld [smem:$0x3FDB];
	_ =	sdelay $0x1  }
0x99: {  	s19 =	simm.s32 $_scs_section_size  }
0x9a: {  	s4 =	simm.s32 $_size__tile_overlayer_lowered;
	s5 =	simm.s32 $_tile_overlayer_lowered  }
0x9b: {  	s22 =	simm.s32 $0x1BFF;
	s21 =	sshll.u32 s5, $0x1;
	s2 =	sadd.s32 s19, s18  }
0x9c: {  	s6 =	simm.s32 $0x0;
	s20 =	sshll.u32 s4, $0x1;
	s4 =	sadd.s32 s21, s2  }
0x9d: {  	[timem:s6], [sflag:s22] =	dma.local [hbm:s4], s20  }
0x9e: {  	_ =	swait.ge [sflag:s22], s20  }
0x9f: {  	s3 =	ssub.s32 $0x0, s20;
	[sflag:s22] =	ssyncset.done $0x0  }
0xa0: {  	[sflag:s22] =	ssyncadd.s32 s3;
	_ =	sdelay $0x1  }
0xa1: {  	s23 =	simm.s32 $0x1B8B  }
0xa2: {  	_ =	swait.ge [sflag:s23], $0x1  }
0xa3: {  	[sflag:s23] =	ssyncset.done $0x0  }
0xa4: {  	s25 =	simm.s32 $0x1B8E;
	s24 =	sld [smem:$0x3FFE];
	[sflag:s23] =	ssyncadd.s32 $0xFFFFFFFF  }
0xa5: {  	s26 =	simm.s32 $execute0_lowered;
	[smem:$0x3FD2] =	sst s25  }
0xa6: {  	s4 =	sshll.u32 s26, $0x1;
	_ =	strace $0x80000046;
	[dreg:$0x1] =	wrdreg $0xFFFFFFFF  }
0xa7: {  	s28 =	simm.s32 $_size_execute0_lowered;
	s2 =	sadd.s32 s2, s4;
	[dreg:$0x0] =	wrdreg $0x0  }
0xa8: {  	s4 =	sshll.u32 s28, $0x1;
	[dreg:$0x2] =	wrdreg s2  }
0xa9: {  	[dreg:$0x3] =	wrdreg s4  }
0xaa: {  	[dreg:$0x4] =	wrdreg $0xC0  }
0xab: {  	_ =	task [dreg:s6], $0x5FFFF  }
0xac: {  	[dreg:$0x1] =	wrdreg $0xFFFFFFFF  }
0xad: {  	[dreg:$0x0] =	wrdreg $0x60  }
0xae: {  	[dreg:$0x2] =	wrdreg s24  }
0xaf: {  	[dreg:$0x3] =	wrdreg $0x0  }
0xb0: {  	[dreg:$0x4] =	wrdreg $0x2800  }
0xb1: {  	[dreg:$0x5] =	wrdreg $0x9  }
0xb2: {  	_ =	task.clear_ibuf [dreg:s6], $0x6FFFF;
	_ =	strace $0x90000046  }
0xb3: {  	s29 =	simm.s32 $0x9;
	_ =	strace $0x80000048  }
0xb4: {  	_ =	swait.ge [sflag:s29], $0x1  }
0xb5: {  	[sflag:s29] =	ssyncadd.s32 $0xFFFFFFFF  }
0xb6: {  	_ =	strace $0x90000048  }
0xb7: {  	_ =	sfence  }
0xb8: {  	s30 =	sld [smem:$0x0];
	_ =	sdelay $0x2  }
0xb9: {  	s31 =	sshll.u32 s1, $0xD;
	s1 =	sshrl.u32 s1, $0x2  }
0xba: {  	s3 =	sand.u32 $0x4000, s31;
	s1 =	sadd.s32 s1, s30  }
0xbb: {  	s0 =	sor.u32 s3, s0;
	s1 =	sshll.u32 s1, $0x11  }
0xbc: {  	s0 =	sor.u32 s1, s0  }
0xbd: {  	s0 =	sadd.s32 $0x8F2B, s0  }
0xbe: {  	[sflag:s0] =	ssyncadd.remote.s32 $0x1  }
0xbf: {  	_ =	sfence.sel $0xFFFF  }
0xc0: {  	[dreg:$0x0] =	wrdreg $0xFFFFFFFF;
	(pc) =	sbr.abs _section_cstart, $3  }
0xc1: {  	[dreg:$0x1] =	wrdreg $0xFFFFFFFF  }
0xc2: {  	_ =	task.clear_ibuf [dreg:s6], $0x2FFFF;
	_ =	strace $0x9FFFFFFF  }
0xc3: {  	(tm) =	ssettm $0x7FFFFFFF  }
tec
execute0_lowered:
.L_overlay_start_1:
0x0: {  	(tag) =	ssettag $0x1  }
0x1: {  	s5 =	rddreg [dreg:$0x0]  }
0x2: {  	s2 =	rddreg [dreg:$0x1]  }
0x3: {  	s3 =	rddreg [dreg:$0x2]  }
0x4: {  	s0 =	rddreg [dreg:$0x3]  }
0x5: {  	s6 =	srdreg.scid;
	s1 =	stileid.u32  }
0x6: {  	s4 =	simm.s32 $0x0;
	s19 =	simm.s32 $0x800;
	s20 =	simm.s32 $0x880  }
0x7: {  	s21 =	simm.s32 $0x80;
	s12 =	sand.u32 $0x1, s6;
	s29 =	smul.u32 $0x280, s1  }
0x8: {  	[smem:$0x7FF] =	sst s4;
	s13 =	sadd.s32 $0x15800, s5;
	s15 =	sadd.s32 $0xBA00, s5  }
0x9: {  	s14 =	sadd.s32 $0x1C00, s5;
	s17 =	sshll.u32 s1, $0x4;
	s7 =	smul.u32 $0x2800, s12  }
0xa: {  	_ =	strace $0x80000047;
	s8 =	ssub.s32 $0x2, s12;
	s31 =	sshll.u32 s12, $0x4  }
0xb: {  	s9 =	sor.u32 $0x9C00, s17;
	s18 =	sshll.u32 s12, $0x8;
	s30 =	sshrl.u32 s8, $0x1  }
0xc: {  	s22 =	sor.u32 s1, s31;
	s6 =	sadd.s32 s29, s3;
	s7 =	sadd.s32 s29, s7  }
0xd: {  	s16 =	ssub.s32 s8, s30;
	s8 =	sadd.s32 s14, s9;
	s14 =	sadd.s32 s18, s14  }
0xe: {  	p0 =	sgt.u32 s22, $0x3;
	s22 =	simm.s32 $0x0;
	s7 =	sshrl.u32 s7, $0x3  }
0xf: {  	s12 =	smax.u32 s16, $0x1;
	s14 =	sadd.s32 s17, s14;
	s16 =	simm.s32 $0x500  }
0x10: {  	s11 =	sadd.s32 s7, s5;
	s5 =	sadd.s32 s29, s2;
	s7 =	sadd.s32 s13, s9  }
0x11: {  	s9 =	sadd.s32 s15, s9;
	s13 =	sadd.s32 s18, s13;
	s15 =	sadd.s32 s18, s15  }
0x12: {  	s18 =	simm.s32 $0x780;
	s10 =	sadd.s32 $0x1F600, s11;
	s11 =	sadd.s32 $0x20000, s11  }
0x13: {  	v0 =	vimm.f32 $0.0e+00;
	s13 =	sadd.s32 s17, s13;
	s15 =	sadd.s32 s17, s15;
	s17 =	simm.s32 $0x1  }
.LBB2_1:
0x14: {  	[tilespmem:$0x500] =	vst v0  }
0x15: {  	[tilespmem:$0x510] =	vst v0  }
0x16: {  	[tilespmem:$0x520] =	vst v0  }
0x17: {  	[tilespmem:$0x530] =	vst v0  }
0x18: {  	[tilespmem:$0x540] =	vst v0  }
0x19: {  	[tilespmem:$0x550] =	vst v0  }
0x1a: {  	[tilespmem:$0x560] =	vst v0  }
0x1b: {  	[tilespmem:$0x570] =	vst v0  }
0x1c: {  	[tilespmem:$0x580] =	vst v0  }
0x1d: {  	[tilespmem:$0x590] =	vst v0  }
0x1e: {  	[tilespmem:$0x5A0] =	vst v0  }
0x1f: {  	[tilespmem:$0x5B0] =	vst v0  }
0x20: {  	[tilespmem:$0x5C0] =	vst v0  }
0x21: {  	[tilespmem:$0x5D0] =	vst v0  }
0x22: {  	[tilespmem:$0x5E0] =	vst v0  }
0x23: {  	[tilespmem:$0x5F0] =	vst v0  }
0x24: {  	[tilespmem:$0x600] =	vst v0  }
0x25: {  	[tilespmem:$0x610] =	vst v0  }
0x26: {  	[tilespmem:$0x620] =	vst v0  }
0x27: {  	[tilespmem:$0x630] =	vst v0  }
0x28: {  	[tilespmem:$0x640] =	vst v0  }
0x29: {  	[tilespmem:$0x650] =	vst v0  }
0x2a: {  	[tilespmem:$0x660] =	vst v0  }
0x2b: {  	[tilespmem:$0x670] =	vst v0  }
0x2c: {  	[tilespmem:$0x680] =	vst v0  }
0x2d: {  	[tilespmem:$0x690] =	vst v0  }
0x2e: {  	[tilespmem:$0x6A0] =	vst v0  }
0x2f: {  	[tilespmem:$0x6B0] =	vst v0  }
0x30: {  	[tilespmem:$0x6C0] =	vst v0  }
0x31: {  	[tilespmem:$0x6D0] =	vst v0  }
0x32: {  	[tilespmem:$0x6E0] =	vst v0  }
0x33: {  	[tilespmem:$0x6F0] =	vst v0  }
0x34: {  	[tilespmem:$0x700] =	vst v0  }
0x35: {  	[tilespmem:$0x710] =	vst v0  }
0x36: {  	[tilespmem:$0x720] =	vst v0  }
0x37: {  	[tilespmem:$0x730] =	vst v0  }
0x38: {  	[tilespmem:$0x740] =	vst v0  }
0x39: {  	[tilespmem:$0x750] =	vst v0  }
0x3a: {  	[tilespmem:$0x760] =	vst v0  }
0x3b: {  	[tilespmem:$0x770] =	vst v0  }
0x3c: {  	[spmem:s5] =	stream.linear.scatter [tilespmem:s16], [sflag:$0x1], $0x280, $0x38;
	[tilespmem:$0x900] =	vst v63  }
0x3d: {  	_ =	swait.ge [sflag:s17], $0x280  }
0x3e: {  	[sflag:s17] =	ssyncset.done $0x0  }
0x3f: {  	[sflag:s17] =	ssyncadd.s32 $0xFFFFFD80  }
0x40: {  	[spmem:s6] =	stream.linear.scatter [tilespmem:s16], [sflag:$0x1], $0x280, $0x38;
	[tilespmem:$0x900] =	vst v63  }
0x41: {  	_ =	swait.ge [sflag:s17], $0x280  }
0x42: {  	[sflag:s17] =	ssyncset.done $0x0  }
0x43: {  	[sflag:s17] =	ssyncadd.s32 $0xFFFFFD80  }
0x44: {  	s23 =	sadd.s32 $0x0, s13;
	[bflag:$0x0] =	sbarrier.arrive $0xFFFF  }
0x45: {  	[tilespmem:s18], [sflag:$0x1] =	stream.linear.gather [hbm4b:s23+s4], $0x80, $0x38;
	[tilespmem:$0x900] =	vst v63  }
0x46: {  	_ =	swait.ge [sflag:s17], $0x80  }
0x47: {  	[sflag:s17] =	ssyncset.done $0x0  }
0x48: {  	s30 =	sadd.s32 $0x0, s14;
	[sflag:s17] =	ssyncadd.s32 $0xFFFFFF80  }
0x49: {  	[tilespmem:s19], [sflag:$0x1] =	stream.linear.gather [hbm4b:s30+s4], $0x80, $0x38;
	[tilespmem:$0x900] =	vst v63  }
0x4a: {  	_ =	swait.ge [sflag:s17], $0x80  }
0x4b: {  	[sflag:s17] =	ssyncset.done $0x0  }
0x4c: {  	s31 =	sadd.s32 $0x0, s15;
	[sflag:s17] =	ssyncadd.s32 $0xFFFFFF80  }
0x4d: {  	[tilespmem:s20], [sflag:$0x1] =	stream.linear.gather [hbm4b:s31+s4], $0x80, $0x38;
	[tilespmem:$0x900] =	vst v63  }
0x4e: {  	_ =	swait.ge [sflag:s17], $0x80  }
0x4f: {  	[sflag:s17] =	ssyncset.done $0x0  }
0x50: {  	[sflag:s17] =	ssyncadd.s32 $0xFFFFFF80  }
0x51: {  	[spmem:s2] =	stream.indirect.scatter.add.f32 [tilespmem:s18], [sflag:$0x1], $0x1, s19, s21, $0xb8;
	[tilespmem:$0x900] =	vst v63  }
0x52: {  	_ =	swait.ge [sflag:s17], $0x80  }
0x53: {  	[sflag:s17] =	ssyncset.done $0x0  }
0x54: {  	[sflag:s17] =	ssyncadd.s32 $0xFFFFFF80  }
0x55: {  	[spmem:s3] =	stream.indirect.scatter.add.f32 [tilespmem:s18], [sflag:$0x1], $0x1, s20, s21, $0xb8;
	[tilespmem:$0x900] =	vst v63  }
0x56: {  	_ =	swait.ge [sflag:s17], $0x80  }
0x57: {  	s24 =	simm.s32 $0x400;
	s23 =	simm.s32 $0x200;
	[sflag:s17] =	ssyncset.done $0x0  }
.LBB2_2:
0x58: {  	s25 =	sadd.s32 s23, s13  }
0x59: {  	[sflag:s17] =	ssyncadd.s32 $0xFFFFFF80;
	s26 =	smov.u32 s24;
	s28 =	sadd.s32 $0x200, s24  }
0x5a: {  	[tilespmem:s18], [sflag:$0x1] =	stream.linear.gather [hbm4b:s25+s4], $0x80, $0x38;
	[tilespmem:$0x900] =	vst v63  }
0x5b: {  	p1 =	sne.s32 s24, $0x9A00;
	_ =	swait.ge [sflag:s17], $0x80  }
0x5c: {  	[sflag:s17] =	ssyncset.done $0x0  }
0x5d: {  	s24 =	sadd.s32 s23, s14;
	[sflag:s17] =	ssyncadd.s32 $0xFFFFFF80  }
0x5e: {  	[tilespmem:s19], [sflag:$0x1] =	stream.linear.gather [hbm4b:s24+s4], $0x80, $0x38;
	[tilespmem:$0x900] =	vst v63  }
0x5f: {  	_ =	swait.ge [sflag:s17], $0x80  }
0x60: {  	[sflag:s17] =	ssyncset.done $0x0  }
0x61: {  	s24 =	sadd.s32 s23, s15;
	s23 =	smov.u32 s26;
	[sflag:s17] =	ssyncadd.s32 $0xFFFFFF80  }
0x62: {  	[tilespmem:s20], [sflag:$0x1] =	stream.linear.gather [hbm4b:s24+s4], $0x80, $0x38;
	[tilespmem:$0x900] =	vst v63  }
0x63: {  	_ =	swait.ge [sflag:s17], $0x80  }
0x64: {  	[sflag:s17] =	ssyncset.done $0x0  }
0x65: {  	[sflag:s17] =	ssyncadd.s32 $0xFFFFFF80  }
0x66: {  	[spmem:s2] =	stream.indirect.scatter.add.f32 [tilespmem:s18], [sflag:$0x1], $0x1, s19, s21, $0xb8;
	[tilespmem:$0x900] =	vst v63  }
0x67: {  	_ =	swait.ge [sflag:s17], $0x80  }
.Ltmp0:
0x68: {  	[sflag:s17] =	ssyncset.done $0x0;
	(pc) =	sbr.rel @p1 .LBB2_2-.Ltmp0, $4  }
0x69: {  	[sflag:s17] =	ssyncadd.s32 $0xFFFFFF80  }
0x6a: {  	[spmem:s3] =	stream.indirect.scatter.add.f32 [tilespmem:s18], [sflag:$0x1], $0x1, s20, s21, $0xb8;
	[tilespmem:$0x900] =	vst v63  }
0x6b: {  	_ =	swait.ge [sflag:s17], $0x80  }
0x6c: {  	s24 =	smov.u32 s28;
	[sflag:s17] =	ssyncset.done $0x0  }
0x6d: {  	s24 =	sadd.s32 s23, s13;
	[sflag:s17] =	ssyncadd.s32 $0xFFFFFF80  }
0x6e: {  	[tilespmem:s18], [sflag:$0x1] =	stream.linear.gather [hbm4b:s24+s4], $0x80, $0x38;
	[tilespmem:$0x900] =	vst v63  }
0x6f: {  	_ =	swait.ge [sflag:s17], $0x80  }
0x70: {  	[sflag:s17] =	ssyncset.done $0x0  }
0x71: {  	s26 =	sadd.s32 s23, s14;
	[sflag:s17] =	ssyncadd.s32 $0xFFFFFF80  }
0x72: {  	[tilespmem:s19], [sflag:$0x1] =	stream.linear.gather [hbm4b:s26+s4], $0x80, $0x38;
	[tilespmem:$0x900] =	vst v63  }
0x73: {  	_ =	swait.ge [sflag:s17], $0x80  }
0x74: {  	[sflag:s17] =	ssyncset.done $0x0  }
0x75: {  	s28 =	sadd.s32 s23, s15;
	[sflag:s17] =	ssyncadd.s32 $0xFFFFFF80  }
0x76: {  	[tilespmem:s20], [sflag:$0x1] =	stream.linear.gather [hbm4b:s28+s4], $0x80, $0x38;
	[tilespmem:$0x900] =	vst v63  }
0x77: {  	_ =	swait.ge [sflag:s17], $0x80  }
0x78: {  	[sflag:s17] =	ssyncset.done $0x0  }
0x79: {  	[sflag:s17] =	ssyncadd.s32 $0xFFFFFF80  }
0x7a: {  	[spmem:s2] =	stream.indirect.scatter.add.f32 [tilespmem:s18], [sflag:$0x1], $0x1, s19, s21, $0xb8;
	[tilespmem:$0x900] =	vst v63  }
0x7b: {  	_ =	swait.ge [sflag:s17], $0x80  }
0x7c: {  	[sflag:s17] =	ssyncset.done $0x0  }
0x7d: {  	[sflag:s17] =	ssyncadd.s32 $0xFFFFFF80  }
0x7e: {  	[spmem:s3] =	stream.indirect.scatter.add.f32 [tilespmem:s18], [sflag:$0x1], $0x1, s20, s21, $0xb8;
	[tilespmem:$0x900] =	vst v63  }
0x7f: {  	_ =	swait.ge [sflag:s17], $0x80  }
0x80: {  	s23 =	simm.s32 @!p0 $0x0;
	[sflag:s17] =	ssyncset.done $0x0  }
0x81: {  	s25 =	simm.s32 @!p0 $0x1;
	s24 =	simm.s32 @!p0 $0x780;
	[sflag:s17] =	ssyncadd.s32 $0xFFFFFF80  }
0x82: {  	[tilespmem:s24], [sflag:$0x1] =	stream.linear.gather @!p0 [hbm4b:s7+s23], $0x80, $0x38;
	[tilespmem:$0x900] =	vst v63  }
0x83: {  	_ =	swait.ge @!p0 [sflag:s25], $0x80  }
0x84: {  	[sflag:s25] =	ssyncset.done @!p0 $0x0  }
0x85: {  	s26 =	simm.s32 @!p0 $0x800;
	[sflag:s25] =	ssyncadd.s32 @!p0 $0xFFFFFF80  }
0x86: {  	[tilespmem:s26], [sflag:$0x1] =	stream.linear.gather @!p0 [hbm4b:s8+s23], $0x80, $0x38;
	[tilespmem:$0x900] =	vst v63  }
0x87: {  	_ =	swait.ge @!p0 [sflag:s25], $0x80  }
0x88: {  	[sflag:s25] =	ssyncset.done @!p0 $0x0  }
0x89: {  	s28 =	simm.s32 @!p0 $0x880;
	[sflag:s25] =	ssyncadd.s32 @!p0 $0xFFFFFF80  }
0x8a: {  	[tilespmem:s28], [sflag:$0x1] =	stream.linear.gather @!p0 [hbm4b:s9+s23], $0x80, $0x38;
	[tilespmem:$0x900] =	vst v63  }
0x8b: {  	_ =	swait.ge @!p0 [sflag:s25], $0x80  }
0x8c: {  	[sflag:s25] =	ssyncset.done @!p0 $0x0  }
0x8d: {  	s23 =	simm.s32 @!p0 $0x80;
	[sflag:s25] =	ssyncadd.s32 @!p0 $0xFFFFFF80  }
0x8e: {  	[spmem:s2] =	stream.indirect.scatter.add.f32 @!p0 [tilespmem:s24], [sflag:$0x1], $0x1, s26, s23, $0xb8;
	[tilespmem:$0x900] =	vst v63  }
0x8f: {  	_ =	swait.ge @!p0 [sflag:s25], $0x80  }
0x90: {  	[sflag:s25] =	ssyncset.done @!p0 $0x0  }
0x91: {  	[sflag:s25] =	ssyncadd.s32 @!p0 $0xFFFFFF80  }
0x92: {  	[spmem:s3] =	stream.indirect.scatter.add.f32 @!p0 [tilespmem:s24], [sflag:$0x1], $0x1, s28, s23, $0xb8;
	[tilespmem:$0x900] =	vst v63  }
0x93: {  	_ =	swait.ge @!p0 [sflag:s25], $0x80  }
0x94: {  	[sflag:s25] =	ssyncset.done @!p0 $0x0  }
0x95: {  	s29 =	sshll.u32 s1, $0x6;
	[sflag:s25] =	ssyncadd.s32 @!p0 $0xFFFFFF80  }
0x96: {  	s30 =	sshrl.u32 s5, $0x3;
	s23 =	sor.u32 $0x1C01, s29;
	[bflag:$0x0] =	sbarrier.arrive $0xFFFF  }
0x97: {  	[hbm:s10], [sflag:s23] =	dma.local [spmem:s30], $0x50  }
0x98: {  	s22 =	sadd.s32 $0x1, s22;
	_ =	swait.ge [sflag:s17], $0x50  }
0x99: {  	p1 =	sne.s32 s22, s12;
	[sflag:s17] =	ssyncset.done $0x0  }
.Ltmp1:
0x9a: {  	s31 =	sshrl.u32 s6, $0x3;
	[sflag:s17] =	ssyncadd.s32 $0xFFFFFFB0;
	(pc) =	sbr.rel @p1 .LBB2_1-.Ltmp1, $4  }
0x9b: {  	[hbm:s11], [sflag:s23] =	dma.local [spmem:s31], $0x50  }
0x9c: {  	_ =	swait.ge [sflag:s17], $0x50  }
0x9d: {  	[sflag:s17] =	ssyncset.done $0x0  }
0x9e: {  	[sflag:s17] =	ssyncadd.s32 $0xFFFFFFB0  }
0x9f: {  	_ =	sfence.sel $0x180000  }
0xa0: {  	[bflag:$0x0] =	sbarrier.arrive $0xFFFF  }
0xa1: {  	p0 =	sne.s32 s1, $0x0;
	_ =	strace $0x90000047  }
0xa2: {  	s0 =	sadd.s32 @!p0 $0x100000, s0;
	[bflag:$0x2] =	sbarrier.arrive $0xFFFF  }
0xa3: {  	[sflag:s0] =	ssyncadd.tile.s32 @!p0 $0x1;
	_ =	shalt  }
.Lfunc_end2:
_tile_overlayer_lowered:
.L_overlay_start_2:
0xa4: {  	(tag) =	ssettag $0x2  }
0xa5: {  	s0 =	rddreg [dreg:$0x0];
	s2 =	stileid.u32  }
0xa6: {  	s1 =	rddreg [dreg:$0x1];
	p0 =	sne.s32 s2, $0x0  }
0xa7: {  	s3 =	rddreg [dreg:$0x2];
	[bflag:$0x3] =	sbarrier.arrive $0xFFFF;
	s2 =	simm.s32 @!p0 $0x1C01  }
0xa8: {  	[timem:s3], [sflag:s2] =	dma.local @!p0 [hbm:s0], s1  }
0xa9: {  	s0 =	simm.s32 @!p0 $0x1  }
0xaa: {  	_ =	swait.ge @!p0 [sflag:s0], s1  }
0xab: {  	s1 =	ssub.s32 @!p0 $0x0, s1;
	[sflag:s0] =	ssyncset.done @!p0 $0x0  }
0xac: {  	[sflag:s0] =	ssyncadd.s32 @!p0 s1  }
0xad: {  	[bflag:$0x3] =	sbarrier.arrive $0xFFFF  }
0xae: {  	_ =	shalt  }

// kernel: kernel.13.cloned.1.call-start
scs
__scs_entry_jumppad:
0x0: {  	(pc) =	sbr.rel $0x88, $3  }
0x1: {  	(tag) =	ssettag $0x0;
	lr =	simm.s32 $0x1  }
0x2: {  	[smem:$0x3F95] =	sst lr;
	_ =	strace $0xD0000000  }
0x3: {  	_ = 	snop  }
0x4: {  	_ = 	snop  }
0x5: {  	_ = 	snop  }
0x6: {  	_ = 	snop  }
0x7: {  	_ = 	snop  }
__scs_overlays_trampoline_lowered:
0x8: {  	[smem:$0x3FA4] =	sst s0  }
0x9: {  	[smem:$0x3FA5] =	sst s1  }
0xa: {  	[smem:$0x3FA6] =	sst s2  }
0xb: {  	[smem:$0x3FA7] =	sst s3  }
0xc: {  	[smem:$0x3FA8] =	sst s4  }
0xd: {  	[smem:$0x3FA9] =	sst s5  }
0xe: {  	[smem:$0x3FAA] =	sst s6  }
0xf: {  	[smem:$0x3FAB] =	sst s7  }
0x10: {  	[smem:$0x3FAC] =	sst s8  }
0x11: {  	[smem:$0x3FAD] =	sst s9;
	s0 =	simm.s32 @!p0 $0x0  }
0x12: {  	s1 =	sld [smem:$0x3F93];
	s0 =	simm.s32 @p0 $0x1  }
0x13: {  	[smem:$0x3FAE] =	sst s0;
	s0 =	simm.s32 @!p1 $0x0  }
0x14: {  	s2 =	sld [smem:$0x3F92];
	s0 =	simm.s32 @p1 $0x1  }
0x15: {  	[smem:$0x3FAF] =	sst s0;
	s0 =	simm.s32 @!p2 $0x0  }
0x16: {  	s3 =	sld [smem:$0x3FDB];
	s0 =	simm.s32 @p2 $0x1  }
0x17: {  	s4 =	simm.s32 $0x1BF5;
	[smem:$0x3FB1] =	sst s0  }
0x18: {  	s0 =	sld [smem:$0x3F94];
	_ =	swait.ge [sflag:s4], $0x0  }
0x19: {  	s7 =	sld [smem:$0x3F95]  }
0x1a: {  	s8 =	sadd.s32 $0xFFFFE003, lr  }
0x1b: {  	s9 =	sadd.s32 $0xFFFFFEF7, lr;
	s5 =	simm.s32 $0xFFFFFFFF;
	p2 =	slt.u32 s8, $0xFFFFF086  }
0x1c: {  	p1 =	slt.u32 s9, $0xF7A;
	s5 =	simm.s32 @!p2 $0x0  }
0x1d: {  	s5 =	simm.s32 @p1 $0x1;
	p0 =	seq.s32 s7, s2  }
0x1e: {  	s7 =	smul.u32 @!p0 $0xF7A, s2;
	p2 =	seq.s32 @!p0 s5, $0x0  }
0x1f: {  	s9 =	smul.u32 $0xF7A, s1;
	s8 =	simm.s32 @!p0 $0x1BF5;
	p2 =	por !p2, p0  }
0x20: {  	[sflag:s8] =	ssyncset.s32 @!p0 $0xFFFFF086;
	s6 =	sadd.s32 @!p0 s3, s7;
	s7 =	simm.s32 @!p0 $0x108  }
0x21: {  	s3 =	sadd.s32 s3, s9;
	s6 =	sadd.s32 @!p0 $0x88, s6;
	s7 =	simm.s32 @p2 $0x1082  }
0x22: {  	[simem:s7], [sflag:s8] =	dma.local @!p0 [hbm:s6], $0xF7A  }
0x23: {  	s9 =	sor.u32 $0xD0000000, s2;
	s6 =	simm.s32 $0x108;
	_ =	swait.ge @!p0 [sflag:s8], $0x0  }
0x24: {  	s3 =	sadd.s32 $0x88, s3;
	s6 =	simm.s32 @!p1 $0x1082;
	[sflag:s4] =	ssyncset.s32 $0xFFFFF086  }
0x25: {  	[simem:s6], [sflag:s4] =	dma.local [hbm:s3], $0xF7A  }
0x26: {  	[smem:$0x3F95] =	sst s1;
	(tag) =	ssettag s2;
	_ =	strace s9  }
0x27: {  	s1 =	sld [smem:$0x3FA5]  }
0x28: {  	s2 =	sld [smem:$0x3FA6]  }
0x29: {  	s4 =	sld [smem:$0x3FA8]  }
0x2a: {  	p0 =	seq.s32 s5, $0x0;
	s5 =	sld [smem:$0x3FA9]  }
0x2b: {  	s6 =	sld [smem:$0x3FAA]  }
0x2c: {  	s7 =	sld [smem:$0x3FAB]  }
0x2d: {  	s3 =	simm.s32 $0x108;
	s8 =	sld [smem:$0x3FAC]  }
0x2e: {  	s3 =	simm.s32 @!p0 $0x1082;
	s9 =	sld [smem:$0x3FAD]  }
0x2f: {  	lr =	sadd.s32 s0, s3;
	s0 =	sld [smem:$0x3FA4]  }
0x30: {  	s3 =	sld [smem:$0x3FA7]  }
0x31: {  	[smem:$0x3FB0] =	sst s10  }
0x32: {  	s10 =	sld [smem:$0x3FAE];
	_ =	sdelay $0x3  }
0x33: {  	p0 =	seq.s32 s10, $0x1;
	s10 =	sld [smem:$0x3FB0];
	_ =	sdelay $0x3  }
0x34: {  	[smem:$0x3FB0] =	sst s10  }
0x35: {  	s10 =	sld [smem:$0x3FAF];
	_ =	sdelay $0x3  }
0x36: {  	p1 =	seq.s32 s10, $0x1;
	s10 =	sld [smem:$0x3FB0];
	_ =	sdelay $0x3  }
0x37: {  	[smem:$0x3FB0] =	sst s10  }
0x38: {  	s10 =	sld [smem:$0x3FB1]  }
0x39: {  	_ = 	snop;
	(pc) =	sbr.ind lr, $3  }
0x3a: {  	_ = 	snop  }
0x3b: {  	_ = 	snop  }
0x3c: {  	p2 =	seq.s32 s10, $0x1;
	s10 =	sld [smem:$0x3FB0]  }
0x3d: {  	_ =	shalt  }
0x3e: {  	_ =	shalt  }
0x3f: {  	_ =	shalt  }
0x40: {  	_ =	shalt  }
0x41: {  	_ =	shalt  }
0x42: {  	_ =	shalt  }
0x43: {  	_ =	shalt  }
0x44: {  	_ =	shalt  }
0x45: {  	_ =	shalt  }
0x46: {  	_ =	shalt  }
0x47: {  	_ =	shalt  }
0x48: {  	_ =	shalt  }
0x49: {  	_ =	shalt  }
0x4a: {  	_ =	shalt  }
0x4b: {  	_ =	shalt  }
0x4c: {  	_ =	shalt  }
0x4d: {  	_ =	shalt  }
0x4e: {  	_ =	shalt  }
0x4f: {  	_ =	shalt  }
0x50: {  	_ =	shalt  }
0x51: {  	_ =	shalt  }
0x52: {  	_ =	shalt  }
0x53: {  	_ =	shalt  }
0x54: {  	_ =	shalt  }
0x55: {  	_ =	shalt  }
0x56: {  	_ =	shalt  }
0x57: {  	_ =	shalt  }
0x58: {  	_ =	shalt  }
0x59: {  	_ =	shalt  }
0x5a: {  	_ =	shalt  }
0x5b: {  	_ =	shalt  }
0x5c: {  	_ =	shalt  }
0x5d: {  	_ =	shalt  }
0x5e: {  	_ =	shalt  }
0x5f: {  	_ =	shalt  }
0x60: {  	_ =	shalt  }
0x61: {  	_ =	shalt  }
0x62: {  	_ =	shalt  }
0x63: {  	_ =	shalt  }
0x64: {  	_ =	shalt  }
0x65: {  	_ =	shalt  }
0x66: {  	_ =	shalt  }
0x67: {  	_ =	shalt  }
0x68: {  	_ =	shalt  }
0x69: {  	_ =	shalt  }
0x6a: {  	_ =	shalt  }
0x6b: {  	_ =	shalt  }
0x6c: {  	_ =	shalt  }
0x6d: {  	_ =	shalt  }
0x6e: {  	_ =	shalt  }
0x6f: {  	_ =	shalt  }
0x70: {  	_ =	shalt  }
0x71: {  	_ =	shalt  }
0x72: {  	_ =	shalt  }
0x73: {  	_ =	shalt  }
0x74: {  	_ =	shalt  }
0x75: {  	_ =	shalt  }
0x76: {  	_ =	shalt  }
0x77: {  	_ =	shalt  }
0x78: {  	_ =	shalt  }
0x79: {  	_ =	shalt  }
0x7a: {  	_ =	shalt  }
0x7b: {  	_ =	shalt  }
0x7c: {  	_ =	shalt  }
0x7d: {  	_ =	shalt  }
0x7e: {  	_ =	shalt  }
0x7f: {  	_ =	shalt  }
0x80: {  	_ =	shalt  }
0x81: {  	_ =	shalt  }
0x82: {  	_ =	shalt  }
0x83: {  	_ =	shalt  }
0x84: {  	_ =	shalt  }
0x85: {  	_ =	shalt  }
0x86: {  	_ =	shalt  }
0x87: {  	_ =	shalt  }
.Lfunc_end0:
.L_simem_size_0:
called_computation.1_lowered:
.L_overlay_start_0:
0x88: {  	s2 =	sld [smem:$0x3FD9]  }
0x89: {  	s3 =	sld [smem:$0x3FFE];
	_ =	sdelay $0x1  }
0x8a: {  	s1 =	srdreg.scid  }
0x8b: {  	s0 =	sand.u32 $0x1, s1  }
0x8c: {  	s16 =	sshll.u32 s0, $0xA;
	s2 =	sadd.s32 s3, s2  }
0x8d: {  	s2 =	sadd.s32 s2, s16  }
0x8e: {  	[smem:$0x3FBC] =	sst s2  }
0x8f: {  	_ = 	snop  }
0x90: {  	(tm) =	ssettm $0x1  }
0x91: {  	s17 =	sld [smem:$0x3FFB];
	_ =	sdelay $0x3  }
0x92: {  	_ =	strace s17  }
0x93: {  	s2 =	sld [smem:$0x3FFC];
	_ =	sdelay $0x3  }
0x94: {  	_ =	strace s2  }
0x95: {  	s2 =	sld [smem:$0x3FFD];
	_ =	sdelay $0x3  }
0x96: {  	_ =	strace s2  }
0x97: {  	_ =	strace $0x8FFFFFFF  }
0x98: {  	s18 =	sld [smem:$0x3FDB];
	_ =	sdelay $0x1  }
0x99: {  	s19 =	simm.s32 $_scs_section_size  }
0x9a: {  	s4 =	simm.s32 $_size__tile_overlayer_lowered;
	s5 =	simm.s32 $_tile_overlayer_lowered  }
0x9b: {  	s22 =	simm.s32 $0x1BFF;
	s21 =	sshll.u32 s5, $0x1;
	s2 =	sadd.s32 s19, s18  }
0x9c: {  	s6 =	simm.s32 $0x0;
	s20 =	sshll.u32 s4, $0x1;
	s4 =	sadd.s32 s21, s2  }
0x9d: {  	[timem:s6], [sflag:s22] =	dma.local [hbm:s4], s20  }
0x9e: {  	_ =	swait.ge [sflag:s22], s20  }
0x9f: {  	s3 =	ssub.s32 $0x0, s20;
	[sflag:s22] =	ssyncset.done $0x0  }
0xa0: {  	[sflag:s22] =	ssyncadd.s32 s3;
	_ =	sdelay $0x1  }
0xa1: {  	s23 =	simm.s32 $0x1B8B  }
0xa2: {  	_ =	swait.ge [sflag:s23], $0x1  }
0xa3: {  	[sflag:s23] =	ssyncset.done $0x0  }
0xa4: {  	s25 =	simm.s32 $0x1B8E;
	s24 =	sld [smem:$0x3FFE];
	[sflag:s23] =	ssyncadd.s32 $0xFFFFFFFF  }
0xa5: {  	s26 =	simm.s32 $execute0_lowered;
	[smem:$0x3FD2] =	sst s25  }
0xa6: {  	s4 =	sshll.u32 s26, $0x1;
	_ =	strace $0x80000049;
	[dreg:$0x1] =	wrdreg $0xFFFFFFFF  }
0xa7: {  	s28 =	simm.s32 $_size_execute0_lowered;
	s2 =	sadd.s32 s2, s4;
	[dreg:$0x0] =	wrdreg $0x0  }
0xa8: {  	s4 =	sshll.u32 s28, $0x1;
	[dreg:$0x2] =	wrdreg s2  }
0xa9: {  	[dreg:$0x3] =	wrdreg s4  }
0xaa: {  	[dreg:$0x4] =	wrdreg $0xC0  }
0xab: {  	_ =	task [dreg:s6], $0x5FFFF  }
0xac: {  	[dreg:$0x1] =	wrdreg $0xFFFFFFFF  }
0xad: {  	[dreg:$0x0] =	wrdreg $0x60  }
0xae: {  	[dreg:$0x2] =	wrdreg s24  }
0xaf: {  	[dreg:$0x3] =	wrdreg $0x0  }
0xb0: {  	[dreg:$0x4] =	wrdreg $0x9  }
0xb1: {  	_ =	task.clear_ibuf [dreg:s6], $0x5FFFF;
	_ =	strace $0x90000049  }
0xb2: {  	s29 =	simm.s32 $0x9;
	_ =	strace $0x8000004B  }
0xb3: {  	_ =	swait.ge [sflag:s29], $0x1  }
0xb4: {  	[sflag:s29] =	ssyncadd.s32 $0xFFFFFFFF  }
0xb5: {  	_ =	strace $0x9000004B  }
0xb6: {  	_ =	sfence  }
0xb7: {  	s30 =	sld [smem:$0x0];
	_ =	sdelay $0x2  }
0xb8: {  	s31 =	sshll.u32 s1, $0xD;
	s1 =	sshrl.u32 s1, $0x2  }
0xb9: {  	s3 =	sand.u32 $0x4000, s31;
	s1 =	sadd.s32 s1, s30  }
0xba: {  	s0 =	sor.u32 s3, s0;
	s1 =	sshll.u32 s1, $0x11  }
0xbb: {  	s0 =	sor.u32 s1, s0  }
0xbc: {  	s0 =	sadd.s32 $0x8F2B, s0  }
0xbd: {  	[sflag:s0] =	ssyncadd.remote.s32 $0x1  }
0xbe: {  	_ =	sfence.sel $0xFFFF  }
0xbf: {  	[dreg:$0x0] =	wrdreg $0xFFFFFFFF;
	(pc) =	sbr.abs _section_cstart, $3  }
0xc0: {  	[dreg:$0x1] =	wrdreg $0xFFFFFFFF  }
0xc1: {  	_ =	task.clear_ibuf [dreg:s6], $0x2FFFF;
	_ =	strace $0x9FFFFFFF  }
0xc2: {  	(tm) =	ssettm $0x7FFFFFFF  }
0xc3: {  	_ =	shalt  }
tec
execute0_lowered:
.L_overlay_start_1:
0x0: {  	(tag) =	ssettag $0x1  }
0x1: {  	s5 =	rddreg [dreg:$0x0]  }
0x2: {  	s1 =	rddreg [dreg:$0x1];
	s2 =	srdreg.scid;
	s3 =	simm.s32 $0x0  }
0x3: {  	s20 =	simm.s32 $0x18080;
	s21 =	simm.s32 $0x80;
	s22 =	simm.s32 $0x18100  }
0x4: {  	s23 =	simm.s32 $0x1;
	s13 =	sand.u32 $0x1, s2;
	s2 =	stileid.u32  }
0x5: {  	[smem:$0x7FF] =	sst s3;
	s4 =	sadd.s32 $0x63A00, s5;
	s6 =	smul.u32 $0x280000, s13  }
0x6: {  	s14 =	sadd.s32 $0xBA00, s5;
	s15 =	sadd.s32 $0x1C00, s5;
	s7 =	smul.u32 $0x14000, s2  }
0x7: {  	_ =	strace $0x8000004A;
	s26 =	ssub.s32 $0x2, s13;
	s8 =	smul.u32 $0x50000, s2  }
0x8: {  	s29 =	sshll.u32 s13, $0x4;
	s18 =	sshll.u32 s2, $0x4;
	s19 =	sshll.u32 s13, $0x8  }
0x9: {  	s28 =	sshrl.u32 s26, $0x1;
	s24 =	sor.u32 s2, s29;
	s11 =	sor.u32 $0x9C00, s18  }
0xa: {  	s31 =	sadd.s32 s19, s14;
	s19 =	sadd.s32 s19, s15;
	s6 =	sadd.s32 s7, s6  }
0xb: {  	s17 =	ssub.s32 s26, s28;
	s30 =	sshrl.u32 s8, $0x2;
	s10 =	sadd.s32 s14, s11  }
0xc: {  	s11 =	sadd.s32 s15, s11;
	s15 =	sadd.s32 s18, s31;
	p0 =	sgt.u32 s24, $0x3  }
0xd: {  	s24 =	simm.s32 $0x0;
	s6 =	sshrl.u32 s6, $0x3;
	s14 =	smax.u32 s17, $0x1  }
0xe: {  	s17 =	simm.s32 $0x14000;
	s16 =	sadd.s32 s6, s5;
	s5 =	sadd.s32 s30, s1  }
0xf: {  	s6 =	sadd.s32 $0x4000, s5;
	s7 =	sadd.s32 $0x8000, s5;
	s8 =	sadd.s32 $0xC000, s5  }
0x10: {  	s9 =	sadd.s32 $0x10000, s5;
	s12 =	sadd.s32 $0x8AC00, s16;
	s13 =	sadd.s32 $0xB2C00, s16  }
0x11: {  	v0 =	vimm.f32 $0.0e+00;
	s16 =	sadd.s32 s18, s19;
	s18 =	simm.s32 $0x2;
	s19 =	simm.s32 $0x18000  }
.LBB2_1:
0x12: {  	s25 =	simm.s32 $0x0;
	s26 =	simm.s32 $0x200  }
.LBB2_2:
0x13: {  	p1 =	sne.s32 s26, $0xFE00;
	[tilespmem:s25+$0x14070] =	vst v0  }
0x14: {  	[tilespmem:s25+$0x14000] =	vst v0  }
0x15: {  	[tilespmem:s25+$0x14010] =	vst v0  }
.Ltmp0:
0x16: {  	[tilespmem:s25+$0x14020] =	vst v0;
	(pc) =	sbr.rel @p1 .LBB2_2-.Ltmp0, $4  }
0x17: {  	[tilespmem:s25+$0x14030] =	vst v0  }
0x18: {  	[tilespmem:s25+$0x14040] =	vst v0  }
0x19: {  	[tilespmem:s25+$0x14050] =	vst v0  }
0x1a: {  	[tilespmem:s25+$0x14060] =	vst v0;
	s25 =	sshra.s32 s26, $0x2;
	s26 =	sadd.s32 $0x200, s26  }
0x1b: {  	[tilespmem:s25+$0x14070] =	vst v0  }
0x1c: {  	[tilespmem:s25+$0x14000] =	vst v0  }
0x1d: {  	[tilespmem:s25+$0x14010] =	vst v0  }
0x1e: {  	[tilespmem:s25+$0x14020] =	vst v0  }
0x1f: {  	[tilespmem:s25+$0x14030] =	vst v0  }
0x20: {  	[tilespmem:s25+$0x14040] =	vst v0  }
0x21: {  	[tilespmem:s25+$0x14050] =	vst v0  }
0x22: {  	[tilespmem:s25+$0x14060] =	vst v0  }
0x23: {  	[spmem:s5] =	stream.linear.scatter [tilespmem:s17], [sflag:$0x2], $0x4000, $0x38;
	[tilespmem:$0x1C100] =	vst v63  }
0x24: {  	_ =	swait.ge [sflag:s18], $0x4000  }
0x25: {  	[sflag:s18] =	ssyncset.done $0x0  }
0x26: {  	[sflag:s18] =	ssyncadd.s32 $0xFFFFC000  }
0x27: {  	[spmem:s6] =	stream.linear.scatter [tilespmem:s17], [sflag:$0x2], $0x4000, $0x38;
	[tilespmem:$0x1C100] =	vst v63  }
0x28: {  	_ =	swait.ge [sflag:s18], $0x4000  }
0x29: {  	[sflag:s18] =	ssyncset.done $0x0  }
0x2a: {  	[sflag:s18] =	ssyncadd.s32 $0xFFFFC000  }
0x2b: {  	[spmem:s7] =	stream.linear.scatter [tilespmem:s17], [sflag:$0x2], $0x4000, $0x38;
	[tilespmem:$0x1C100] =	vst v63  }
0x2c: {  	_ =	swait.ge [sflag:s18], $0x4000  }
0x2d: {  	[sflag:s18] =	ssyncset.done $0x0  }
0x2e: {  	[sflag:s18] =	ssyncadd.s32 $0xFFFFC000  }
0x2f: {  	[spmem:s8] =	stream.linear.scatter [tilespmem:s17], [sflag:$0x2], $0x4000, $0x38;
	[tilespmem:$0x1C100] =	vst v63  }
0x30: {  	_ =	swait.ge [sflag:s18], $0x4000  }
0x31: {  	[sflag:s18] =	ssyncset.done $0x0  }
0x32: {  	[sflag:s18] =	ssyncadd.s32 $0xFFFFC000  }
0x33: {  	[spmem:s9] =	stream.linear.scatter [tilespmem:s17], [sflag:$0x2], $0x4000, $0x38;
	[tilespmem:$0x1C100] =	vst v63  }
0x34: {  	_ =	swait.ge [sflag:s18], $0x4000  }
0x35: {  	[sflag:s18] =	ssyncset.done $0x0  }
0x36: {  	[sflag:s18] =	ssyncadd.s32 $0xFFFFC000  }
0x37: {  	s30 =	sadd.s32 $0x0, s15;
	[bflag:$0x0] =	sbarrier.arrive $0xFFFF  }
0x38: {  	[tilespmem:s19], [sflag:$0x2] =	stream.linear.gather [hbm4b:s30+s3], $0x80, $0x38;
	[tilespmem:$0x1C100] =	vst v63  }
0x39: {  	_ =	swait.ge [sflag:s18], $0x80  }
0x3a: {  	[sflag:s18] =	ssyncset.done $0x0  }
0x3b: {  	s31 =	sadd.s32 $0x0, s16;
	[sflag:s18] =	ssyncadd.s32 $0xFFFFFF80  }
0x3c: {  	[tilespmem:s20], [sflag:$0x2] =	stream.linear.gather [hbm4b:s31+s3], $0x80, $0x38;
	[tilespmem:$0x1C100] =	vst v63  }
0x3d: {  	_ =	swait.ge [sflag:s18], $0x80  }
0x3e: {  	[sflag:s18] =	ssyncset.done $0x0  }
0x3f: {  	[sflag:s18] =	ssyncadd.s32 $0xFFFFFF80  }
0x40: {  	[tilespmem:s22], [sflag:$0x1] =	stream.indirect.gather [hbm4b:s4+s21], $0x80, s19, s21, $0xb8;
	[tilespmem:$0x1C100] =	vst v63  }
0x41: {  	_ =	swait.ge [sflag:s23], $0x4000  }
0x42: {  	[sflag:s23] =	ssyncset.done $0x0  }
0x43: {  	[sflag:s23] =	ssyncadd.s32 $0xFFFFC000  }
0x44: {  	[spmem:s1] =	stream.indirect.scatter.add.f32 [tilespmem:s22], [sflag:$0x2], $0x80, s20, s21, $0xb8;
	[tilespmem:$0x1C100] =	vst v63  }
0x45: {  	_ =	swait.ge [sflag:s18], $0x4000  }
0x46: {  	s25 =	simm.s32 $0x200;
	s26 =	simm.s32 $0x400;
	[sflag:s18] =	ssyncset.done $0x0  }
.LBB2_4:
0x47: {  	s28 =	sadd.s32 s25, s15  }
0x48: {  	[sflag:s18] =	ssyncadd.s32 $0xFFFFC000;
	s29 =	smov.u32 s26;
	s30 =	sadd.s32 $0x200, s26  }
0x49: {  	[tilespmem:s19], [sflag:$0x2] =	stream.linear.gather [hbm4b:s28+s3], $0x80, $0x38;
	[tilespmem:$0x1C100] =	vst v63  }
0x4a: {  	p1 =	sne.s32 s26, $0x9A00;
	_ =	swait.ge [sflag:s18], $0x80  }
0x4b: {  	[sflag:s18] =	ssyncset.done $0x0  }
0x4c: {  	s26 =	sadd.s32 s25, s16;
	s25 =	smov.u32 s29;
	[sflag:s18] =	ssyncadd.s32 $0xFFFFFF80  }
0x4d: {  	[tilespmem:s20], [sflag:$0x2] =	stream.linear.gather [hbm4b:s26+s3], $0x80, $0x38;
	[tilespmem:$0x1C100] =	vst v63  }
0x4e: {  	_ =	swait.ge [sflag:s18], $0x80  }
0x4f: {  	[sflag:s18] =	ssyncset.done $0x0  }
0x50: {  	[sflag:s18] =	ssyncadd.s32 $0xFFFFFF80  }
0x51: {  	[tilespmem:s22], [sflag:$0x1] =	stream.indirect.gather [hbm4b:s4+s21], $0x80, s19, s21, $0xb8;
	[tilespmem:$0x1C100] =	vst v63  }
0x52: {  	_ =	swait.ge [sflag:s23], $0x4000  }
.Ltmp1:
0x53: {  	[sflag:s23] =	ssyncset.done $0x0;
	(pc) =	sbr.rel @p1 .LBB2_4-.Ltmp1, $4  }
0x54: {  	[sflag:s23] =	ssyncadd.s32 $0xFFFFC000  }
0x55: {  	[spmem:s1] =	stream.indirect.scatter.add.f32 [tilespmem:s22], [sflag:$0x2], $0x80, s20, s21, $0xb8;
	[tilespmem:$0x1C100] =	vst v63  }
0x56: {  	_ =	swait.ge [sflag:s18], $0x4000  }
0x57: {  	s26 =	smov.u32 s30;
	[sflag:s18] =	ssyncset.done $0x0  }
0x58: {  	s26 =	sadd.s32 s25, s15;
	[sflag:s18] =	ssyncadd.s32 $0xFFFFC000  }
0x59: {  	[tilespmem:s19], [sflag:$0x2] =	stream.linear.gather [hbm4b:s26+s3], $0x80, $0x38;
	[tilespmem:$0x1C100] =	vst v63  }
0x5a: {  	_ =	swait.ge [sflag:s18], $0x80  }
0x5b: {  	[sflag:s18] =	ssyncset.done $0x0  }
0x5c: {  	s30 =	sadd.s32 s25, s16;
	[sflag:s18] =	ssyncadd.s32 $0xFFFFFF80  }
0x5d: {  	[tilespmem:s20], [sflag:$0x2] =	stream.linear.gather [hbm4b:s30+s3], $0x80, $0x38;
	[tilespmem:$0x1C100] =	vst v63  }
0x5e: {  	_ =	swait.ge [sflag:s18], $0x80  }
0x5f: {  	[sflag:s18] =	ssyncset.done $0x0  }
0x60: {  	[sflag:s18] =	ssyncadd.s32 $0xFFFFFF80  }
0x61: {  	[tilespmem:s22], [sflag:$0x1] =	stream.indirect.gather [hbm4b:s4+s21], $0x80, s19, s21, $0xb8;
	[tilespmem:$0x1C100] =	vst v63  }
0x62: {  	_ =	swait.ge [sflag:s23], $0x4000  }
0x63: {  	[sflag:s23] =	ssyncset.done $0x0  }
0x64: {  	[sflag:s23] =	ssyncadd.s32 $0xFFFFC000  }
0x65: {  	[spmem:s1] =	stream.indirect.scatter.add.f32 [tilespmem:s22], [sflag:$0x2], $0x80, s20, s21, $0xb8;
	[tilespmem:$0x1C100] =	vst v63  }
0x66: {  	_ =	swait.ge [sflag:s18], $0x4000  }
0x67: {  	s25 =	simm.s32 @!p0 $0x0;
	[sflag:s18] =	ssyncset.done $0x0  }
0x68: {  	s28 =	simm.s32 @!p0 $0x2;
	s26 =	simm.s32 @!p0 $0x18000;
	[sflag:s18] =	ssyncadd.s32 $0xFFFFC000  }
0x69: {  	[tilespmem:s26], [sflag:$0x2] =	stream.linear.gather @!p0 [hbm4b:s10+s25], $0x80, $0x38;
	[tilespmem:$0x1C100] =	vst v63  }
0x6a: {  	_ =	swait.ge @!p0 [sflag:s28], $0x80  }
0x6b: {  	[sflag:s28] =	ssyncset.done @!p0 $0x0  }
0x6c: {  	s29 =	simm.s32 @!p0 $0x18080;
	[sflag:s28] =	ssyncadd.s32 @!p0 $0xFFFFFF80  }
0x6d: {  	[tilespmem:s29], [sflag:$0x2] =	stream.linear.gather @!p0 [hbm4b:s11+s25], $0x80, $0x38;
	[tilespmem:$0x1C100] =	vst v63  }
0x6e: {  	_ =	swait.ge @!p0 [sflag:s28], $0x80  }
0x6f: {  	[sflag:s28] =	ssyncset.done @!p0 $0x0  }
0x70: {  	s30 =	simm.s32 @!p0 $0x18100;
	s25 =	simm.s32 @!p0 $0x80;
	[sflag:s28] =	ssyncadd.s32 @!p0 $0xFFFFFF80  }
0x71: {  	[tilespmem:s30], [sflag:$0x1] =	stream.indirect.gather @!p0 [hbm4b:s4+s25], $0x80, s26, s25, $0xb8;
	[tilespmem:$0x1C100] =	vst v63  }
0x72: {  	s26 =	simm.s32 @!p0 $0x1  }
0x73: {  	_ =	swait.ge @!p0 [sflag:s26], $0x4000  }
0x74: {  	[sflag:s26] =	ssyncset.done @!p0 $0x0  }
0x75: {  	[sflag:s26] =	ssyncadd.s32 @!p0 $0xFFFFC000  }
0x76: {  	[spmem:s1] =	stream.indirect.scatter.add.f32 @!p0 [tilespmem:s30], [sflag:$0x2], $0x80, s29, s25, $0xb8;
	[tilespmem:$0x1C100] =	vst v63  }
0x77: {  	_ =	swait.ge @!p0 [sflag:s28], $0x4000  }
0x78: {  	[sflag:s28] =	ssyncset.done @!p0 $0x0  }
0x79: {  	s31 =	sshll.u32 s2, $0x6;
	[sflag:s28] =	ssyncadd.s32 @!p0 $0xFFFFC000  }
0x7a: {  	s26 =	sshrl.u32 s5, $0x3;
	s25 =	sor.u32 $0x1C02, s31;
	[bflag:$0x0] =	sbarrier.arrive $0xFFFF  }
0x7b: {  	[hbm:s12], [sflag:s25] =	dma.local [spmem:s26], $0x2800  }
0x7c: {  	_ =	swait.ge [sflag:s18], $0x2800  }
0x7d: {  	[sflag:s18] =	ssyncset.done $0x0  }
0x7e: {  	[sflag:s18] =	ssyncadd.s32 $0xFFFFD800  }
0x7f: {  	[bflag:$0x0] =	sbarrier.arrive $0xFFFF  }
0x80: {  	[spmem:s5] =	stream.linear.scatter [tilespmem:s17], [sflag:$0x2], $0x4000, $0x38;
	[tilespmem:$0x1C100] =	vst v63  }
0x81: {  	_ =	swait.ge [sflag:s18], $0x4000  }
0x82: {  	[sflag:s18] =	ssyncset.done $0x0  }
0x83: {  	[sflag:s18] =	ssyncadd.s32 $0xFFFFC000  }
0x84: {  	[spmem:s6] =	stream.linear.scatter [tilespmem:s17], [sflag:$0x2], $0x4000, $0x38;
	[tilespmem:$0x1C100] =	vst v63  }
0x85: {  	_ =	swait.ge [sflag:s18], $0x4000  }
0x86: {  	[sflag:s18] =	ssyncset.done $0x0  }
0x87: {  	[sflag:s18] =	ssyncadd.s32 $0xFFFFC000  }
0x88: {  	[spmem:s7] =	stream.linear.scatter [tilespmem:s17], [sflag:$0x2], $0x4000, $0x38;
	[tilespmem:$0x1C100] =	vst v63  }
0x89: {  	_ =	swait.ge [sflag:s18], $0x4000  }
0x8a: {  	[sflag:s18] =	ssyncset.done $0x0  }
0x8b: {  	[sflag:s18] =	ssyncadd.s32 $0xFFFFC000  }
0x8c: {  	[spmem:s8] =	stream.linear.scatter [tilespmem:s17], [sflag:$0x2], $0x4000, $0x38;
	[tilespmem:$0x1C100] =	vst v63  }
0x8d: {  	_ =	swait.ge [sflag:s18], $0x4000  }
0x8e: {  	[sflag:s18] =	ssyncset.done $0x0  }
0x8f: {  	[sflag:s18] =	ssyncadd.s32 $0xFFFFC000  }
0x90: {  	[spmem:s9] =	stream.linear.scatter [tilespmem:s17], [sflag:$0x2], $0x4000, $0x38;
	[tilespmem:$0x1C100] =	vst v63  }
0x91: {  	_ =	swait.ge [sflag:s18], $0x4000  }
0x92: {  	[sflag:s18] =	ssyncset.done $0x0  }
0x93: {  	[sflag:s18] =	ssyncadd.s32 $0xFFFFC000  }
0x94: {  	s28 =	sadd.s32 $0x0, s16;
	[bflag:$0x0] =	sbarrier.arrive $0xFFFF  }
0x95: {  	[tilespmem:s19], [sflag:$0x2] =	stream.linear.gather [hbm4b:s28+s3], $0x80, $0x38;
	[tilespmem:$0x1C100] =	vst v63  }
0x96: {  	_ =	swait.ge [sflag:s18], $0x80  }
0x97: {  	[sflag:s18] =	ssyncset.done $0x0  }
0x98: {  	s28 =	sadd.s32 $0x0, s15;
	[sflag:s18] =	ssyncadd.s32 $0xFFFFFF80  }
0x99: {  	[tilespmem:s20], [sflag:$0x2] =	stream.linear.gather [hbm4b:s28+s3], $0x80, $0x38;
	[tilespmem:$0x1C100] =	vst v63  }
0x9a: {  	_ =	swait.ge [sflag:s18], $0x80  }
0x9b: {  	[sflag:s18] =	ssyncset.done $0x0  }
0x9c: {  	[sflag:s18] =	ssyncadd.s32 $0xFFFFFF80  }
0x9d: {  	[tilespmem:s22], [sflag:$0x1] =	stream.indirect.gather [hbm4b:s4+s21], $0x80, s19, s21, $0xb8;
	[tilespmem:$0x1C100] =	vst v63  }
0x9e: {  	_ =	swait.ge [sflag:s23], $0x4000  }
0x9f: {  	[sflag:s23] =	ssyncset.done $0x0  }
0xa0: {  	[sflag:s23] =	ssyncadd.s32 $0xFFFFC000  }
0xa1: {  	[spmem:s1] =	stream.indirect.scatter.add.f32 [tilespmem:s22], [sflag:$0x2], $0x80, s20, s21, $0xb8;
	[tilespmem:$0x1C100] =	vst v63  }
0xa2: {  	_ =	swait.ge [sflag:s18], $0x4000  }
0xa3: {  	s29 =	simm.s32 $0x400;
	s28 =	simm.s32 $0x200;
	[sflag:s18] =	ssyncset.done $0x0  }
.LBB2_6:
0xa4: {  	s30 =	sadd.s32 s28, s16  }
0xa5: {  	[sflag:s18] =	ssyncadd.s32 $0xFFFFC000;
	s31 =	smov.u32 s29;
	s0 =	sadd.s32 $0x200, s29  }
0xa6: {  	[tilespmem:s19], [sflag:$0x2] =	stream.linear.gather [hbm4b:s30+s3], $0x80, $0x38;
	[tilespmem:$0x1C100] =	vst v63  }
0xa7: {  	p1 =	sne.s32 s29, $0x9A00;
	_ =	swait.ge [sflag:s18], $0x80  }
0xa8: {  	[sflag:s18] =	ssyncset.done $0x0  }
0xa9: {  	s29 =	sadd.s32 s28, s15;
	s28 =	smov.u32 s31;
	[sflag:s18] =	ssyncadd.s32 $0xFFFFFF80  }
0xaa: {  	[tilespmem:s20], [sflag:$0x2] =	stream.linear.gather [hbm4b:s29+s3], $0x80, $0x38;
	[tilespmem:$0x1C100] =	vst v63  }
0xab: {  	_ =	swait.ge [sflag:s18], $0x80  }
0xac: {  	[sflag:s18] =	ssyncset.done $0x0  }
0xad: {  	[sflag:s18] =	ssyncadd.s32 $0xFFFFFF80  }
0xae: {  	[tilespmem:s22], [sflag:$0x1] =	stream.indirect.gather [hbm4b:s4+s21], $0x80, s19, s21, $0xb8;
	[tilespmem:$0x1C100] =	vst v63  }
0xaf: {  	_ =	swait.ge [sflag:s23], $0x4000  }
.Ltmp2:
0xb0: {  	[sflag:s23] =	ssyncset.done $0x0;
	(pc) =	sbr.rel @p1 .LBB2_6-.Ltmp2, $4  }
0xb1: {  	[sflag:s23] =	ssyncadd.s32 $0xFFFFC000  }
0xb2: {  	[spmem:s1] =	stream.indirect.scatter.add.f32 [tilespmem:s22], [sflag:$0x2], $0x80, s20, s21, $0xb8;
	[tilespmem:$0x1C100] =	vst v63  }
0xb3: {  	_ =	swait.ge [sflag:s18], $0x4000  }
0xb4: {  	s29 =	smov.u32 s0;
	[sflag:s18] =	ssyncset.done $0x0  }
0xb5: {  	s0 =	sadd.s32 s28, s16;
	[sflag:s18] =	ssyncadd.s32 $0xFFFFC000  }
0xb6: {  	[tilespmem:s19], [sflag:$0x2] =	stream.linear.gather [hbm4b:s0+s3], $0x80, $0x38;
	[tilespmem:$0x1C100] =	vst v63  }
0xb7: {  	_ =	swait.ge [sflag:s18], $0x80  }
0xb8: {  	[sflag:s18] =	ssyncset.done $0x0  }
0xb9: {  	s31 =	sadd.s32 s28, s15;
	[sflag:s18] =	ssyncadd.s32 $0xFFFFFF80  }
0xba: {  	[tilespmem:s20], [sflag:$0x2] =	stream.linear.gather [hbm4b:s31+s3], $0x80, $0x38;
	[tilespmem:$0x1C100] =	vst v63  }
0xbb: {  	_ =	swait.ge [sflag:s18], $0x80  }
0xbc: {  	[sflag:s18] =	ssyncset.done $0x0  }
0xbd: {  	[sflag:s18] =	ssyncadd.s32 $0xFFFFFF80  }
0xbe: {  	[tilespmem:s22], [sflag:$0x1] =	stream.indirect.gather [hbm4b:s4+s21], $0x80, s19, s21, $0xb8;
	[tilespmem:$0x1C100] =	vst v63  }
0xbf: {  	_ =	swait.ge [sflag:s23], $0x4000  }
0xc0: {  	[sflag:s23] =	ssyncset.done $0x0  }
0xc1: {  	[sflag:s23] =	ssyncadd.s32 $0xFFFFC000  }
0xc2: {  	[spmem:s1] =	stream.indirect.scatter.add.f32 [tilespmem:s22], [sflag:$0x2], $0x80, s20, s21, $0xb8;
	[tilespmem:$0x1C100] =	vst v63  }
0xc3: {  	_ =	swait.ge [sflag:s18], $0x4000  }
0xc4: {  	s28 =	simm.s32 @!p0 $0x18000;
	[sflag:s18] =	ssyncset.done $0x0  }
0xc5: {  	s29 =	simm.s32 @!p0 $0x2;
	s0 =	simm.s32 @!p0 $0x0;
	[sflag:s18] =	ssyncadd.s32 $0xFFFFC000  }
0xc6: {  	[tilespmem:s28], [sflag:$0x2] =	stream.linear.gather @!p0 [hbm4b:s11+s0], $0x80, $0x38;
	[tilespmem:$0x1C100] =	vst v63  }
0xc7: {  	_ =	swait.ge @!p0 [sflag:s29], $0x80  }
0xc8: {  	[sflag:s29] =	ssyncset.done @!p0 $0x0  }
0xc9: {  	s30 =	simm.s32 @!p0 $0x18080;
	[sflag:s29] =	ssyncadd.s32 @!p0 $0xFFFFFF80  }
0xca: {  	[tilespmem:s30], [sflag:$0x2] =	stream.linear.gather @!p0 [hbm4b:s10+s0], $0x80, $0x38;
	[tilespmem:$0x1C100] =	vst v63  }
0xcb: {  	_ =	swait.ge @!p0 [sflag:s29], $0x80  }
0xcc: {  	[sflag:s29] =	ssyncset.done @!p0 $0x0  }
0xcd: {  	s31 =	simm.s32 @!p0 $0x18100;
	s0 =	simm.s32 @!p0 $0x80;
	[sflag:s29] =	ssyncadd.s32 @!p0 $0xFFFFFF80  }
0xce: {  	[tilespmem:s31], [sflag:$0x1] =	stream.indirect.gather @!p0 [hbm4b:s4+s0], $0x80, s28, s0, $0xb8;
	[tilespmem:$0x1C100] =	vst v63  }
0xcf: {  	s28 =	simm.s32 @!p0 $0x1  }
0xd0: {  	_ =	swait.ge @!p0 [sflag:s28], $0x4000  }
0xd1: {  	[sflag:s28] =	ssyncset.done @!p0 $0x0  }
0xd2: {  	[sflag:s28] =	ssyncadd.s32 @!p0 $0xFFFFC000  }
0xd3: {  	[spmem:s1] =	stream.indirect.scatter.add.f32 @!p0 [tilespmem:s31], [sflag:$0x2], $0x80, s30, s0, $0xb8;
	[tilespmem:$0x1C100] =	vst v63  }
0xd4: {  	_ =	swait.ge @!p0 [sflag:s29], $0x4000  }
0xd5: {  	[sflag:s29] =	ssyncset.done @!p0 $0x0  }
0xd6: {  	s24 =	sadd.s32 $0x1, s24;
	[sflag:s29] =	ssyncadd.s32 @!p0 $0xFFFFC000  }
0xd7: {  	p1 =	sne.s32 s24, s14;
	[bflag:$0x0] =	sbarrier.arrive $0xFFFF  }
0xd8: {  	[hbm:s13], [sflag:s25] =	dma.local [spmem:s26], $0x2800  }
.Ltmp3:
0xd9: {  	_ =	swait.ge [sflag:s18], $0x2800;
	(pc) =	sbr.rel @p1 .LBB2_1-.Ltmp3, $3  }
0xda: {  	[sflag:s18] =	ssyncset.done $0x0  }
0xdb: {  	[sflag:s18] =	ssyncadd.s32 $0xFFFFD800  }
0xdc: {  	[bflag:$0x0] =	sbarrier.arrive $0xFFFF;
	_ =	sdelay $0x1  }
0xdd: {  	_ =	sfence.sel $0x180000  }
0xde: {  	[bflag:$0x0] =	sbarrier.arrive $0xFFFF  }
0xdf: {  	_ =	strace $0x9000004A  }
0xe0: {  	[bflag:$0x2] =	sbarrier.arrive $0xFFFF  }
0xe1: {  	p0 =	sne.s32 s2, $0x0;
	s0 =	rddreg [dreg:$0x2]  }
0xe2: {  	s0 =	sadd.s32 @!p0 $0x100000, s0  }
0xe3: {  	[sflag:s0] =	ssyncadd.tile.s32 @!p0 $0x1;
	_ =	shalt  }
.Lfunc_end2:
_tile_overlayer_lowered:
.L_overlay_start_2:
0xe4: {  	(tag) =	ssettag $0x2  }
0xe5: {  	s0 =	rddreg [dreg:$0x0];
	s2 =	stileid.u32  }
0xe6: {  	s1 =	rddreg [dreg:$0x1];
	p0 =	sne.s32 s2, $0x0  }
0xe7: {  	s3 =	rddreg [dreg:$0x2];
	[bflag:$0x3] =	sbarrier.arrive $0xFFFF;
	s2 =	simm.s32 @!p0 $0x1C02  }
0xe8: {  	[timem:s3], [sflag:s2] =	dma.local @!p0 [hbm:s0], s1  }
0xe9: {  	s0 =	simm.s32 @!p0 $0x2  }
0xea: {  	_ =	swait.ge @!p0 [sflag:s0], s1  }
0xeb: {  	s1 =	ssub.s32 @!p0 $0x0, s1;
	[sflag:s0] =	ssyncset.done @!p0 $0x0  }
0xec: {  	[sflag:s0] =	ssyncadd.s32 @!p0 s1  }
0xed: {  	[bflag:$0x3] =	sbarrier.arrive $0xFFFF  }
0xee: {  	_ =	shalt  }

// kernel: kernel.16.cloned.1.call-start
scs
__scs_entry_jumppad:
0x0: {  	(pc) =	sbr.rel $0x88, $3  }
0x1: {  	(tag) =	ssettag $0x0;
	lr =	simm.s32 $0x1  }
0x2: {  	[smem:$0x3F95] =	sst lr;
	_ =	strace $0xD0000000  }
0x3: {  	_ = 	snop  }
0x4: {  	_ = 	snop  }
0x5: {  	_ = 	snop  }
0x6: {  	_ = 	snop  }
0x7: {  	_ = 	snop  }
__scs_overlays_trampoline_lowered:
0x8: {  	[smem:$0x3FA4] =	sst s0  }
0x9: {  	[smem:$0x3FA5] =	sst s1  }
0xa: {  	[smem:$0x3FA6] =	sst s2  }
0xb: {  	[smem:$0x3FA7] =	sst s3  }
0xc: {  	[smem:$0x3FA8] =	sst s4  }
0xd: {  	[smem:$0x3FA9] =	sst s5  }
0xe: {  	[smem:$0x3FAA] =	sst s6  }
0xf: {  	[smem:$0x3FAB] =	sst s7  }
0x10: {  	[smem:$0x3FAC] =	sst s8  }
0x11: {  	[smem:$0x3FAD] =	sst s9;
	s0 =	simm.s32 @!p0 $0x0  }
0x12: {  	s1 =	sld [smem:$0x3F93];
	s0 =	simm.s32 @p0 $0x1  }
0x13: {  	[smem:$0x3FAE] =	sst s0;
	s0 =	simm.s32 @!p1 $0x0  }
0x14: {  	s2 =	sld [smem:$0x3F92];
	s0 =	simm.s32 @p1 $0x1  }
0x15: {  	[smem:$0x3FAF] =	sst s0;
	s0 =	simm.s32 @!p2 $0x0  }
0x16: {  	s3 =	sld [smem:$0x3FDB];
	s0 =	simm.s32 @p2 $0x1  }
0x17: {  	s4 =	simm.s32 $0x1BF5;
	[smem:$0x3FB1] =	sst s0  }
0x18: {  	s0 =	sld [smem:$0x3F94];
	_ =	swait.ge [sflag:s4], $0x0  }
0x19: {  	s7 =	sld [smem:$0x3F95]  }
0x1a: {  	s8 =	sadd.s32 $0xFFFFE003, lr  }
0x1b: {  	s9 =	sadd.s32 $0xFFFFFEF7, lr;
	s5 =	simm.s32 $0xFFFFFFFF;
	p2 =	slt.u32 s8, $0xFFFFF086  }
0x1c: {  	p1 =	slt.u32 s9, $0xF7A;
	s5 =	simm.s32 @!p2 $0x0  }
0x1d: {  	s5 =	simm.s32 @p1 $0x1;
	p0 =	seq.s32 s7, s2  }
0x1e: {  	s7 =	smul.u32 @!p0 $0xF7A, s2;
	p2 =	seq.s32 @!p0 s5, $0x0  }
0x1f: {  	s9 =	smul.u32 $0xF7A, s1;
	s8 =	simm.s32 @!p0 $0x1BF5;
	p2 =	por !p2, p0  }
0x20: {  	[sflag:s8] =	ssyncset.s32 @!p0 $0xFFFFF086;
	s6 =	sadd.s32 @!p0 s3, s7;
	s7 =	simm.s32 @!p0 $0x108  }
0x21: {  	s3 =	sadd.s32 s3, s9;
	s6 =	sadd.s32 @!p0 $0x88, s6;
	s7 =	simm.s32 @p2 $0x1082  }
0x22: {  	[simem:s7], [sflag:s8] =	dma.local @!p0 [hbm:s6], $0xF7A  }
0x23: {  	s9 =	sor.u32 $0xD0000000, s2;
	s6 =	simm.s32 $0x108;
	_ =	swait.ge @!p0 [sflag:s8], $0x0  }
0x24: {  	s3 =	sadd.s32 $0x88, s3;
	s6 =	simm.s32 @!p1 $0x1082;
	[sflag:s4] =	ssyncset.s32 $0xFFFFF086  }
0x25: {  	[simem:s6], [sflag:s4] =	dma.local [hbm:s3], $0xF7A  }
0x26: {  	[smem:$0x3F95] =	sst s1;
	(tag) =	ssettag s2;
	_ =	strace s9  }
0x27: {  	s1 =	sld [smem:$0x3FA5]  }
0x28: {  	s2 =	sld [smem:$0x3FA6]  }
0x29: {  	s4 =	sld [smem:$0x3FA8]  }
0x2a: {  	p0 =	seq.s32 s5, $0x0;
	s5 =	sld [smem:$0x3FA9]  }
0x2b: {  	s6 =	sld [smem:$0x3FAA]  }
0x2c: {  	s7 =	sld [smem:$0x3FAB]  }
0x2d: {  	s3 =	simm.s32 $0x108;
	s8 =	sld [smem:$0x3FAC]  }
0x2e: {  	s3 =	simm.s32 @!p0 $0x1082;
	s9 =	sld [smem:$0x3FAD]  }
0x2f: {  	lr =	sadd.s32 s0, s3;
	s0 =	sld [smem:$0x3FA4]  }
0x30: {  	s3 =	sld [smem:$0x3FA7]  }
0x31: {  	[smem:$0x3FB0] =	sst s10  }
0x32: {  	s10 =	sld [smem:$0x3FAE];
	_ =	sdelay $0x3  }
0x33: {  	p0 =	seq.s32 s10, $0x1;
	s10 =	sld [smem:$0x3FB0];
	_ =	sdelay $0x3  }
0x34: {  	[smem:$0x3FB0] =	sst s10  }
0x35: {  	s10 =	sld [smem:$0x3FAF];
	_ =	sdelay $0x3  }
0x36: {  	p1 =	seq.s32 s10, $0x1;
	s10 =	sld [smem:$0x3FB0];
	_ =	sdelay $0x3  }
0x37: {  	[smem:$0x3FB0] =	sst s10  }
0x38: {  	s10 =	sld [smem:$0x3FB1]  }
0x39: {  	_ = 	snop;
	(pc) =	sbr.ind lr, $3  }
0x3a: {  	_ = 	snop  }
0x3b: {  	_ = 	snop  }
0x3c: {  	p2 =	seq.s32 s10, $0x1;
	s10 =	sld [smem:$0x3FB0]  }
0x3d: {  	_ =	shalt  }
0x3e: {  	_ =	shalt  }
0x3f: {  	_ =	shalt  }
0x40: {  	_ =	shalt  }
0x41: {  	_ =	shalt  }
0x42: {  	_ =	shalt  }
0x43: {  	_ =	shalt  }
0x44: {  	_ =	shalt  }
0x45: {  	_ =	shalt  }
0x46: {  	_ =	shalt  }
0x47: {  	_ =	shalt  }
0x48: {  	_ =	shalt  }
0x49: {  	_ =	shalt  }
0x4a: {  	_ =	shalt  }
0x4b: {  	_ =	shalt  }
0x4c: {  	_ =	shalt  }
0x4d: {  	_ =	shalt  }
0x4e: {  	_ =	shalt  }
0x4f: {  	_ =	shalt  }
0x50: {  	_ =	shalt  }
0x51: {  	_ =	shalt  }
0x52: {  	_ =	shalt  }
0x53: {  	_ =	shalt  }
0x54: {  	_ =	shalt  }
0x55: {  	_ =	shalt  }
0x56: {  	_ =	shalt  }
0x57: {  	_ =	shalt  }
0x58: {  	_ =	shalt  }
0x59: {  	_ =	shalt  }
0x5a: {  	_ =	shalt  }
0x5b: {  	_ =	shalt  }
0x5c: {  	_ =	shalt  }
0x5d: {  	_ =	shalt  }
0x5e: {  	_ =	shalt  }
0x5f: {  	_ =	shalt  }
0x60: {  	_ =	shalt  }
0x61: {  	_ =	shalt  }
0x62: {  	_ =	shalt  }
0x63: {  	_ =	shalt  }
0x64: {  	_ =	shalt  }
0x65: {  	_ =	shalt  }
0x66: {  	_ =	shalt  }
0x67: {  	_ =	shalt  }
0x68: {  	_ =	shalt  }
0x69: {  	_ =	shalt  }
0x6a: {  	_ =	shalt  }
0x6b: {  	_ =	shalt  }
0x6c: {  	_ =	shalt  }
0x6d: {  	_ =	shalt  }
0x6e: {  	_ =	shalt  }
0x6f: {  	_ =	shalt  }
0x70: {  	_ =	shalt  }
0x71: {  	_ =	shalt  }
0x72: {  	_ =	shalt  }
0x73: {  	_ =	shalt  }
0x74: {  	_ =	shalt  }
0x75: {  	_ =	shalt  }
0x76: {  	_ =	shalt  }
0x77: {  	_ =	shalt  }
0x78: {  	_ =	shalt  }
0x79: {  	_ =	shalt  }
0x7a: {  	_ =	shalt  }
0x7b: {  	_ =	shalt  }
0x7c: {  	_ =	shalt  }
0x7d: {  	_ =	shalt  }
0x7e: {  	_ =	shalt  }
0x7f: {  	_ =	shalt  }
0x80: {  	_ =	shalt  }
0x81: {  	_ =	shalt  }
0x82: {  	_ =	shalt  }
0x83: {  	_ =	shalt  }
0x84: {  	_ =	shalt  }
0x85: {  	_ =	shalt  }
0x86: {  	_ =	shalt  }
0x87: {  	_ =	shalt  }
.Lfunc_end0:
.L_simem_size_0:
called_computation.2_lowered:
.L_overlay_start_0:
0x88: {  	s2 =	sld [smem:$0x3FD9]  }
0x89: {  	s3 =	sld [smem:$0x3FFE];
	_ =	sdelay $0x1  }
0x8a: {  	s1 =	srdreg.scid  }
0x8b: {  	s0 =	sand.u32 $0x1, s1  }
0x8c: {  	s16 =	sshll.u32 s0, $0xA;
	s2 =	sadd.s32 s3, s2  }
0x8d: {  	s2 =	sadd.s32 s2, s16  }
0x8e: {  	[smem:$0x3FBC] =	sst s2  }
0x8f: {  	_ = 	snop  }
0x90: {  	(tm) =	ssettm $0x1  }
0x91: {  	s17 =	sld [smem:$0x3FFB];
	_ =	sdelay $0x3  }
0x92: {  	_ =	strace s17  }
0x93: {  	s2 =	sld [smem:$0x3FFC];
	_ =	sdelay $0x3  }
0x94: {  	_ =	strace s2  }
0x95: {  	s2 =	sld [smem:$0x3FFD];
	_ =	sdelay $0x3  }
0x96: {  	_ =	strace s2  }
0x97: {  	_ =	strace $0x8FFFFFFF  }
0x98: {  	s18 =	sld [smem:$0x3FDB];
	_ =	sdelay $0x1  }
0x99: {  	s19 =	simm.s32 $_scs_section_size  }
0x9a: {  	s4 =	simm.s32 $_size__tile_overlayer_lowered;
	s5 =	simm.s32 $_tile_overlayer_lowered  }
0x9b: {  	s22 =	simm.s32 $0x1BFF;
	s21 =	sshll.u32 s5, $0x1;
	s2 =	sadd.s32 s19, s18  }
0x9c: {  	s6 =	simm.s32 $0x0;
	s20 =	sshll.u32 s4, $0x1;
	s4 =	sadd.s32 s21, s2  }
0x9d: {  	[timem:s6], [sflag:s22] =	dma.local [hbm:s4], s20  }
0x9e: {  	_ =	swait.ge [sflag:s22], s20  }
0x9f: {  	s3 =	ssub.s32 $0x0, s20;
	[sflag:s22] =	ssyncset.done $0x0  }
0xa0: {  	[sflag:s22] =	ssyncadd.s32 s3;
	_ =	sdelay $0x1  }
0xa1: {  	s23 =	simm.s32 $0x1B8B  }
0xa2: {  	_ =	swait.ge [sflag:s23], $0x1  }
0xa3: {  	[sflag:s23] =	ssyncset.done $0x0  }
0xa4: {  	s25 =	simm.s32 $0x1B8E;
	s24 =	sld [smem:$0x3FFE];
	[sflag:s23] =	ssyncadd.s32 $0xFFFFFFFF  }
0xa5: {  	s26 =	simm.s32 $execute0_lowered;
	[smem:$0x3FD2] =	sst s25  }
0xa6: {  	s4 =	sshll.u32 s26, $0x1;
	_ =	strace $0x8000004C;
	[dreg:$0x1] =	wrdreg $0xFFFFFFFF  }
0xa7: {  	s28 =	simm.s32 $_size_execute0_lowered;
	s2 =	sadd.s32 s2, s4;
	[dreg:$0x0] =	wrdreg $0x0  }
0xa8: {  	s4 =	sshll.u32 s28, $0x1;
	[dreg:$0x2] =	wrdreg s2  }
0xa9: {  	[dreg:$0x3] =	wrdreg s4  }
0xaa: {  	[dreg:$0x4] =	wrdreg $0xC0  }
0xab: {  	_ =	task [dreg:s6], $0x5FFFF  }
0xac: {  	[dreg:$0x1] =	wrdreg $0xFFFFFFFF  }
0xad: {  	[dreg:$0x0] =	wrdreg $0x60  }
0xae: {  	[dreg:$0x2] =	wrdreg s24  }
0xaf: {  	[dreg:$0x3] =	wrdreg $0x0  }
0xb0: {  	[dreg:$0x4] =	wrdreg $0x9  }
0xb1: {  	_ =	task.clear_ibuf [dreg:s6], $0x5FFFF;
	_ =	strace $0x9000004C  }
0xb2: {  	s29 =	simm.s32 $0x9;
	_ =	strace $0x8000004E  }
0xb3: {  	_ =	swait.ge [sflag:s29], $0x1  }
0xb4: {  	[sflag:s29] =	ssyncadd.s32 $0xFFFFFFFF  }
0xb5: {  	_ =	strace $0x9000004E  }
0xb6: {  	_ =	sfence  }
0xb7: {  	s30 =	sld [smem:$0x0];
	_ =	sdelay $0x2  }
0xb8: {  	s31 =	sshll.u32 s1, $0xD;
	s1 =	sshrl.u32 s1, $0x2  }
0xb9: {  	s3 =	sand.u32 $0x4000, s31;
	s1 =	sadd.s32 s1, s30  }
0xba: {  	s0 =	sor.u32 s3, s0;
	s1 =	sshll.u32 s1, $0x11  }
0xbb: {  	s0 =	sor.u32 s1, s0  }
0xbc: {  	s0 =	sadd.s32 $0x8F2B, s0  }
0xbd: {  	[sflag:s0] =	ssyncadd.remote.s32 $0x1  }
0xbe: {  	_ =	sfence.sel $0xFFFF  }
0xbf: {  	[dreg:$0x0] =	wrdreg $0xFFFFFFFF;
	(pc) =	sbr.abs _section_cstart, $3  }
0xc0: {  	[dreg:$0x1] =	wrdreg $0xFFFFFFFF  }
0xc1: {  	_ =	task.clear_ibuf [dreg:s6], $0x2FFFF;
	_ =	strace $0x9FFFFFFF  }
0xc2: {  	(tm) =	ssettm $0x7FFFFFFF  }
0xc3: {  	_ =	shalt  }
tec
execute0_lowered:
.L_overlay_start_1:
0x0: {  	(tag) =	ssettag $0x1  }
0x1: {  	s5 =	rddreg [dreg:$0x0]  }
0x2: {  	s1 =	rddreg [dreg:$0x1];
	s2 =	srdreg.scid;
	s3 =	simm.s32 $0x0  }
0x3: {  	s20 =	simm.s32 $0x18080;
	s21 =	simm.s32 $0x80;
	s22 =	simm.s32 $0x18100  }
0x4: {  	s23 =	simm.s32 $0x1;
	s13 =	sand.u32 $0x1, s2;
	s2 =	stileid.u32  }
0x5: {  	[smem:$0x7FF] =	sst s3;
	s4 =	sadd.s32 $0x63A00, s5;
	s6 =	smul.u32 $0x280000, s13  }
0x6: {  	s14 =	sadd.s32 $0xBA00, s5;
	s15 =	sadd.s32 $0x1C00, s5;
	s7 =	smul.u32 $0x14000, s2  }
0x7: {  	_ =	strace $0x8000004D;
	s26 =	ssub.s32 $0x2, s13;
	s8 =	smul.u32 $0x50000, s2  }
0x8: {  	s29 =	sshll.u32 s13, $0x4;
	s18 =	sshll.u32 s2, $0x4;
	s19 =	sshll.u32 s13, $0x8  }
0x9: {  	s28 =	sshrl.u32 s26, $0x1;
	s24 =	sor.u32 s2, s29;
	s11 =	sor.u32 $0x9C00, s18  }
0xa: {  	s31 =	sadd.s32 s19, s14;
	s19 =	sadd.s32 s19, s15;
	s6 =	sadd.s32 s7, s6  }
0xb: {  	s17 =	ssub.s32 s26, s28;
	s30 =	sshrl.u32 s8, $0x2;
	s10 =	sadd.s32 s14, s11  }
0xc: {  	s11 =	sadd.s32 s15, s11;
	s15 =	sadd.s32 s18, s31;
	p0 =	sgt.u32 s24, $0x3  }
0xd: {  	s24 =	simm.s32 $0x0;
	s6 =	sshrl.u32 s6, $0x3;
	s14 =	smax.u32 s17, $0x1  }
0xe: {  	s17 =	simm.s32 $0x14000;
	s16 =	sadd.s32 s6, s5;
	s5 =	sadd.s32 s30, s1  }
0xf: {  	s6 =	sadd.s32 $0x4000, s5;
	s7 =	sadd.s32 $0x8000, s5;
	s8 =	sadd.s32 $0xC000, s5  }
0x10: {  	s9 =	sadd.s32 $0x10000, s5;
	s12 =	sadd.s32 $0x8AC00, s16;
	s13 =	sadd.s32 $0xB2C00, s16  }
0x11: {  	v0 =	vimm.f32 $0.0e+00;
	s16 =	sadd.s32 s18, s19;
	s18 =	simm.s32 $0x2;
	s19 =	simm.s32 $0x18000  }
.LBB2_1:
0x12: {  	s25 =	simm.s32 $0x0;
	s26 =	simm.s32 $0x200  }
.LBB2_2:
0x13: {  	p1 =	sne.s32 s26, $0xFE00;
	[tilespmem:s25+$0x14070] =	vst v0  }
0x14: {  	[tilespmem:s25+$0x14000] =	vst v0  }
0x15: {  	[tilespmem:s25+$0x14010] =	vst v0  }
.Ltmp0:
0x16: {  	[tilespmem:s25+$0x14020] =	vst v0;
	(pc) =	sbr.rel @p1 .LBB2_2-.Ltmp0, $4  }
0x17: {  	[tilespmem:s25+$0x14030] =	vst v0  }
0x18: {  	[tilespmem:s25+$0x14040] =	vst v0  }
0x19: {  	[tilespmem:s25+$0x14050] =	vst v0  }
0x1a: {  	[tilespmem:s25+$0x14060] =	vst v0;
	s25 =	sshra.s32 s26, $0x2;
	s26 =	sadd.s32 $0x200, s26  }
0x1b: {  	[tilespmem:s25+$0x14070] =	vst v0  }
0x1c: {  	[tilespmem:s25+$0x14000] =	vst v0  }
0x1d: {  	[tilespmem:s25+$0x14010] =	vst v0  }
0x1e: {  	[tilespmem:s25+$0x14020] =	vst v0  }
0x1f: {  	[tilespmem:s25+$0x14030] =	vst v0  }
0x20: {  	[tilespmem:s25+$0x14040] =	vst v0  }
0x21: {  	[tilespmem:s25+$0x14050] =	vst v0  }
0x22: {  	[tilespmem:s25+$0x14060] =	vst v0  }
0x23: {  	[spmem:s5] =	stream.linear.scatter [tilespmem:s17], [sflag:$0x2], $0x4000, $0x38;
	[tilespmem:$0x1C100] =	vst v63  }
0x24: {  	_ =	swait.ge [sflag:s18], $0x4000  }
0x25: {  	[sflag:s18] =	ssyncset.done $0x0  }
0x26: {  	[sflag:s18] =	ssyncadd.s32 $0xFFFFC000  }
0x27: {  	[spmem:s6] =	stream.linear.scatter [tilespmem:s17], [sflag:$0x2], $0x4000, $0x38;
	[tilespmem:$0x1C100] =	vst v63  }
0x28: {  	_ =	swait.ge [sflag:s18], $0x4000  }
0x29: {  	[sflag:s18] =	ssyncset.done $0x0  }
0x2a: {  	[sflag:s18] =	ssyncadd.s32 $0xFFFFC000  }
0x2b: {  	[spmem:s7] =	stream.linear.scatter [tilespmem:s17], [sflag:$0x2], $0x4000, $0x38;
	[tilespmem:$0x1C100] =	vst v63  }
0x2c: {  	_ =	swait.ge [sflag:s18], $0x4000  }
0x2d: {  	[sflag:s18] =	ssyncset.done $0x0  }
0x2e: {  	[sflag:s18] =	ssyncadd.s32 $0xFFFFC000  }
0x2f: {  	[spmem:s8] =	stream.linear.scatter [tilespmem:s17], [sflag:$0x2], $0x4000, $0x38;
	[tilespmem:$0x1C100] =	vst v63  }
0x30: {  	_ =	swait.ge [sflag:s18], $0x4000  }
0x31: {  	[sflag:s18] =	ssyncset.done $0x0  }
0x32: {  	[sflag:s18] =	ssyncadd.s32 $0xFFFFC000  }
0x33: {  	[spmem:s9] =	stream.linear.scatter [tilespmem:s17], [sflag:$0x2], $0x4000, $0x38;
	[tilespmem:$0x1C100] =	vst v63  }
0x34: {  	_ =	swait.ge [sflag:s18], $0x4000  }
0x35: {  	[sflag:s18] =	ssyncset.done $0x0  }
0x36: {  	[sflag:s18] =	ssyncadd.s32 $0xFFFFC000  }
0x37: {  	s30 =	sadd.s32 $0x0, s15;
	[bflag:$0x0] =	sbarrier.arrive $0xFFFF  }
0x38: {  	[tilespmem:s19], [sflag:$0x2] =	stream.linear.gather [hbm4b:s30+s3], $0x80, $0x38;
	[tilespmem:$0x1C100] =	vst v63  }
0x39: {  	_ =	swait.ge [sflag:s18], $0x80  }
0x3a: {  	[sflag:s18] =	ssyncset.done $0x0  }
0x3b: {  	s31 =	sadd.s32 $0x0, s16;
	[sflag:s18] =	ssyncadd.s32 $0xFFFFFF80  }
0x3c: {  	[tilespmem:s20], [sflag:$0x2] =	stream.linear.gather [hbm4b:s31+s3], $0x80, $0x38;
	[tilespmem:$0x1C100] =	vst v63  }
0x3d: {  	_ =	swait.ge [sflag:s18], $0x80  }
0x3e: {  	[sflag:s18] =	ssyncset.done $0x0  }
0x3f: {  	[sflag:s18] =	ssyncadd.s32 $0xFFFFFF80  }
0x40: {  	[tilespmem:s22], [sflag:$0x1] =	stream.indirect.gather [hbm4b:s4+s21], $0x80, s19, s21, $0xb8;
	[tilespmem:$0x1C100] =	vst v63  }
0x41: {  	_ =	swait.ge [sflag:s23], $0x4000  }
0x42: {  	[sflag:s23] =	ssyncset.done $0x0  }
0x43: {  	[sflag:s23] =	ssyncadd.s32 $0xFFFFC000  }
0x44: {  	[spmem:s1] =	stream.indirect.scatter.add.f32 [tilespmem:s22], [sflag:$0x2], $0x80, s20, s21, $0xb8;
	[tilespmem:$0x1C100] =	vst v63  }
0x45: {  	_ =	swait.ge [sflag:s18], $0x4000  }
0x46: {  	s25 =	simm.s32 $0x200;
	s26 =	simm.s32 $0x400;
	[sflag:s18] =	ssyncset.done $0x0  }
.LBB2_4:
0x47: {  	s28 =	sadd.s32 s25, s15  }
0x48: {  	[sflag:s18] =	ssyncadd.s32 $0xFFFFC000;
	s29 =	smov.u32 s26;
	s30 =	sadd.s32 $0x200, s26  }
0x49: {  	[tilespmem:s19], [sflag:$0x2] =	stream.linear.gather [hbm4b:s28+s3], $0x80, $0x38;
	[tilespmem:$0x1C100] =	vst v63  }
0x4a: {  	p1 =	sne.s32 s26, $0x9A00;
	_ =	swait.ge [sflag:s18], $0x80  }
0x4b: {  	[sflag:s18] =	ssyncset.done $0x0  }
0x4c: {  	s26 =	sadd.s32 s25, s16;
	s25 =	smov.u32 s29;
	[sflag:s18] =	ssyncadd.s32 $0xFFFFFF80  }
0x4d: {  	[tilespmem:s20], [sflag:$0x2] =	stream.linear.gather [hbm4b:s26+s3], $0x80, $0x38;
	[tilespmem:$0x1C100] =	vst v63  }
0x4e: {  	_ =	swait.ge [sflag:s18], $0x80  }
0x4f: {  	[sflag:s18] =	ssyncset.done $0x0  }
0x50: {  	[sflag:s18] =	ssyncadd.s32 $0xFFFFFF80  }
0x51: {  	[tilespmem:s22], [sflag:$0x1] =	stream.indirect.gather [hbm4b:s4+s21], $0x80, s19, s21, $0xb8;
	[tilespmem:$0x1C100] =	vst v63  }
0x52: {  	_ =	swait.ge [sflag:s23], $0x4000  }
.Ltmp1:
0x53: {  	[sflag:s23] =	ssyncset.done $0x0;
	(pc) =	sbr.rel @p1 .LBB2_4-.Ltmp1, $4  }
0x54: {  	[sflag:s23] =	ssyncadd.s32 $0xFFFFC000  }
0x55: {  	[spmem:s1] =	stream.indirect.scatter.add.f32 [tilespmem:s22], [sflag:$0x2], $0x80, s20, s21, $0xb8;
	[tilespmem:$0x1C100] =	vst v63  }
0x56: {  	_ =	swait.ge [sflag:s18], $0x4000  }
0x57: {  	s26 =	smov.u32 s30;
	[sflag:s18] =	ssyncset.done $0x0  }
0x58: {  	s26 =	sadd.s32 s25, s15;
	[sflag:s18] =	ssyncadd.s32 $0xFFFFC000  }
0x59: {  	[tilespmem:s19], [sflag:$0x2] =	stream.linear.gather [hbm4b:s26+s3], $0x80, $0x38;
	[tilespmem:$0x1C100] =	vst v63  }
0x5a: {  	_ =	swait.ge [sflag:s18], $0x80  }
0x5b: {  	[sflag:s18] =	ssyncset.done $0x0  }
0x5c: {  	s30 =	sadd.s32 s25, s16;
	[sflag:s18] =	ssyncadd.s32 $0xFFFFFF80  }
0x5d: {  	[tilespmem:s20], [sflag:$0x2] =	stream.linear.gather [hbm4b:s30+s3], $0x80, $0x38;
	[tilespmem:$0x1C100] =	vst v63  }
0x5e: {  	_ =	swait.ge [sflag:s18], $0x80  }
0x5f: {  	[sflag:s18] =	ssyncset.done $0x0  }
0x60: {  	[sflag:s18] =	ssyncadd.s32 $0xFFFFFF80  }
0x61: {  	[tilespmem:s22], [sflag:$0x1] =	stream.indirect.gather [hbm4b:s4+s21], $0x80, s19, s21, $0xb8;
	[tilespmem:$0x1C100] =	vst v63  }
0x62: {  	_ =	swait.ge [sflag:s23], $0x4000  }
0x63: {  	[sflag:s23] =	ssyncset.done $0x0  }
0x64: {  	[sflag:s23] =	ssyncadd.s32 $0xFFFFC000  }
0x65: {  	[spmem:s1] =	stream.indirect.scatter.add.f32 [tilespmem:s22], [sflag:$0x2], $0x80, s20, s21, $0xb8;
	[tilespmem:$0x1C100] =	vst v63  }
0x66: {  	_ =	swait.ge [sflag:s18], $0x4000  }
0x67: {  	s25 =	simm.s32 @!p0 $0x0;
	[sflag:s18] =	ssyncset.done $0x0  }
0x68: {  	s28 =	simm.s32 @!p0 $0x2;
	s26 =	simm.s32 @!p0 $0x18000;
	[sflag:s18] =	ssyncadd.s32 $0xFFFFC000  }
0x69: {  	[tilespmem:s26], [sflag:$0x2] =	stream.linear.gather @!p0 [hbm4b:s10+s25], $0x80, $0x38;
	[tilespmem:$0x1C100] =	vst v63  }
0x6a: {  	_ =	swait.ge @!p0 [sflag:s28], $0x80  }
0x6b: {  	[sflag:s28] =	ssyncset.done @!p0 $0x0  }
0x6c: {  	s29 =	simm.s32 @!p0 $0x18080;
	[sflag:s28] =	ssyncadd.s32 @!p0 $0xFFFFFF80  }
0x6d: {  	[tilespmem:s29], [sflag:$0x2] =	stream.linear.gather @!p0 [hbm4b:s11+s25], $0x80, $0x38;
	[tilespmem:$0x1C100] =	vst v63  }
0x6e: {  	_ =	swait.ge @!p0 [sflag:s28], $0x80  }
0x6f: {  	[sflag:s28] =	ssyncset.done @!p0 $0x0  }
0x70: {  	s30 =	simm.s32 @!p0 $0x18100;
	s25 =	simm.s32 @!p0 $0x80;
	[sflag:s28] =	ssyncadd.s32 @!p0 $0xFFFFFF80  }
0x71: {  	[tilespmem:s30], [sflag:$0x1] =	stream.indirect.gather @!p0 [hbm4b:s4+s25], $0x80, s26, s25, $0xb8;
	[tilespmem:$0x1C100] =	vst v63  }
0x72: {  	s26 =	simm.s32 @!p0 $0x1  }
0x73: {  	_ =	swait.ge @!p0 [sflag:s26], $0x4000  }
0x74: {  	[sflag:s26] =	ssyncset.done @!p0 $0x0  }
0x75: {  	[sflag:s26] =	ssyncadd.s32 @!p0 $0xFFFFC000  }
0x76: {  	[spmem:s1] =	stream.indirect.scatter.add.f32 @!p0 [tilespmem:s30], [sflag:$0x2], $0x80, s29, s25, $0xb8;
	[tilespmem:$0x1C100] =	vst v63  }
0x77: {  	_ =	swait.ge @!p0 [sflag:s28], $0x4000  }
0x78: {  	[sflag:s28] =	ssyncset.done @!p0 $0x0  }
0x79: {  	s31 =	sshll.u32 s2, $0x6;
	[sflag:s28] =	ssyncadd.s32 @!p0 $0xFFFFC000  }
0x7a: {  	s26 =	sshrl.u32 s5, $0x3;
	s25 =	sor.u32 $0x1C02, s31;
	[bflag:$0x0] =	sbarrier.arrive $0xFFFF  }
0x7b: {  	[hbm:s12], [sflag:s25] =	dma.local [spmem:s26], $0x2800  }
0x7c: {  	_ =	swait.ge [sflag:s18], $0x2800  }
0x7d: {  	[sflag:s18] =	ssyncset.done $0x0  }
0x7e: {  	[sflag:s18] =	ssyncadd.s32 $0xFFFFD800  }
0x7f: {  	[bflag:$0x0] =	sbarrier.arrive $0xFFFF  }
0x80: {  	[spmem:s5] =	stream.linear.scatter [tilespmem:s17], [sflag:$0x2], $0x4000, $0x38;
	[tilespmem:$0x1C100] =	vst v63  }
0x81: {  	_ =	swait.ge [sflag:s18], $0x4000  }
0x82: {  	[sflag:s18] =	ssyncset.done $0x0  }
0x83: {  	[sflag:s18] =	ssyncadd.s32 $0xFFFFC000  }
0x84: {  	[spmem:s6] =	stream.linear.scatter [tilespmem:s17], [sflag:$0x2], $0x4000, $0x38;
	[tilespmem:$0x1C100] =	vst v63  }
0x85: {  	_ =	swait.ge [sflag:s18], $0x4000  }
0x86: {  	[sflag:s18] =	ssyncset.done $0x0  }
0x87: {  	[sflag:s18] =	ssyncadd.s32 $0xFFFFC000  }
0x88: {  	[spmem:s7] =	stream.linear.scatter [tilespmem:s17], [sflag:$0x2], $0x4000, $0x38;
	[tilespmem:$0x1C100] =	vst v63  }
0x89: {  	_ =	swait.ge [sflag:s18], $0x4000  }
0x8a: {  	[sflag:s18] =	ssyncset.done $0x0  }
0x8b: {  	[sflag:s18] =	ssyncadd.s32 $0xFFFFC000  }
0x8c: {  	[spmem:s8] =	stream.linear.scatter [tilespmem:s17], [sflag:$0x2], $0x4000, $0x38;
	[tilespmem:$0x1C100] =	vst v63  }
0x8d: {  	_ =	swait.ge [sflag:s18], $0x4000  }
0x8e: {  	[sflag:s18] =	ssyncset.done $0x0  }
0x8f: {  	[sflag:s18] =	ssyncadd.s32 $0xFFFFC000  }
0x90: {  	[spmem:s9] =	stream.linear.scatter [tilespmem:s17], [sflag:$0x2], $0x4000, $0x38;
	[tilespmem:$0x1C100] =	vst v63  }
0x91: {  	_ =	swait.ge [sflag:s18], $0x4000  }
0x92: {  	[sflag:s18] =	ssyncset.done $0x0  }
0x93: {  	[sflag:s18] =	ssyncadd.s32 $0xFFFFC000  }
0x94: {  	s28 =	sadd.s32 $0x0, s16;
	[bflag:$0x0] =	sbarrier.arrive $0xFFFF  }
0x95: {  	[tilespmem:s19], [sflag:$0x2] =	stream.linear.gather [hbm4b:s28+s3], $0x80, $0x38;
	[tilespmem:$0x1C100] =	vst v63  }
0x96: {  	_ =	swait.ge [sflag:s18], $0x80  }
0x97: {  	[sflag:s18] =	ssyncset.done $0x0  }
0x98: {  	s28 =	sadd.s32 $0x0, s15;
	[sflag:s18] =	ssyncadd.s32 $0xFFFFFF80  }
0x99: {  	[tilespmem:s20], [sflag:$0x2] =	stream.linear.gather [hbm4b:s28+s3], $0x80, $0x38;
	[tilespmem:$0x1C100] =	vst v63  }
0x9a: {  	_ =	swait.ge [sflag:s18], $0x80  }
0x9b: {  	[sflag:s18] =	ssyncset.done $0x0  }
0x9c: {  	[sflag:s18] =	ssyncadd.s32 $0xFFFFFF80  }
0x9d: {  	[tilespmem:s22], [sflag:$0x1] =	stream.indirect.gather [hbm4b:s4+s21], $0x80, s19, s21, $0xb8;
	[tilespmem:$0x1C100] =	vst v63  }
0x9e: {  	_ =	swait.ge [sflag:s23], $0x4000  }
0x9f: {  	[sflag:s23] =	ssyncset.done $0x0  }
0xa0: {  	[sflag:s23] =	ssyncadd.s32 $0xFFFFC000  }
0xa1: {  	[spmem:s1] =	stream.indirect.scatter.add.f32 [tilespmem:s22], [sflag:$0x2], $0x80, s20, s21, $0xb8;
	[tilespmem:$0x1C100] =	vst v63  }
0xa2: {  	_ =	swait.ge [sflag:s18], $0x4000  }
0xa3: {  	s29 =	simm.s32 $0x400;
	s28 =	simm.s32 $0x200;
	[sflag:s18] =	ssyncset.done $0x0  }
.LBB2_6:
0xa4: {  	s30 =	sadd.s32 s28, s16  }
0xa5: {  	[sflag:s18] =	ssyncadd.s32 $0xFFFFC000;
	s31 =	smov.u32 s29;
	s0 =	sadd.s32 $0x200, s29  }
0xa6: {  	[tilespmem:s19], [sflag:$0x2] =	stream.linear.gather [hbm4b:s30+s3], $0x80, $0x38;
	[tilespmem:$0x1C100] =	vst v63  }
0xa7: {  	p1 =	sne.s32 s29, $0x9A00;
	_ =	swait.ge [sflag:s18], $0x80  }
0xa8: {  	[sflag:s18] =	ssyncset.done $0x0  }
0xa9: {  	s29 =	sadd.s32 s28, s15;
	s28 =	smov.u32 s31;
	[sflag:s18] =	ssyncadd.s32 $0xFFFFFF80  }
0xaa: {  	[tilespmem:s20], [sflag:$0x2] =	stream.linear.gather [hbm4b:s29+s3], $0x80, $0x38;
	[tilespmem:$0x1C100] =	vst v63  }
0xab: {  	_ =	swait.ge [sflag:s18], $0x80  }
0xac: {  	[sflag:s18] =	ssyncset.done $0x0  }
0xad: {  	[sflag:s18] =	ssyncadd.s32 $0xFFFFFF80  }
0xae: {  	[tilespmem:s22], [sflag:$0x1] =	stream.indirect.gather [hbm4b:s4+s21], $0x80, s19, s21, $0xb8;
	[tilespmem:$0x1C100] =	vst v63  }
0xaf: {  	_ =	swait.ge [sflag:s23], $0x4000  }
.Ltmp2:
0xb0: {  	[sflag:s23] =	ssyncset.done $0x0;
	(pc) =	sbr.rel @p1 .LBB2_6-.Ltmp2, $4  }
0xb1: {  	[sflag:s23] =	ssyncadd.s32 $0xFFFFC000  }
0xb2: {  	[spmem:s1] =	stream.indirect.scatter.add.f32 [tilespmem:s22], [sflag:$0x2], $0x80, s20, s21, $0xb8;
	[tilespmem:$0x1C100] =	vst v63  }
0xb3: {  	_ =	swait.ge [sflag:s18], $0x4000  }
0xb4: {  	s29 =	smov.u32 s0;
	[sflag:s18] =	ssyncset.done $0x0  }
0xb5: {  	s0 =	sadd.s32 s28, s16;
	[sflag:s18] =	ssyncadd.s32 $0xFFFFC000  }
0xb6: {  	[tilespmem:s19], [sflag:$0x2] =	stream.linear.gather [hbm4b:s0+s3], $0x80, $0x38;
	[tilespmem:$0x1C100] =	vst v63  }
0xb7: {  	_ =	swait.ge [sflag:s18], $0x80  }
0xb8: {  	[sflag:s18] =	ssyncset.done $0x0  }
0xb9: {  	s31 =	sadd.s32 s28, s15;
	[sflag:s18] =	ssyncadd.s32 $0xFFFFFF80  }
0xba: {  	[tilespmem:s20], [sflag:$0x2] =	stream.linear.gather [hbm4b:s31+s3], $0x80, $0x38;
	[tilespmem:$0x1C100] =	vst v63  }
0xbb: {  	_ =	swait.ge [sflag:s18], $0x80  }
0xbc: {  	[sflag:s18] =	ssyncset.done $0x0  }
0xbd: {  	[sflag:s18] =	ssyncadd.s32 $0xFFFFFF80  }
0xbe: {  	[tilespmem:s22], [sflag:$0x1] =	stream.indirect.gather [hbm4b:s4+s21], $0x80, s19, s21, $0xb8;
	[tilespmem:$0x1C100] =	vst v63  }
0xbf: {  	_ =	swait.ge [sflag:s23], $0x4000  }
0xc0: {  	[sflag:s23] =	ssyncset.done $0x0  }
0xc1: {  	[sflag:s23] =	ssyncadd.s32 $0xFFFFC000  }
0xc2: {  	[spmem:s1] =	stream.indirect.scatter.add.f32 [tilespmem:s22], [sflag:$0x2], $0x80, s20, s21, $0xb8;
	[tilespmem:$0x1C100] =	vst v63  }
0xc3: {  	_ =	swait.ge [sflag:s18], $0x4000  }
0xc4: {  	s28 =	simm.s32 @!p0 $0x18000;
	[sflag:s18] =	ssyncset.done $0x0  }
0xc5: {  	s29 =	simm.s32 @!p0 $0x2;
	s0 =	simm.s32 @!p0 $0x0;
	[sflag:s18] =	ssyncadd.s32 $0xFFFFC000  }
0xc6: {  	[tilespmem:s28], [sflag:$0x2] =	stream.linear.gather @!p0 [hbm4b:s11+s0], $0x80, $0x38;
	[tilespmem:$0x1C100] =	vst v63  }
0xc7: {  	_ =	swait.ge @!p0 [sflag:s29], $0x80  }
0xc8: {  	[sflag:s29] =	ssyncset.done @!p0 $0x0  }
0xc9: {  	s30 =	simm.s32 @!p0 $0x18080;
	[sflag:s29] =	ssyncadd.s32 @!p0 $0xFFFFFF80  }
0xca: {  	[tilespmem:s30], [sflag:$0x2] =	stream.linear.gather @!p0 [hbm4b:s10+s0], $0x80, $0x38;
	[tilespmem:$0x1C100] =	vst v63  }
0xcb: {  	_ =	swait.ge @!p0 [sflag:s29], $0x80  }
0xcc: {  	[sflag:s29] =	ssyncset.done @!p0 $0x0  }
0xcd: {  	s31 =	simm.s32 @!p0 $0x18100;
	s0 =	simm.s32 @!p0 $0x80;
	[sflag:s29] =	ssyncadd.s32 @!p0 $0xFFFFFF80  }
0xce: {  	[tilespmem:s31], [sflag:$0x1] =	stream.indirect.gather @!p0 [hbm4b:s4+s0], $0x80, s28, s0, $0xb8;
	[tilespmem:$0x1C100] =	vst v63  }
0xcf: {  	s28 =	simm.s32 @!p0 $0x1  }
0xd0: {  	_ =	swait.ge @!p0 [sflag:s28], $0x4000  }
0xd1: {  	[sflag:s28] =	ssyncset.done @!p0 $0x0  }
0xd2: {  	[sflag:s28] =	ssyncadd.s32 @!p0 $0xFFFFC000  }
0xd3: {  	[spmem:s1] =	stream.indirect.scatter.add.f32 @!p0 [tilespmem:s31], [sflag:$0x2], $0x80, s30, s0, $0xb8;
	[tilespmem:$0x1C100] =	vst v63  }
0xd4: {  	_ =	swait.ge @!p0 [sflag:s29], $0x4000  }
0xd5: {  	[sflag:s29] =	ssyncset.done @!p0 $0x0  }
0xd6: {  	s24 =	sadd.s32 $0x1, s24;
	[sflag:s29] =	ssyncadd.s32 @!p0 $0xFFFFC000  }
0xd7: {  	p1 =	sne.s32 s24, s14;
	[bflag:$0x0] =	sbarrier.arrive $0xFFFF  }
0xd8: {  	[hbm:s13], [sflag:s25] =	dma.local [spmem:s26], $0x2800  }
.Ltmp3:
0xd9: {  	_ =	swait.ge [sflag:s18], $0x2800;
	(pc) =	sbr.rel @p1 .LBB2_1-.Ltmp3, $3  }
0xda: {  	[sflag:s18] =	ssyncset.done $0x0  }
0xdb: {  	[sflag:s18] =	ssyncadd.s32 $0xFFFFD800  }
0xdc: {  	[bflag:$0x0] =	sbarrier.arrive $0xFFFF;
	_ =	sdelay $0x1  }
0xdd: {  	_ =	sfence.sel $0x180000  }
0xde: {  	[bflag:$0x0] =	sbarrier.arrive $0xFFFF  }
0xdf: {  	_ =	strace $0x9000004D  }
0xe0: {  	[bflag:$0x2] =	sbarrier.arrive $0xFFFF  }
0xe1: {  	p0 =	sne.s32 s2, $0x0;
	s0 =	rddreg [dreg:$0x2]  }
0xe2: {  	s0 =	sadd.s32 @!p0 $0x100000, s0  }
0xe3: {  	[sflag:s0] =	ssyncadd.tile.s32 @!p0 $0x1;
	_ =	shalt  }
.Lfunc_end2:
_tile_overlayer_lowered:
.L_overlay_start_2:
0xe4: {  	(tag) =	ssettag $0x2  }
0xe5: {  	s0 =	rddreg [dreg:$0x0];
	s2 =	stileid.u32  }
0xe6: {  	s1 =	rddreg [dreg:$0x1];
	p0 =	sne.s32 s2, $0x0  }
0xe7: {  	s3 =	rddreg [dreg:$0x2];
	[bflag:$0x3] =	sbarrier.arrive $0xFFFF;
	s2 =	simm.s32 @!p0 $0x1C02  }
0xe8: {  	[timem:s3], [sflag:s2] =	dma.local @!p0 [hbm:s0], s1  }
0xe9: {  	s0 =	simm.s32 @!p0 $0x2  }
0xea: {  	_ =	swait.ge @!p0 [sflag:s0], s1  }
0xeb: {  	s1 =	ssub.s32 @!p0 $0x0, s1;
	[sflag:s0] =	ssyncset.done @!p0 $0x0  }
0xec: {  	[sflag:s0] =	ssyncadd.s32 @!p0 s1  }
0xed: {  	[bflag:$0x3] =	sbarrier.arrive $0xFFFF  }
0xee: {  	_ =	shalt  }

</sc_bundles>
